<compile_context>
chip_gen: v7x
topology: tpu7x:2x2x1
jax: 0.10.2.dev20260603
libtpu: 0.0.44.dev20260713+nightly
codegen_flags: <defaults>
</compile_context>

<pallas_src>
import functools

import jax
import jax.numpy as jnp
from jax import lax
from jax.experimental import pallas as pl
from jax.experimental.pallas import tpu as pltpu
from jax.experimental.pallas import tpu_sc as plsc

_NC = 2
_NS = 16
_NW = _NC * _NS
_L = 16

_B = 1024
_ROW = 512 * 128
_TOTAL = _B * _ROW
_PER_W = _TOTAL // _NW
_CHUNK = 8192
_CPR = _ROW // _CHUNK
_RPW = _B // _NW
_NCH = _PER_W // _CHUNK
_NB = 4
_KPF = 2
_NG = _NCH // _NB


def _sc_body(x_hbm, t_hbm, o_hbm,
             mb0, mb1, mb2, mb3, tb0, tb1, tb2, tb3,
             sx0, sx1, sx2, sx3, st0, st1, st2, st3,
             so0, so1, so2, so3):
    cid = lax.axis_index("c")
    sid = lax.axis_index("s")
    wid = sid * _NC + cid
    base = wid * _PER_W
    row0 = wid * _RPW

    mbs = (mb0, mb1, mb2, mb3)
    tbs = (tb0, tb1, tb2, tb3)
    sxs = (sx0, sx1, sx2, sx3)
    sts = (st0, st1, st2, st3)
    sos = (so0, so1, so2, so3)

    def x_copy(c, b):
        off = base + c * _CHUNK
        return pltpu.make_async_copy(x_hbm.at[pl.ds(off, _CHUNK)], mbs[b], sxs[b])

    def t_copy(c, b):
        row = row0 + c // _CPR
        k0 = (c % _CPR) * _CHUNK
        return pltpu.make_async_copy(t_hbm.at[row, pl.ds(k0, _CHUNK)], tbs[b], sts[b])

    def out_copy(c, b):
        off = base + c * _CHUNK
        return pltpu.make_async_copy(mbs[b], o_hbm.at[pl.ds(off, _CHUNK)], sos[b])

    def add_chunk(mb, tb):
        def it(i, carry):
            s = pl.ds(i * _L, _L)
            plsc.addupdate(mb.at[s], tb[s])
            return carry
        lax.fori_loop(0, _CHUNK // _L, it, 0, unroll=16)

    for c in range(_KPF):
        x_copy(c, c).start()
    for c in range(_NB):
        t_copy(c, c).start()

    def group(g, carry):
        for b in range(_NB):
            c = g * _NB + b

            cn = c + _KPF
            bn = (b + _KPF) % _NB

            @pl.when(cn < _NCH)
            def _():
                @pl.when(cn >= _NB)
                def _():
                    out_copy(cn - _NB, bn).wait()
                x_copy(cn, bn).start()

            x_copy(c, b).wait()
            t_copy(c, b).wait()
            add_chunk(mbs[b], tbs[b])
            out_copy(c, b).start()
            t_copy(c + _NB, b).start()

        return carry

    lax.fori_loop(0, _NG - 1, group, 0)

    for b in range(_NB):
        c = (_NG - 1) * _NB + b
        x_copy(c, b).wait()
        t_copy(c, b).wait()
        add_chunk(mbs[b], tbs[b])
        out_copy(c, b).start()
        cn = c + _KPF
        if cn < _NCH:
            bn = cn % _NB
            out_copy(cn - _NB, bn).wait()
            x_copy(cn, bn).start()

    for b in range(_NB):
        out_copy(_NCH - _NB + b, b).wait()


def _mk_scratch():
    return (
        [pltpu.VMEM((_CHUNK,), jnp.float32) for _ in range(2 * _NB)]
        + [pltpu.SemaphoreType.DMA for _ in range(3 * _NB)]
    )


_sc_add = functools.partial(
    pl.kernel,
    out_type=jax.ShapeDtypeStruct((_TOTAL,), jnp.float32),
    mesh=plsc.VectorSubcoreMesh(core_axis_name="c", subcore_axis_name="s"),
    scratch_types=_mk_scratch(),
)(_sc_body)


def kernel(x, table):
    B, N, D = x.shape
    out = _sc_add(x.reshape(_TOTAL), table)
    return out.reshape(B, N, D)

# --- scband reference (transcript-rebuilt; emitter-appended) ---
"""Pipeline reference for scband-positional-encoding-auto-61392262529324 (READ-ONLY COPY).

The authoritative reference and input builder live on the scoring server;
editing this copy changes nothing except your own understanding.
"""

import jax, jax.numpy as jnp
import numpy as np

NB_NODE = 512
INPUT_DIM = 128
BATCH_SIZE = 1024


def setup_inputs(seed: int = 0) -> dict:
    key = jax.random.key(seed)
    k1, k2 = jax.random.split(key)
    x = jax.random.normal(k1, (BATCH_SIZE, NB_NODE, INPUT_DIM), dtype=jnp.float32)
    # learned positional embedding table: [batch_size, nb_node * input_dim]
    table = jax.random.normal(k2, (BATCH_SIZE, NB_NODE * INPUT_DIM), dtype=jnp.float32) * 0.02
    return {"x": x, "table": table}


def reference(x, table):
    # idx = arange(batch_len); pe = Embedding(idx).view(B, n, dim); out = dropout(x + pe)
    # dropout p = 0.0 -> identity
    batch_len = x.shape[0]
    idx = jnp.arange(batch_len, dtype=jnp.int32)
    pe = jnp.take(table, idx, axis=0).reshape(batch_len, NB_NODE, INPUT_DIM)
    return x + pe

if __name__ == "__main__":
    import jax
    _d = setup_inputs()
    print(jax.jit(kernel)(*tuple(_d.values())))

</pallas_src>

<mosaic_0001>
#map = affine_map<(d0, d1) -> (0)>
#map1 = affine_map<(d0, d1) -> (0, 0)>
module attributes {stable_mosaic.version = 14 : i64} {
  func.func @_sc_body(%arg0: i32, %arg1: i32, %arg2: memref<67108864xf32, #tpu.memory_space<hbm>>, %arg3: memref<1024x65536xf32, #tpu.memory_space<hbm>>, %arg4: memref<67108864xf32, #tpu.memory_space<hbm>>, %arg5: memref<8192xf32, #tpu.memory_space<vmem>>, %arg6: memref<8192xf32, #tpu.memory_space<vmem>>, %arg7: memref<8192xf32, #tpu.memory_space<vmem>>, %arg8: memref<8192xf32, #tpu.memory_space<vmem>>, %arg9: memref<8192xf32, #tpu.memory_space<vmem>>, %arg10: memref<8192xf32, #tpu.memory_space<vmem>>, %arg11: memref<8192xf32, #tpu.memory_space<vmem>>, %arg12: memref<8192xf32, #tpu.memory_space<vmem>>, %arg13: memref<!tpu.dma_semaphore, #tpu.memory_space<semaphore_mem>>, %arg14: memref<!tpu.dma_semaphore, #tpu.memory_space<semaphore_mem>>, %arg15: memref<!tpu.dma_semaphore, #tpu.memory_space<semaphore_mem>>, %arg16: memref<!tpu.dma_semaphore, #tpu.memory_space<semaphore_mem>>, %arg17: memref<!tpu.dma_semaphore, #tpu.memory_space<semaphore_mem>>, %arg18: memref<!tpu.dma_semaphore, #tpu.memory_space<semaphore_mem>>, %arg19: memref<!tpu.dma_semaphore, #tpu.memory_space<semaphore_mem>>, %arg20: memref<!tpu.dma_semaphore, #tpu.memory_space<semaphore_mem>>, %arg21: memref<!tpu.dma_semaphore, #tpu.memory_space<semaphore_mem>>, %arg22: memref<!tpu.dma_semaphore, #tpu.memory_space<semaphore_mem>>, %arg23: memref<!tpu.dma_semaphore, #tpu.memory_space<semaphore_mem>>, %arg24: memref<!tpu.dma_semaphore, #tpu.memory_space<semaphore_mem>>) attributes {dimension_semantics = [#tpu.dimension_semantics<core_parallel>, #tpu.dimension_semantics<subcore_parallel>], iteration_bounds = array<i64: 2, 16>, scalar_prefetch = 0 : i64, scratch_operands = 20 : i64, tpu.core_type = #tpu.core_type<sc_vector_subcore>, window_params = [{transform_indices = #map}, {transform_indices = #map1}, {transform_indices = #map}]} {
    %mul3A = arith.constant 2 : i32
    %mul3A_0 = arith.muli %arg1, %mul3A : i32
    %add3A = arith.addi %mul3A_0, %arg0 : i32
    %mul3A_1 = arith.constant 2097152 : i32
    %mul3A_2 = arith.muli %add3A, %mul3A_1 : i32
    %mul3A_3 = arith.constant 32 : i32
    %mul3A_4 = arith.muli %add3A, %mul3A_3 : i32
    %add3A_5 = arith.constant 0 : i32
    %add3A_6 = arith.addi %mul3A_2, %add3A_5 : i32
    %dma_start3A = tpu.memref_slice %arg2[%add3A_6] : memref<67108864xf32, #tpu.memory_space<hbm>> -> memref<8192xf32, #tpu.memory_space<hbm>>
    %dma_start3A_7 = tpu.memref_slice %arg2[%add3A_6] : memref<67108864xf32, #tpu.memory_space<hbm>> -> memref<8192xf32, #tpu.memory_space<hbm>>
    tpu.enqueue_dma source(%dma_start3A_7 : memref<8192xf32, #tpu.memory_space<hbm>>) target(%arg5 : memref<8192xf32, #tpu.memory_space<vmem>>) target_semaphore(%arg13 : memref<!tpu.dma_semaphore, #tpu.memory_space<semaphore_mem>>)
    %add3A_8 = arith.constant 8192 : i32
    %add3A_9 = arith.addi %mul3A_2, %add3A_8 : i32
    %dma_start3A_10 = tpu.memref_slice %arg2[%add3A_9] : memref<67108864xf32, #tpu.memory_space<hbm>> -> memref<8192xf32, #tpu.memory_space<hbm>>
    %dma_start3A_11 = tpu.memref_slice %arg2[%add3A_9] : memref<67108864xf32, #tpu.memory_space<hbm>> -> memref<8192xf32, #tpu.memory_space<hbm>>
    tpu.enqueue_dma source(%dma_start3A_11 : memref<8192xf32, #tpu.memory_space<hbm>>) target(%arg6 : memref<8192xf32, #tpu.memory_space<vmem>>) target_semaphore(%arg14 : memref<!tpu.dma_semaphore, #tpu.memory_space<semaphore_mem>>)
    %add3A_12 = arith.constant 0 : i32
    %add3A_13 = arith.addi %mul3A_4, %add3A_12 : i32
    %dma_start3A_14 = arith.constant 0 : i32
    %dma_start3A_15 = tpu.memref_slice %arg3[%add3A_13, %dma_start3A_14] : memref<1024x65536xf32, #tpu.memory_space<hbm>> -> memref<1x8192xf32, #tpu.memory_space<hbm>>
    %dma_start3A_16 = tpu.memref_squeeze %dma_start3A_15 : memref<1x8192xf32, #tpu.memory_space<hbm>> -> memref<8192xf32, #tpu.memory_space<hbm>>
    %dma_start3A_17 = arith.constant 0 : i32
    %dma_start3A_18 = tpu.memref_slice %arg3[%add3A_13, %dma_start3A_17] : memref<1024x65536xf32, #tpu.memory_space<hbm>> -> memref<1x8192xf32, #tpu.memory_space<hbm>>
    %dma_start3A_19 = tpu.memref_squeeze %dma_start3A_18 : memref<1x8192xf32, #tpu.memory_space<hbm>> -> memref<8192xf32, #tpu.memory_space<hbm>>
    tpu.enqueue_dma source(%dma_start3A_19 : memref<8192xf32, #tpu.memory_space<hbm>>) target(%arg9 : memref<8192xf32, #tpu.memory_space<vmem>>) target_semaphore(%arg17 : memref<!tpu.dma_semaphore, #tpu.memory_space<semaphore_mem>>)
    %add3A_20 = arith.constant 0 : i32
    %add3A_21 = arith.addi %mul3A_4, %add3A_20 : i32
    %dma_start3A_22 = arith.constant 8192 : i32
    %dma_start3A_23 = tpu.memref_slice %arg3[%add3A_21, %dma_start3A_22] : memref<1024x65536xf32, #tpu.memory_space<hbm>> -> memref<1x8192xf32, #tpu.memory_space<hbm>>
    %dma_start3A_24 = tpu.memref_squeeze %dma_start3A_23 : memref<1x8192xf32, #tpu.memory_space<hbm>> -> memref<8192xf32, #tpu.memory_space<hbm>>
    %dma_start3A_25 = arith.constant 8192 : i32
    %dma_start3A_26 = tpu.memref_slice %arg3[%add3A_21, %dma_start3A_25] : memref<1024x65536xf32, #tpu.memory_space<hbm>> -> memref<1x8192xf32, #tpu.memory_space<hbm>>
    %dma_start3A_27 = tpu.memref_squeeze %dma_start3A_26 : memref<1x8192xf32, #tpu.memory_space<hbm>> -> memref<8192xf32, #tpu.memory_space<hbm>>
    tpu.enqueue_dma source(%dma_start3A_27 : memref<8192xf32, #tpu.memory_space<hbm>>) target(%arg10 : memref<8192xf32, #tpu.memory_space<vmem>>) target_semaphore(%arg18 : memref<!tpu.dma_semaphore, #tpu.memory_space<semaphore_mem>>)
    %add3A_28 = arith.constant 0 : i32
    %add3A_29 = arith.addi %mul3A_4, %add3A_28 : i32
    %dma_start3A_30 = arith.constant 16384 : i32
    %dma_start3A_31 = tpu.memref_slice %arg3[%add3A_29, %dma_start3A_30] : memref<1024x65536xf32, #tpu.memory_space<hbm>> -> memref<1x8192xf32, #tpu.memory_space<hbm>>
    %dma_start3A_32 = tpu.memref_squeeze %dma_start3A_31 : memref<1x8192xf32, #tpu.memory_space<hbm>> -> memref<8192xf32, #tpu.memory_space<hbm>>
    %dma_start3A_33 = arith.constant 16384 : i32
    %dma_start3A_34 = tpu.memref_slice %arg3[%add3A_29, %dma_start3A_33] : memref<1024x65536xf32, #tpu.memory_space<hbm>> -> memref<1x8192xf32, #tpu.memory_space<hbm>>
    %dma_start3A_35 = tpu.memref_squeeze %dma_start3A_34 : memref<1x8192xf32, #tpu.memory_space<hbm>> -> memref<8192xf32, #tpu.memory_space<hbm>>
    tpu.enqueue_dma source(%dma_start3A_35 : memref<8192xf32, #tpu.memory_space<hbm>>) target(%arg11 : memref<8192xf32, #tpu.memory_space<vmem>>) target_semaphore(%arg19 : memref<!tpu.dma_semaphore, #tpu.memory_space<semaphore_mem>>)
    %add3A_36 = arith.constant 0 : i32
    %add3A_37 = arith.addi %mul3A_4, %add3A_36 : i32
    %dma_start3A_38 = arith.constant 24576 : i32
    %dma_start3A_39 = tpu.memref_slice %arg3[%add3A_37, %dma_start3A_38] : memref<1024x65536xf32, #tpu.memory_space<hbm>> -> memref<1x8192xf32, #tpu.memory_space<hbm>>
    %dma_start3A_40 = tpu.memref_squeeze %dma_start3A_39 : memref<1x8192xf32, #tpu.memory_space<hbm>> -> memref<8192xf32, #tpu.memory_space<hbm>>
    %dma_start3A_41 = arith.constant 24576 : i32
    %dma_start3A_42 = tpu.memref_slice %arg3[%add3A_37, %dma_start3A_41] : memref<1024x65536xf32, #tpu.memory_space<hbm>> -> memref<1x8192xf32, #tpu.memory_space<hbm>>
    %dma_start3A_43 = tpu.memref_squeeze %dma_start3A_42 : memref<1x8192xf32, #tpu.memory_space<hbm>> -> memref<8192xf32, #tpu.memory_space<hbm>>
    tpu.enqueue_dma source(%dma_start3A_43 : memref<8192xf32, #tpu.memory_space<hbm>>) target(%arg12 : memref<8192xf32, #tpu.memory_space<vmem>>) target_semaphore(%arg20 : memref<!tpu.dma_semaphore, #tpu.memory_space<semaphore_mem>>)
    %scan3A = arith.constant 0 : i32
    %scan3A_44 = arith.constant 0 : i32
    %scan3A_45 = arith.constant 63 : i32
    %scan3A_46 = arith.addi %scan3A_44, %scan3A_45 : i32
    %scan3A_47 = arith.constant 1 : i32
    scf.for %scan3A_168 = %scan3A_44 to %scan3A_46 step %scan3A_47  : i32 {
      %mul3A_169 = arith.constant 4 : i32
      %mul3A_170 = arith.muli %scan3A_168, %mul3A_169 : i32
      %add3A_171 = arith.constant 0 : i32
      %add3A_172 = arith.addi %mul3A_170, %add3A_171 : i32
      %add3A_173 = arith.constant 2 : i32
      %add3A_174 = arith.addi %add3A_172, %add3A_173 : i32
      %lt3A = arith.constant 256 : i32
      %lt3A_175 = arith.cmpi slt, %add3A_174, %lt3A : i32
      %convert_element_type3A = arith.extui %lt3A_175 : i1 to i32
      %cond3A = arith.constant 0 : i32
      %cond3A_176 = arith.cmpi ne, %convert_element_type3A, %cond3A : i32
      scf.if %cond3A_176 {
        %ge3A = arith.constant 4 : i32
        %ge3A_649 = arith.cmpi sge, %add3A_174, %ge3A : i32
        %convert_element_type3A_650 = arith.extui %ge3A_649 : i1 to i32
        %cond3A_651 = arith.constant 0 : i32
        %cond3A_652 = arith.cmpi ne, %convert_element_type3A_650, %cond3A_651 : i32
        scf.if %cond3A_652 {
          %sub3A_658 = arith.constant 4 : i32
          %sub3A_659 = arith.subi %add3A_174, %sub3A_658 : i32
          %mul3A_660 = arith.constant 8192 : i32
          %mul3A_661 = arith.muli %sub3A_659, %mul3A_660 : i32
          %add3A_662 = arith.addi %mul3A_2, %mul3A_661 : i32
          %dma_wait3A_663 = tpu.memref_slice %arg4[%add3A_662] : memref<67108864xf32, #tpu.memory_space<hbm>> -> memref<8192xf32, #tpu.memory_space<hbm>>
          %dma_wait3A_664 = tpu.memref_slice %arg4[%add3A_662] : memref<67108864xf32, #tpu.memory_space<hbm>> -> memref<8192xf32, #tpu.memory_space<hbm>>
          tpu.wait_dma2 semaphore(%arg23 : memref<!tpu.dma_semaphore, #tpu.memory_space<semaphore_mem>>) src(%arg7 : memref<8192xf32, #tpu.memory_space<vmem>>) dst(%dma_wait3A_664 : memref<8192xf32, #tpu.memory_space<hbm>>)
        } else {
        }
        %mul3A_653 = arith.constant 8192 : i32
        %mul3A_654 = arith.muli %add3A_174, %mul3A_653 : i32
        %add3A_655 = arith.addi %mul3A_2, %mul3A_654 : i32
        %dma_start3A_656 = tpu.memref_slice %arg2[%add3A_655] : memref<67108864xf32, #tpu.memory_space<hbm>> -> memref<8192xf32, #tpu.memory_space<hbm>>
        %dma_start3A_657 = tpu.memref_slice %arg2[%add3A_655] : memref<67108864xf32, #tpu.memory_space<hbm>> -> memref<8192xf32, #tpu.memory_space<hbm>>
        tpu.enqueue_dma source(%dma_start3A_657 : memref<8192xf32, #tpu.memory_space<hbm>>) target(%arg7 : memref<8192xf32, #tpu.memory_space<vmem>>) target_semaphore(%arg15 : memref<!tpu.dma_semaphore, #tpu.memory_space<semaphore_mem>>)
      } else {
      }
      %mul3A_177 = arith.constant 8192 : i32
      %mul3A_178 = arith.muli %add3A_172, %mul3A_177 : i32
      %add3A_179 = arith.addi %mul3A_2, %mul3A_178 : i32
      %dma_wait3A_180 = tpu.memref_slice %arg2[%add3A_179] : memref<67108864xf32, #tpu.memory_space<hbm>> -> memref<8192xf32, #tpu.memory_space<hbm>>
      %dma_wait3A_181 = tpu.memref_slice %arg2[%add3A_179] : memref<67108864xf32, #tpu.memory_space<hbm>> -> memref<8192xf32, #tpu.memory_space<hbm>>
      tpu.wait_dma2 semaphore(%arg13 : memref<!tpu.dma_semaphore, #tpu.memory_space<semaphore_mem>>) src(%dma_wait3A_181 : memref<8192xf32, #tpu.memory_space<hbm>>) dst(%arg5 : memref<8192xf32, #tpu.memory_space<vmem>>)
      %jit3A = arith.constant 8 : i32
      %div3A = arith.divsi %add3A_172, %jit3A : i32
      %sign3A = arith.constant 0 : i32
      %sign3A_182 = arith.cmpi sgt, %add3A_172, %sign3A : i32
      %sign3A_183 = arith.extui %sign3A_182 : i1 to i32
      %sign3A_184 = arith.constant 0 : i32
      %sign3A_185 = arith.cmpi slt, %add3A_172, %sign3A_184 : i32
      %sign3A_186 = arith.extui %sign3A_185 : i1 to i32
      %sign3A_187 = arith.subi %sign3A_183, %sign3A_186 : i32
      %sign3A_188 = arith.constant 0 : i32
      %sign3A_189 = arith.cmpi sgt, %jit3A, %sign3A_188 : i32
      %sign3A_190 = arith.extui %sign3A_189 : i1 to i32
      %sign3A_191 = arith.constant 0 : i32
      %sign3A_192 = arith.cmpi slt, %jit3A, %sign3A_191 : i32
      %sign3A_193 = arith.extui %sign3A_192 : i1 to i32
      %sign3A_194 = arith.subi %sign3A_190, %sign3A_193 : i32
      %ne3A = arith.cmpi ne, %sign3A_187, %sign3A_194 : i32
      %rem3A = arith.remsi %add3A_172, %jit3A : i32
      %ne3A_195 = arith.constant 0 : i32
      %ne3A_196 = arith.cmpi ne, %rem3A, %ne3A_195 : i32
      %and3A = arith.andi %ne3A, %ne3A_196 : i1
      %sub3A = arith.constant 1 : i32
      %sub3A_197 = arith.subi %div3A, %sub3A : i32
      %select_n3A = arith.select %and3A, %sub3A_197, %div3A : i32
      %add3A_198 = arith.addi %mul3A_4, %select_n3A : i32
      %jit3A_199 = arith.constant 8 : i32
      %eq3A = arith.constant 0 : i32
      %eq3A_200 = arith.cmpi eq, %jit3A_199, %eq3A : i32
      %jit3A_201 = arith.constant 1 : i32
      %select_n3A_202 = arith.select %eq3A_200, %jit3A_201, %jit3A_199 : i32
      %rem3A_203 = arith.remsi %add3A_172, %select_n3A_202 : i32
      %ne3A_204 = arith.constant 0 : i32
      %ne3A_205 = arith.cmpi ne, %rem3A_203, %ne3A_204 : i32
      %lt3A_206 = arith.constant 0 : i32
      %lt3A_207 = arith.cmpi slt, %rem3A_203, %lt3A_206 : i32
      %lt3A_208 = arith.constant 0 : i32
      %lt3A_209 = arith.cmpi slt, %select_n3A_202, %lt3A_208 : i32
      %ne3A_210 = arith.xori %lt3A_207, %lt3A_209 : i1
      %and3A_211 = arith.andi %ne3A_210, %ne3A_205 : i1
      %add3A_212 = arith.addi %rem3A_203, %select_n3A_202 : i32
      %select_n3A_213 = arith.select %and3A_211, %add3A_212, %rem3A_203 : i32
      %mul3A_214 = arith.constant 8192 : i32
      %mul3A_215 = arith.muli %select_n3A_213, %mul3A_214 : i32
      %dma_wait3A_216 = tpu.memref_slice %arg3[%add3A_198, %mul3A_215] : memref<1024x65536xf32, #tpu.memory_space<hbm>> -> memref<1x8192xf32, #tpu.memory_space<hbm>>
      %dma_wait3A_217 = tpu.memref_squeeze %dma_wait3A_216 : memref<1x8192xf32, #tpu.memory_space<hbm>> -> memref<8192xf32, #tpu.memory_space<hbm>>
      %dma_wait3A_218 = tpu.memref_slice %arg3[%add3A_198, %mul3A_215] : memref<1024x65536xf32, #tpu.memory_space<hbm>> -> memref<1x8192xf32, #tpu.memory_space<hbm>>
      %dma_wait3A_219 = tpu.memref_squeeze %dma_wait3A_218 : memref<1x8192xf32, #tpu.memory_space<hbm>> -> memref<8192xf32, #tpu.memory_space<hbm>>
      tpu.wait_dma2 semaphore(%arg17 : memref<!tpu.dma_semaphore, #tpu.memory_space<semaphore_mem>>) src(%dma_wait3A_219 : memref<8192xf32, #tpu.memory_space<hbm>>) dst(%arg9 : memref<8192xf32, #tpu.memory_space<vmem>>)
      %scan3A_220 = arith.constant 0 : i32
      %scan3A_221 = arith.constant 0 : i32
      %scan3A_222 = arith.constant 512 : i32
      %scan3A_223 = arith.addi %scan3A_221, %scan3A_222 : i32
      %scan3A_224 = arith.constant 16 : i32
      scf.for %scan3A_649 = %scan3A_221 to %scan3A_223 step %scan3A_224  : i32 {
        %mul3A_650 = arith.constant 16 : i32
        %mul3A_651 = arith.muli %scan3A_649, %mul3A_650 : i32
        %get3A = arith.index_cast %mul3A_651 : i32 to index
        %get3A_652 = tpu.vector_load %arg9[%get3A] {strides = array<i32>} : memref<8192xf32, #tpu.memory_space<vmem>>, vector<16xf32>,
        %get3A_653 = vector.shape_cast %get3A_652 : vector<16xf32> to vector<16xf32>
        %swap3A = arith.index_cast %mul3A_651 : i32 to index
        %swap3A_654 = tpu.vector_load %arg5[%swap3A] {strides = array<i32>} : memref<8192xf32, #tpu.memory_space<vmem>>, vector<16xf32>,
        %swap3A_655 = vector.shape_cast %swap3A_654 : vector<16xf32> to vector<16xf32>
        %swap3A_656 = vector.shape_cast %get3A_653 : vector<16xf32> to vector<16xf32>
        tpu.vector_store %arg5[%swap3A], %swap3A_656 {add = true, strides = array<i32>} : memref<8192xf32, #tpu.memory_space<vmem>>, vector<16xf32>,
        %scan3A_657 = arith.constant 1 : i32
        %scan3A_658 = arith.addi %scan3A_649, %scan3A_657 : i32
        %mul3A_659 = arith.constant 16 : i32
        %mul3A_660 = arith.muli %scan3A_658, %mul3A_659 : i32
        %get3A_661 = arith.index_cast %mul3A_660 : i32 to index
        %get3A_662 = tpu.vector_load %arg9[%get3A_661] {strides = array<i32>} : memref<8192xf32, #tpu.memory_space<vmem>>, vector<16xf32>,
        %get3A_663 = vector.shape_cast %get3A_662 : vector<16xf32> to vector<16xf32>
        %swap3A_664 = arith.index_cast %mul3A_660 : i32 to index
        %swap3A_665 = tpu.vector_load %arg5[%swap3A_664] {strides = array<i32>} : memref<8192xf32, #tpu.memory_space<vmem>>, vector<16xf32>,
        %swap3A_666 = vector.shape_cast %swap3A_665 : vector<16xf32> to vector<16xf32>
        %swap3A_667 = vector.shape_cast %get3A_663 : vector<16xf32> to vector<16xf32>
        tpu.vector_store %arg5[%swap3A_664], %swap3A_667 {add = true, strides = array<i32>} : memref<8192xf32, #tpu.memory_space<vmem>>, vector<16xf32>,
        %scan3A_668 = arith.constant 2 : i32
        %scan3A_669 = arith.addi %scan3A_649, %scan3A_668 : i32
        %mul3A_670 = arith.constant 16 : i32
        %mul3A_671 = arith.muli %scan3A_669, %mul3A_670 : i32
        %get3A_672 = arith.index_cast %mul3A_671 : i32 to index
        %get3A_673 = tpu.vector_load %arg9[%get3A_672] {strides = array<i32>} : memref<8192xf32, #tpu.memory_space<vmem>>, vector<16xf32>,
        %get3A_674 = vector.shape_cast %get3A_673 : vector<16xf32> to vector<16xf32>
        %swap3A_675 = arith.index_cast %mul3A_671 : i32 to index
        %swap3A_676 = tpu.vector_load %arg5[%swap3A_675] {strides = array<i32>} : memref<8192xf32, #tpu.memory_space<vmem>>, vector<16xf32>,
        %swap3A_677 = vector.shape_cast %swap3A_676 : vector<16xf32> to vector<16xf32>
        %swap3A_678 = vector.shape_cast %get3A_674 : vector<16xf32> to vector<16xf32>
        tpu.vector_store %arg5[%swap3A_675], %swap3A_678 {add = true, strides = array<i32>} : memref<8192xf32, #tpu.memory_space<vmem>>, vector<16xf32>,
        %scan3A_679 = arith.constant 3 : i32
        %scan3A_680 = arith.addi %scan3A_649, %scan3A_679 : i32
        %mul3A_681 = arith.constant 16 : i32
        %mul3A_682 = arith.muli %scan3A_680, %mul3A_681 : i32
        %get3A_683 = arith.index_cast %mul3A_682 : i32 to index
        %get3A_684 = tpu.vector_load %arg9[%get3A_683] {strides = array<i32>} : memref<8192xf32, #tpu.memory_space<vmem>>, vector<16xf32>,
        %get3A_685 = vector.shape_cast %get3A_684 : vector<16xf32> to vector<16xf32>
        %swap3A_686 = arith.index_cast %mul3A_682 : i32 to index
        %swap3A_687 = tpu.vector_load %arg5[%swap3A_686] {strides = array<i32>} : memref<8192xf32, #tpu.memory_space<vmem>>, vector<16xf32>,
        %swap3A_688 = vector.shape_cast %swap3A_687 : vector<16xf32> to vector<16xf32>
        %swap3A_689 = vector.shape_cast %get3A_685 : vector<16xf32> to vector<16xf32>
        tpu.vector_store %arg5[%swap3A_686], %swap3A_689 {add = true, strides = array<i32>} : memref<8192xf32, #tpu.memory_space<vmem>>, vector<16xf32>,
        %scan3A_690 = arith.constant 4 : i32
        %scan3A_691 = arith.addi %scan3A_649, %scan3A_690 : i32
        %mul3A_692 = arith.constant 16 : i32
        %mul3A_693 = arith.muli %scan3A_691, %mul3A_692 : i32
        %get3A_694 = arith.index_cast %mul3A_693 : i32 to index
        %get3A_695 = tpu.vector_load %arg9[%get3A_694] {strides = array<i32>} : memref<8192xf32, #tpu.memory_space<vmem>>, vector<16xf32>,
        %get3A_696 = vector.shape_cast %get3A_695 : vector<16xf32> to vector<16xf32>
        %swap3A_697 = arith.index_cast %mul3A_693 : i32 to index
        %swap3A_698 = tpu.vector_load %arg5[%swap3A_697] {strides = array<i32>} : memref<8192xf32, #tpu.memory_space<vmem>>, vector<16xf32>,
        %swap3A_699 = vector.shape_cast %swap3A_698 : vector<16xf32> to vector<16xf32>
        %swap3A_700 = vector.shape_cast %get3A_696 : vector<16xf32> to vector<16xf32>
        tpu.vector_store %arg5[%swap3A_697], %swap3A_700 {add = true, strides = array<i32>} : memref<8192xf32, #tpu.memory_space<vmem>>, vector<16xf32>,
        %scan3A_701 = arith.constant 5 : i32
        %scan3A_702 = arith.addi %scan3A_649, %scan3A_701 : i32
        %mul3A_703 = arith.constant 16 : i32
        %mul3A_704 = arith.muli %scan3A_702, %mul3A_703 : i32
        %get3A_705 = arith.index_cast %mul3A_704 : i32 to index
        %get3A_706 = tpu.vector_load %arg9[%get3A_705] {strides = array<i32>} : memref<8192xf32, #tpu.memory_space<vmem>>, vector<16xf32>,
        %get3A_707 = vector.shape_cast %get3A_706 : vector<16xf32> to vector<16xf32>
        %swap3A_708 = arith.index_cast %mul3A_704 : i32 to index
        %swap3A_709 = tpu.vector_load %arg5[%swap3A_708] {strides = array<i32>} : memref<8192xf32, #tpu.memory_space<vmem>>, vector<16xf32>,
        %swap3A_710 = vector.shape_cast %swap3A_709 : vector<16xf32> to vector<16xf32>
        %swap3A_711 = vector.shape_cast %get3A_707 : vector<16xf32> to vector<16xf32>
        tpu.vector_store %arg5[%swap3A_708], %swap3A_711 {add = true, strides = array<i32>} : memref<8192xf32, #tpu.memory_space<vmem>>, vector<16xf32>,
        %scan3A_712 = arith.constant 6 : i32
        %scan3A_713 = arith.addi %scan3A_649, %scan3A_712 : i32
        %mul3A_714 = arith.constant 16 : i32
        %mul3A_715 = arith.muli %scan3A_713, %mul3A_714 : i32
        %get3A_716 = arith.index_cast %mul3A_715 : i32 to index
        %get3A_717 = tpu.vector_load %arg9[%get3A_716] {strides = array<i32>} : memref<8192xf32, #tpu.memory_space<vmem>>, vector<16xf32>,
        %get3A_718 = vector.shape_cast %get3A_717 : vector<16xf32> to vector<16xf32>
        %swap3A_719 = arith.index_cast %mul3A_715 : i32 to index
        %swap3A_720 = tpu.vector_load %arg5[%swap3A_719] {strides = array<i32>} : memref<8192xf32, #tpu.memory_space<vmem>>, vector<16xf32>,
        %swap3A_721 = vector.shape_cast %swap3A_720 : vector<16xf32> to vector<16xf32>
        %swap3A_722 = vector.shape_cast %get3A_718 : vector<16xf32> to vector<16xf32>
        tpu.vector_store %arg5[%swap3A_719], %swap3A_722 {add = true, strides = array<i32>} : memref<8192xf32, #tpu.memory_space<vmem>>, vector<16xf32>,
        %scan3A_723 = arith.constant 7 : i32
        %scan3A_724 = arith.addi %scan3A_649, %scan3A_723 : i32
        %mul3A_725 = arith.constant 16 : i32
        %mul3A_726 = arith.muli %scan3A_724, %mul3A_725 : i32
        %get3A_727 = arith.index_cast %mul3A_726 : i32 to index
        %get3A_728 = tpu.vector_load %arg9[%get3A_727] {strides = array<i32>} : memref<8192xf32, #tpu.memory_space<vmem>>, vector<16xf32>,
        %get3A_729 = vector.shape_cast %get3A_728 : vector<16xf32> to vector<16xf32>
        %swap3A_730 = arith.index_cast %mul3A_726 : i32 to index
        %swap3A_731 = tpu.vector_load %arg5[%swap3A_730] {strides = array<i32>} : memref<8192xf32, #tpu.memory_space<vmem>>, vector<16xf32>,
        %swap3A_732 = vector.shape_cast %swap3A_731 : vector<16xf32> to vector<16xf32>
        %swap3A_733 = vector.shape_cast %get3A_729 : vector<16xf32> to vector<16xf32>
        tpu.vector_store %arg5[%swap3A_730], %swap3A_733 {add = true, strides = array<i32>} : memref<8192xf32, #tpu.memory_space<vmem>>, vector<16xf32>,
        %scan3A_734 = arith.constant 8 : i32
        %scan3A_735 = arith.addi %scan3A_649, %scan3A_734 : i32
        %mul3A_736 = arith.constant 16 : i32
        %mul3A_737 = arith.muli %scan3A_735, %mul3A_736 : i32
        %get3A_738 = arith.index_cast %mul3A_737 : i32 to index
        %get3A_739 = tpu.vector_load %arg9[%get3A_738] {strides = array<i32>} : memref<8192xf32, #tpu.memory_space<vmem>>, vector<16xf32>,
        %get3A_740 = vector.shape_cast %get3A_739 : vector<16xf32> to vector<16xf32>
        %swap3A_741 = arith.index_cast %mul3A_737 : i32 to index
        %swap3A_742 = tpu.vector_load %arg5[%swap3A_741] {strides = array<i32>} : memref<8192xf32, #tpu.memory_space<vmem>>, vector<16xf32>,
        %swap3A_743 = vector.shape_cast %swap3A_742 : vector<16xf32> to vector<16xf32>
        %swap3A_744 = vector.shape_cast %get3A_740 : vector<16xf32> to vector<16xf32>
        tpu.vector_store %arg5[%swap3A_741], %swap3A_744 {add = true, strides = array<i32>} : memref<8192xf32, #tpu.memory_space<vmem>>, vector<16xf32>,
        %scan3A_745 = arith.constant 9 : i32
        %scan3A_746 = arith.addi %scan3A_649, %scan3A_745 : i32
        %mul3A_747 = arith.constant 16 : i32
        %mul3A_748 = arith.muli %scan3A_746, %mul3A_747 : i32
        %get3A_749 = arith.index_cast %mul3A_748 : i32 to index
        %get3A_750 = tpu.vector_load %arg9[%get3A_749] {strides = array<i32>} : memref<8192xf32, #tpu.memory_space<vmem>>, vector<16xf32>,
        %get3A_751 = vector.shape_cast %get3A_750 : vector<16xf32> to vector<16xf32>
        %swap3A_752 = arith.index_cast %mul3A_748 : i32 to index
        %swap3A_753 = tpu.vector_load %arg5[%swap3A_752] {strides = array<i32>} : memref<8192xf32, #tpu.memory_space<vmem>>, vector<16xf32>,
        %swap3A_754 = vector.shape_cast %swap3A_753 : vector<16xf32> to vector<16xf32>
        %swap3A_755 = vector.shape_cast %get3A_751 : vector<16xf32> to vector<16xf32>
        tpu.vector_store %arg5[%swap3A_752], %swap3A_755 {add = true, strides = array<i32>} : memref<8192xf32, #tpu.memory_space<vmem>>, vector<16xf32>,
        %scan3A_756 = arith.constant 10 : i32
        %scan3A_757 = arith.addi %scan3A_649, %scan3A_756 : i32
        %mul3A_758 = arith.constant 16 : i32
        %mul3A_759 = arith.muli %scan3A_757, %mul3A_758 : i32
        %get3A_760 = arith.index_cast %mul3A_759 : i32 to index
        %get3A_761 = tpu.vector_load %arg9[%get3A_760] {strides = array<i32>} : memref<8192xf32, #tpu.memory_space<vmem>>, vector<16xf32>,
        %get3A_762 = vector.shape_cast %get3A_761 : vector<16xf32> to vector<16xf32>
        %swap3A_763 = arith.index_cast %mul3A_759 : i32 to index
        %swap3A_764 = tpu.vector_load %arg5[%swap3A_763] {strides = array<i32>} : memref<8192xf32, #tpu.memory_space<vmem>>, vector<16xf32>,
        %swap3A_765 = vector.shape_cast %swap3A_764 : vector<16xf32> to vector<16xf32>
        %swap3A_766 = vector.shape_cast %get3A_762 : vector<16xf32> to vector<16xf32>
        tpu.vector_store %arg5[%swap3A_763], %swap3A_766 {add = true, strides = array<i32>} : memref<8192xf32, #tpu.memory_space<vmem>>, vector<16xf32>,
        %scan3A_767 = arith.constant 11 : i32
        %scan3A_768 = arith.addi %scan3A_649, %scan3A_767 : i32
        %mul3A_769 = arith.constant 16 : i32
        %mul3A_770 = arith.muli %scan3A_768, %mul3A_769 : i32
        %get3A_771 = arith.index_cast %mul3A_770 : i32 to index
        %get3A_772 = tpu.vector_load %arg9[%get3A_771] {strides = array<i32>} : memref<8192xf32, #tpu.memory_space<vmem>>, vector<16xf32>,
        %get3A_773 = vector.shape_cast %get3A_772 : vector<16xf32> to vector<16xf32>
        %swap3A_774 = arith.index_cast %mul3A_770 : i32 to index
        %swap3A_775 = tpu.vector_load %arg5[%swap3A_774] {strides = array<i32>} : memref<8192xf32, #tpu.memory_space<vmem>>, vector<16xf32>,
        %swap3A_776 = vector.shape_cast %swap3A_775 : vector<16xf32> to vector<16xf32>
        %swap3A_777 = vector.shape_cast %get3A_773 : vector<16xf32> to vector<16xf32>
        tpu.vector_store %arg5[%swap3A_774], %swap3A_777 {add = true, strides = array<i32>} : memref<8192xf32, #tpu.memory_space<vmem>>, vector<16xf32>,
        %scan3A_778 = arith.constant 12 : i32
        %scan3A_779 = arith.addi %scan3A_649, %scan3A_778 : i32
        %mul3A_780 = arith.constant 16 : i32
        %mul3A_781 = arith.muli %scan3A_779, %mul3A_780 : i32
        %get3A_782 = arith.index_cast %mul3A_781 : i32 to index
        %get3A_783 = tpu.vector_load %arg9[%get3A_782] {strides = array<i32>} : memref<8192xf32, #tpu.memory_space<vmem>>, vector<16xf32>,
        %get3A_784 = vector.shape_cast %get3A_783 : vector<16xf32> to vector<16xf32>
        %swap3A_785 = arith.index_cast %mul3A_781 : i32 to index
        %swap3A_786 = tpu.vector_load %arg5[%swap3A_785] {strides = array<i32>} : memref<8192xf32, #tpu.memory_space<vmem>>, vector<16xf32>,
        %swap3A_787 = vector.shape_cast %swap3A_786 : vector<16xf32> to vector<16xf32>
        %swap3A_788 = vector.shape_cast %get3A_784 : vector<16xf32> to vector<16xf32>
        tpu.vector_store %arg5[%swap3A_785], %swap3A_788 {add = true, strides = array<i32>} : memref<8192xf32, #tpu.memory_space<vmem>>, vector<16xf32>,
        %scan3A_789 = arith.constant 13 : i32
        %scan3A_790 = arith.addi %scan3A_649, %scan3A_789 : i32
        %mul3A_791 = arith.constant 16 : i32
        %mul3A_792 = arith.muli %scan3A_790, %mul3A_791 : i32
        %get3A_793 = arith.index_cast %mul3A_792 : i32 to index
        %get3A_794 = tpu.vector_load %arg9[%get3A_793] {strides = array<i32>} : memref<8192xf32, #tpu.memory_space<vmem>>, vector<16xf32>,
        %get3A_795 = vector.shape_cast %get3A_794 : vector<16xf32> to vector<16xf32>
        %swap3A_796 = arith.index_cast %mul3A_792 : i32 to index
        %swap3A_797 = tpu.vector_load %arg5[%swap3A_796] {strides = array<i32>} : memref<8192xf32, #tpu.memory_space<vmem>>, vector<16xf32>,
        %swap3A_798 = vector.shape_cast %swap3A_797 : vector<16xf32> to vector<16xf32>
        %swap3A_799 = vector.shape_cast %get3A_795 : vector<16xf32> to vector<16xf32>
        tpu.vector_store %arg5[%swap3A_796], %swap3A_799 {add = true, strides = array<i32>} : memref<8192xf32, #tpu.memory_space<vmem>>, vector<16xf32>,
        %scan3A_800 = arith.constant 14 : i32
        %scan3A_801 = arith.addi %scan3A_649, %scan3A_800 : i32
        %mul3A_802 = arith.constant 16 : i32
        %mul3A_803 = arith.muli %scan3A_801, %mul3A_802 : i32
        %get3A_804 = arith.index_cast %mul3A_803 : i32 to index
        %get3A_805 = tpu.vector_load %arg9[%get3A_804] {strides = array<i32>} : memref<8192xf32, #tpu.memory_space<vmem>>, vector<16xf32>,
        %get3A_806 = vector.shape_cast %get3A_805 : vector<16xf32> to vector<16xf32>
        %swap3A_807 = arith.index_cast %mul3A_803 : i32 to index
        %swap3A_808 = tpu.vector_load %arg5[%swap3A_807] {strides = array<i32>} : memref<8192xf32, #tpu.memory_space<vmem>>, vector<16xf32>,
        %swap3A_809 = vector.shape_cast %swap3A_808 : vector<16xf32> to vector<16xf32>
        %swap3A_810 = vector.shape_cast %get3A_806 : vector<16xf32> to vector<16xf32>
        tpu.vector_store %arg5[%swap3A_807], %swap3A_810 {add = true, strides = array<i32>} : memref<8192xf32, #tpu.memory_space<vmem>>, vector<16xf32>,
        %scan3A_811 = arith.constant 15 : i32
        %scan3A_812 = arith.addi %scan3A_649, %scan3A_811 : i32
        %mul3A_813 = arith.constant 16 : i32
        %mul3A_814 = arith.muli %scan3A_812, %mul3A_813 : i32
        %get3A_815 = arith.index_cast %mul3A_814 : i32 to index
        %get3A_816 = tpu.vector_load %arg9[%get3A_815] {strides = array<i32>} : memref<8192xf32, #tpu.memory_space<vmem>>, vector<16xf32>,
        %get3A_817 = vector.shape_cast %get3A_816 : vector<16xf32> to vector<16xf32>
        %swap3A_818 = arith.index_cast %mul3A_814 : i32 to index
        %swap3A_819 = tpu.vector_load %arg5[%swap3A_818] {strides = array<i32>} : memref<8192xf32, #tpu.memory_space<vmem>>, vector<16xf32>,
        %swap3A_820 = vector.shape_cast %swap3A_819 : vector<16xf32> to vector<16xf32>
        %swap3A_821 = vector.shape_cast %get3A_817 : vector<16xf32> to vector<16xf32>
        tpu.vector_store %arg5[%swap3A_818], %swap3A_821 {add = true, strides = array<i32>} : memref<8192xf32, #tpu.memory_space<vmem>>, vector<16xf32>,
      }
      %scan3A_225 = arith.constant 512 : i32
      %mul3A_226 = arith.constant 8192 : i32
      %mul3A_227 = arith.muli %add3A_172, %mul3A_226 : i32
      %add3A_228 = arith.addi %mul3A_2, %mul3A_227 : i32
      %dma_start3A_229 = tpu.memref_slice %arg4[%add3A_228] : memref<67108864xf32, #tpu.memory_space<hbm>> -> memref<8192xf32, #tpu.memory_space<hbm>>
      %dma_start3A_230 = tpu.memref_slice %arg4[%add3A_228] : memref<67108864xf32, #tpu.memory_space<hbm>> -> memref<8192xf32, #tpu.memory_space<hbm>>
      tpu.enqueue_dma source(%arg5 : memref<8192xf32, #tpu.memory_space<vmem>>) target(%dma_start3A_230 : memref<8192xf32, #tpu.memory_space<hbm>>) target_semaphore(%arg21 : memref<!tpu.dma_semaphore, #tpu.memory_space<semaphore_mem>>)
      %add3A_231 = arith.constant 4 : i32
      %add3A_232 = arith.addi %add3A_172, %add3A_231 : i32
      %jit3A_233 = arith.constant 8 : i32
      %div3A_234 = arith.divsi %add3A_232, %jit3A_233 : i32
      %sign3A_235 = arith.constant 0 : i32
      %sign3A_236 = arith.cmpi sgt, %add3A_232, %sign3A_235 : i32
      %sign3A_237 = arith.extui %sign3A_236 : i1 to i32
      %sign3A_238 = arith.constant 0 : i32
      %sign3A_239 = arith.cmpi slt, %add3A_232, %sign3A_238 : i32
      %sign3A_240 = arith.extui %sign3A_239 : i1 to i32
      %sign3A_241 = arith.subi %sign3A_237, %sign3A_240 : i32
      %sign3A_242 = arith.constant 0 : i32
      %sign3A_243 = arith.cmpi sgt, %jit3A_233, %sign3A_242 : i32
      %sign3A_244 = arith.extui %sign3A_243 : i1 to i32
      %sign3A_245 = arith.constant 0 : i32
      %sign3A_246 = arith.cmpi slt, %jit3A_233, %sign3A_245 : i32
      %sign3A_247 = arith.extui %sign3A_246 : i1 to i32
      %sign3A_248 = arith.subi %sign3A_244, %sign3A_247 : i32
      %ne3A_249 = arith.cmpi ne, %sign3A_241, %sign3A_248 : i32
      %rem3A_250 = arith.remsi %add3A_232, %jit3A_233 : i32
      %ne3A_251 = arith.constant 0 : i32
      %ne3A_252 = arith.cmpi ne, %rem3A_250, %ne3A_251 : i32
      %and3A_253 = arith.andi %ne3A_249, %ne3A_252 : i1
      %sub3A_254 = arith.constant 1 : i32
      %sub3A_255 = arith.subi %div3A_234, %sub3A_254 : i32
      %select_n3A_256 = arith.select %and3A_253, %sub3A_255, %div3A_234 : i32
      %add3A_257 = arith.addi %mul3A_4, %select_n3A_256 : i32
      %jit3A_258 = arith.constant 8 : i32
      %eq3A_259 = arith.constant 0 : i32
      %eq3A_260 = arith.cmpi eq, %jit3A_258, %eq3A_259 : i32
      %jit3A_261 = arith.constant 1 : i32
      %select_n3A_262 = arith.select %eq3A_260, %jit3A_261, %jit3A_258 : i32
      %rem3A_263 = arith.remsi %add3A_232, %select_n3A_262 : i32
      %ne3A_264 = arith.constant 0 : i32
      %ne3A_265 = arith.cmpi ne, %rem3A_263, %ne3A_264 : i32
      %lt3A_266 = arith.constant 0 : i32
      %lt3A_267 = arith.cmpi slt, %rem3A_263, %lt3A_266 : i32
      %lt3A_268 = arith.constant 0 : i32
      %lt3A_269 = arith.cmpi slt, %select_n3A_262, %lt3A_268 : i32
      %ne3A_270 = arith.xori %lt3A_267, %lt3A_269 : i1
      %and3A_271 = arith.andi %ne3A_270, %ne3A_265 : i1
      %add3A_272 = arith.addi %rem3A_263, %select_n3A_262 : i32
      %select_n3A_273 = arith.select %and3A_271, %add3A_272, %rem3A_263 : i32
      %mul3A_274 = arith.constant 8192 : i32
      %mul3A_275 = arith.muli %select_n3A_273, %mul3A_274 : i32
      %dma_start3A_276 = tpu.memref_slice %arg3[%add3A_257, %mul3A_275] : memref<1024x65536xf32, #tpu.memory_space<hbm>> -> memref<1x8192xf32, #tpu.memory_space<hbm>>
      %dma_start3A_277 = tpu.memref_squeeze %dma_start3A_276 : memref<1x8192xf32, #tpu.memory_space<hbm>> -> memref<8192xf32, #tpu.memory_space<hbm>>
      %dma_start3A_278 = tpu.memref_slice %arg3[%add3A_257, %mul3A_275] : memref<1024x65536xf32, #tpu.memory_space<hbm>> -> memref<1x8192xf32, #tpu.memory_space<hbm>>
      %dma_start3A_279 = tpu.memref_squeeze %dma_start3A_278 : memref<1x8192xf32, #tpu.memory_space<hbm>> -> memref<8192xf32, #tpu.memory_space<hbm>>
      tpu.enqueue_dma source(%dma_start3A_279 : memref<8192xf32, #tpu.memory_space<hbm>>) target(%arg9 : memref<8192xf32, #tpu.memory_space<vmem>>) target_semaphore(%arg17 : memref<!tpu.dma_semaphore, #tpu.memory_space<semaphore_mem>>)
      %mul3A_280 = arith.constant 4 : i32
      %mul3A_281 = arith.muli %scan3A_168, %mul3A_280 : i32
      %add3A_282 = arith.constant 1 : i32
      %add3A_283 = arith.addi %mul3A_281, %add3A_282 : i32
      %add3A_284 = arith.constant 2 : i32
      %add3A_285 = arith.addi %add3A_283, %add3A_284 : i32
      %lt3A_286 = arith.constant 256 : i32
      %lt3A_287 = arith.cmpi slt, %add3A_285, %lt3A_286 : i32
      %convert_element_type3A_288 = arith.extui %lt3A_287 : i1 to i32
      %cond3A_289 = arith.constant 0 : i32
      %cond3A_290 = arith.cmpi ne, %convert_element_type3A_288, %cond3A_289 : i32
      scf.if %cond3A_290 {
        %ge3A = arith.constant 4 : i32
        %ge3A_649 = arith.cmpi sge, %add3A_285, %ge3A : i32
        %convert_element_type3A_650 = arith.extui %ge3A_649 : i1 to i32
        %cond3A_651 = arith.constant 0 : i32
        %cond3A_652 = arith.cmpi ne, %convert_element_type3A_650, %cond3A_651 : i32
        scf.if %cond3A_652 {
          %sub3A_658 = arith.constant 4 : i32
          %sub3A_659 = arith.subi %add3A_285, %sub3A_658 : i32
          %mul3A_660 = arith.constant 8192 : i32
          %mul3A_661 = arith.muli %sub3A_659, %mul3A_660 : i32
          %add3A_662 = arith.addi %mul3A_2, %mul3A_661 : i32
          %dma_wait3A_663 = tpu.memref_slice %arg4[%add3A_662] : memref<67108864xf32, #tpu.memory_space<hbm>> -> memref<8192xf32, #tpu.memory_space<hbm>>
          %dma_wait3A_664 = tpu.memref_slice %arg4[%add3A_662] : memref<67108864xf32, #tpu.memory_space<hbm>> -> memref<8192xf32, #tpu.memory_space<hbm>>
          tpu.wait_dma2 semaphore(%arg24 : memref<!tpu.dma_semaphore, #tpu.memory_space<semaphore_mem>>) src(%arg8 : memref<8192xf32, #tpu.memory_space<vmem>>) dst(%dma_wait3A_664 : memref<8192xf32, #tpu.memory_space<hbm>>)
        } else {
        }
        %mul3A_653 = arith.constant 8192 : i32
        %mul3A_654 = arith.muli %add3A_285, %mul3A_653 : i32
        %add3A_655 = arith.addi %mul3A_2, %mul3A_654 : i32
        %dma_start3A_656 = tpu.memref_slice %arg2[%add3A_655] : memref<67108864xf32, #tpu.memory_space<hbm>> -> memref<8192xf32, #tpu.memory_space<hbm>>
        %dma_start3A_657 = tpu.memref_slice %arg2[%add3A_655] : memref<67108864xf32, #tpu.memory_space<hbm>> -> memref<8192xf32, #tpu.memory_space<hbm>>
        tpu.enqueue_dma source(%dma_start3A_657 : memref<8192xf32, #tpu.memory_space<hbm>>) target(%arg8 : memref<8192xf32, #tpu.memory_space<vmem>>) target_semaphore(%arg16 : memref<!tpu.dma_semaphore, #tpu.memory_space<semaphore_mem>>)
      } else {
      }
      %mul3A_291 = arith.constant 8192 : i32
      %mul3A_292 = arith.muli %add3A_283, %mul3A_291 : i32
      %add3A_293 = arith.addi %mul3A_2, %mul3A_292 : i32
      %dma_wait3A_294 = tpu.memref_slice %arg2[%add3A_293] : memref<67108864xf32, #tpu.memory_space<hbm>> -> memref<8192xf32, #tpu.memory_space<hbm>>
      %dma_wait3A_295 = tpu.memref_slice %arg2[%add3A_293] : memref<67108864xf32, #tpu.memory_space<hbm>> -> memref<8192xf32, #tpu.memory_space<hbm>>
      tpu.wait_dma2 semaphore(%arg14 : memref<!tpu.dma_semaphore, #tpu.memory_space<semaphore_mem>>) src(%dma_wait3A_295 : memref<8192xf32, #tpu.memory_space<hbm>>) dst(%arg6 : memref<8192xf32, #tpu.memory_space<vmem>>)
      %jit3A_296 = arith.constant 8 : i32
      %div3A_297 = arith.divsi %add3A_283, %jit3A_296 : i32
      %sign3A_298 = arith.constant 0 : i32
      %sign3A_299 = arith.cmpi sgt, %add3A_283, %sign3A_298 : i32
      %sign3A_300 = arith.extui %sign3A_299 : i1 to i32
      %sign3A_301 = arith.constant 0 : i32
      %sign3A_302 = arith.cmpi slt, %add3A_283, %sign3A_301 : i32
      %sign3A_303 = arith.extui %sign3A_302 : i1 to i32
      %sign3A_304 = arith.subi %sign3A_300, %sign3A_303 : i32
      %sign3A_305 = arith.constant 0 : i32
      %sign3A_306 = arith.cmpi sgt, %jit3A_296, %sign3A_305 : i32
      %sign3A_307 = arith.extui %sign3A_306 : i1 to i32
      %sign3A_308 = arith.constant 0 : i32
      %sign3A_309 = arith.cmpi slt, %jit3A_296, %sign3A_308 : i32
      %sign3A_310 = arith.extui %sign3A_309 : i1 to i32
      %sign3A_311 = arith.subi %sign3A_307, %sign3A_310 : i32
      %ne3A_312 = arith.cmpi ne, %sign3A_304, %sign3A_311 : i32
      %rem3A_313 = arith.remsi %add3A_283, %jit3A_296 : i32
      %ne3A_314 = arith.constant 0 : i32
      %ne3A_315 = arith.cmpi ne, %rem3A_313, %ne3A_314 : i32
      %and3A_316 = arith.andi %ne3A_312, %ne3A_315 : i1
      %sub3A_317 = arith.constant 1 : i32
      %sub3A_318 = arith.subi %div3A_297, %sub3A_317 : i32
      %select_n3A_319 = arith.select %and3A_316, %sub3A_318, %div3A_297 : i32
      %add3A_320 = arith.addi %mul3A_4, %select_n3A_319 : i32
      %jit3A_321 = arith.constant 8 : i32
      %eq3A_322 = arith.constant 0 : i32
      %eq3A_323 = arith.cmpi eq, %jit3A_321, %eq3A_322 : i32
      %jit3A_324 = arith.constant 1 : i32
      %select_n3A_325 = arith.select %eq3A_323, %jit3A_324, %jit3A_321 : i32
      %rem3A_326 = arith.remsi %add3A_283, %select_n3A_325 : i32
      %ne3A_327 = arith.constant 0 : i32
      %ne3A_328 = arith.cmpi ne, %rem3A_326, %ne3A_327 : i32
      %lt3A_329 = arith.constant 0 : i32
      %lt3A_330 = arith.cmpi slt, %rem3A_326, %lt3A_329 : i32
      %lt3A_331 = arith.constant 0 : i32
      %lt3A_332 = arith.cmpi slt, %select_n3A_325, %lt3A_331 : i32
      %ne3A_333 = arith.xori %lt3A_330, %lt3A_332 : i1
      %and3A_334 = arith.andi %ne3A_333, %ne3A_328 : i1
      %add3A_335 = arith.addi %rem3A_326, %select_n3A_325 : i32
      %select_n3A_336 = arith.select %and3A_334, %add3A_335, %rem3A_326 : i32
      %mul3A_337 = arith.constant 8192 : i32
      %mul3A_338 = arith.muli %select_n3A_336, %mul3A_337 : i32
      %dma_wait3A_339 = tpu.memref_slice %arg3[%add3A_320, %mul3A_338] : memref<1024x65536xf32, #tpu.memory_space<hbm>> -> memref<1x8192xf32, #tpu.memory_space<hbm>>
      %dma_wait3A_340 = tpu.memref_squeeze %dma_wait3A_339 : memref<1x8192xf32, #tpu.memory_space<hbm>> -> memref<8192xf32, #tpu.memory_space<hbm>>
      %dma_wait3A_341 = tpu.memref_slice %arg3[%add3A_320, %mul3A_338] : memref<1024x65536xf32, #tpu.memory_space<hbm>> -> memref<1x8192xf32, #tpu.memory_space<hbm>>
      %dma_wait3A_342 = tpu.memref_squeeze %dma_wait3A_341 : memref<1x8192xf32, #tpu.memory_space<hbm>> -> memref<8192xf32, #tpu.memory_space<hbm>>
      tpu.wait_dma2 semaphore(%arg18 : memref<!tpu.dma_semaphore, #tpu.memory_space<semaphore_mem>>) src(%dma_wait3A_342 : memref<8192xf32, #tpu.memory_space<hbm>>) dst(%arg10 : memref<8192xf32, #tpu.memory_space<vmem>>)
      %scan3A_343 = arith.constant 0 : i32
      %scan3A_344 = arith.constant 0 : i32
      %scan3A_345 = arith.constant 512 : i32
      %scan3A_346 = arith.addi %scan3A_344, %scan3A_345 : i32
      %scan3A_347 = arith.constant 16 : i32
      scf.for %scan3A_649 = %scan3A_344 to %scan3A_346 step %scan3A_347  : i32 {
        %mul3A_650 = arith.constant 16 : i32
        %mul3A_651 = arith.muli %scan3A_649, %mul3A_650 : i32
        %get3A = arith.index_cast %mul3A_651 : i32 to index
        %get3A_652 = tpu.vector_load %arg10[%get3A] {strides = array<i32>} : memref<8192xf32, #tpu.memory_space<vmem>>, vector<16xf32>,
        %get3A_653 = vector.shape_cast %get3A_652 : vector<16xf32> to vector<16xf32>
        %swap3A = arith.index_cast %mul3A_651 : i32 to index
        %swap3A_654 = tpu.vector_load %arg6[%swap3A] {strides = array<i32>} : memref<8192xf32, #tpu.memory_space<vmem>>, vector<16xf32>,
        %swap3A_655 = vector.shape_cast %swap3A_654 : vector<16xf32> to vector<16xf32>
        %swap3A_656 = vector.shape_cast %get3A_653 : vector<16xf32> to vector<16xf32>
        tpu.vector_store %arg6[%swap3A], %swap3A_656 {add = true, strides = array<i32>} : memref<8192xf32, #tpu.memory_space<vmem>>, vector<16xf32>,
        %scan3A_657 = arith.constant 1 : i32
        %scan3A_658 = arith.addi %scan3A_649, %scan3A_657 : i32
        %mul3A_659 = arith.constant 16 : i32
        %mul3A_660 = arith.muli %scan3A_658, %mul3A_659 : i32
        %get3A_661 = arith.index_cast %mul3A_660 : i32 to index
        %get3A_662 = tpu.vector_load %arg10[%get3A_661] {strides = array<i32>} : memref<8192xf32, #tpu.memory_space<vmem>>, vector<16xf32>,
        %get3A_663 = vector.shape_cast %get3A_662 : vector<16xf32> to vector<16xf32>
        %swap3A_664 = arith.index_cast %mul3A_660 : i32 to index
        %swap3A_665 = tpu.vector_load %arg6[%swap3A_664] {strides = array<i32>} : memref<8192xf32, #tpu.memory_space<vmem>>, vector<16xf32>,
        %swap3A_666 = vector.shape_cast %swap3A_665 : vector<16xf32> to vector<16xf32>
        %swap3A_667 = vector.shape_cast %get3A_663 : vector<16xf32> to vector<16xf32>
        tpu.vector_store %arg6[%swap3A_664], %swap3A_667 {add = true, strides = array<i32>} : memref<8192xf32, #tpu.memory_space<vmem>>, vector<16xf32>,
        %scan3A_668 = arith.constant 2 : i32
        %scan3A_669 = arith.addi %scan3A_649, %scan3A_668 : i32
        %mul3A_670 = arith.constant 16 : i32
        %mul3A_671 = arith.muli %scan3A_669, %mul3A_670 : i32
        %get3A_672 = arith.index_cast %mul3A_671 : i32 to index
        %get3A_673 = tpu.vector_load %arg10[%get3A_672] {strides = array<i32>} : memref<8192xf32, #tpu.memory_space<vmem>>, vector<16xf32>,
        %get3A_674 = vector.shape_cast %get3A_673 : vector<16xf32> to vector<16xf32>
        %swap3A_675 = arith.index_cast %mul3A_671 : i32 to index
        %swap3A_676 = tpu.vector_load %arg6[%swap3A_675] {strides = array<i32>} : memref<8192xf32, #tpu.memory_space<vmem>>, vector<16xf32>,
        %swap3A_677 = vector.shape_cast %swap3A_676 : vector<16xf32> to vector<16xf32>
        %swap3A_678 = vector.shape_cast %get3A_674 : vector<16xf32> to vector<16xf32>
        tpu.vector_store %arg6[%swap3A_675], %swap3A_678 {add = true, strides = array<i32>} : memref<8192xf32, #tpu.memory_space<vmem>>, vector<16xf32>,
        %scan3A_679 = arith.constant 3 : i32
        %scan3A_680 = arith.addi %scan3A_649, %scan3A_679 : i32
        %mul3A_681 = arith.constant 16 : i32
        %mul3A_682 = arith.muli %scan3A_680, %mul3A_681 : i32
        %get3A_683 = arith.index_cast %mul3A_682 : i32 to index
        %get3A_684 = tpu.vector_load %arg10[%get3A_683] {strides = array<i32>} : memref<8192xf32, #tpu.memory_space<vmem>>, vector<16xf32>,
        %get3A_685 = vector.shape_cast %get3A_684 : vector<16xf32> to vector<16xf32>
        %swap3A_686 = arith.index_cast %mul3A_682 : i32 to index
        %swap3A_687 = tpu.vector_load %arg6[%swap3A_686] {strides = array<i32>} : memref<8192xf32, #tpu.memory_space<vmem>>, vector<16xf32>,
        %swap3A_688 = vector.shape_cast %swap3A_687 : vector<16xf32> to vector<16xf32>
        %swap3A_689 = vector.shape_cast %get3A_685 : vector<16xf32> to vector<16xf32>
        tpu.vector_store %arg6[%swap3A_686], %swap3A_689 {add = true, strides = array<i32>} : memref<8192xf32, #tpu.memory_space<vmem>>, vector<16xf32>,
        %scan3A_690 = arith.constant 4 : i32
        %scan3A_691 = arith.addi %scan3A_649, %scan3A_690 : i32
        %mul3A_692 = arith.constant 16 : i32
        %mul3A_693 = arith.muli %scan3A_691, %mul3A_692 : i32
        %get3A_694 = arith.index_cast %mul3A_693 : i32 to index
        %get3A_695 = tpu.vector_load %arg10[%get3A_694] {strides = array<i32>} : memref<8192xf32, #tpu.memory_space<vmem>>, vector<16xf32>,
        %get3A_696 = vector.shape_cast %get3A_695 : vector<16xf32> to vector<16xf32>
        %swap3A_697 = arith.index_cast %mul3A_693 : i32 to index
        %swap3A_698 = tpu.vector_load %arg6[%swap3A_697] {strides = array<i32>} : memref<8192xf32, #tpu.memory_space<vmem>>, vector<16xf32>,
        %swap3A_699 = vector.shape_cast %swap3A_698 : vector<16xf32> to vector<16xf32>
        %swap3A_700 = vector.shape_cast %get3A_696 : vector<16xf32> to vector<16xf32>
        tpu.vector_store %arg6[%swap3A_697], %swap3A_700 {add = true, strides = array<i32>} : memref<8192xf32, #tpu.memory_space<vmem>>, vector<16xf32>,
        %scan3A_701 = arith.constant 5 : i32
        %scan3A_702 = arith.addi %scan3A_649, %scan3A_701 : i32
        %mul3A_703 = arith.constant 16 : i32
        %mul3A_704 = arith.muli %scan3A_702, %mul3A_703 : i32
        %get3A_705 = arith.index_cast %mul3A_704 : i32 to index
        %get3A_706 = tpu.vector_load %arg10[%get3A_705] {strides = array<i32>} : memref<8192xf32, #tpu.memory_space<vmem>>, vector<16xf32>,
        %get3A_707 = vector.shape_cast %get3A_706 : vector<16xf32> to vector<16xf32>
        %swap3A_708 = arith.index_cast %mul3A_704 : i32 to index
        %swap3A_709 = tpu.vector_load %arg6[%swap3A_708] {strides = array<i32>} : memref<8192xf32, #tpu.memory_space<vmem>>, vector<16xf32>,
        %swap3A_710 = vector.shape_cast %swap3A_709 : vector<16xf32> to vector<16xf32>
        %swap3A_711 = vector.shape_cast %get3A_707 : vector<16xf32> to vector<16xf32>
        tpu.vector_store %arg6[%swap3A_708], %swap3A_711 {add = true, strides = array<i32>} : memref<8192xf32, #tpu.memory_space<vmem>>, vector<16xf32>,
        %scan3A_712 = arith.constant 6 : i32
        %scan3A_713 = arith.addi %scan3A_649, %scan3A_712 : i32
        %mul3A_714 = arith.constant 16 : i32
        %mul3A_715 = arith.muli %scan3A_713, %mul3A_714 : i32
        %get3A_716 = arith.index_cast %mul3A_715 : i32 to index
        %get3A_717 = tpu.vector_load %arg10[%get3A_716] {strides = array<i32>} : memref<8192xf32, #tpu.memory_space<vmem>>, vector<16xf32>,
        %get3A_718 = vector.shape_cast %get3A_717 : vector<16xf32> to vector<16xf32>
        %swap3A_719 = arith.index_cast %mul3A_715 : i32 to index
        %swap3A_720 = tpu.vector_load %arg6[%swap3A_719] {strides = array<i32>} : memref<8192xf32, #tpu.memory_space<vmem>>, vector<16xf32>,
        %swap3A_721 = vector.shape_cast %swap3A_720 : vector<16xf32> to vector<16xf32>
        %swap3A_722 = vector.shape_cast %get3A_718 : vector<16xf32> to vector<16xf32>
        tpu.vector_store %arg6[%swap3A_719], %swap3A_722 {add = true, strides = array<i32>} : memref<8192xf32, #tpu.memory_space<vmem>>, vector<16xf32>,
        %scan3A_723 = arith.constant 7 : i32
        %scan3A_724 = arith.addi %scan3A_649, %scan3A_723 : i32
        %mul3A_725 = arith.constant 16 : i32
        %mul3A_726 = arith.muli %scan3A_724, %mul3A_725 : i32
        %get3A_727 = arith.index_cast %mul3A_726 : i32 to index
        %get3A_728 = tpu.vector_load %arg10[%get3A_727] {strides = array<i32>} : memref<8192xf32, #tpu.memory_space<vmem>>, vector<16xf32>,
        %get3A_729 = vector.shape_cast %get3A_728 : vector<16xf32> to vector<16xf32>
        %swap3A_730 = arith.index_cast %mul3A_726 : i32 to index
        %swap3A_731 = tpu.vector_load %arg6[%swap3A_730] {strides = array<i32>} : memref<8192xf32, #tpu.memory_space<vmem>>, vector<16xf32>,
        %swap3A_732 = vector.shape_cast %swap3A_731 : vector<16xf32> to vector<16xf32>
        %swap3A_733 = vector.shape_cast %get3A_729 : vector<16xf32> to vector<16xf32>
        tpu.vector_store %arg6[%swap3A_730], %swap3A_733 {add = true, strides = array<i32>} : memref<8192xf32, #tpu.memory_space<vmem>>, vector<16xf32>,
        %scan3A_734 = arith.constant 8 : i32
        %scan3A_735 = arith.addi %scan3A_649, %scan3A_734 : i32
        %mul3A_736 = arith.constant 16 : i32
        %mul3A_737 = arith.muli %scan3A_735, %mul3A_736 : i32
        %get3A_738 = arith.index_cast %mul3A_737 : i32 to index
        %get3A_739 = tpu.vector_load %arg10[%get3A_738] {strides = array<i32>} : memref<8192xf32, #tpu.memory_space<vmem>>, vector<16xf32>,
        %get3A_740 = vector.shape_cast %get3A_739 : vector<16xf32> to vector<16xf32>
        %swap3A_741 = arith.index_cast %mul3A_737 : i32 to index
        %swap3A_742 = tpu.vector_load %arg6[%swap3A_741] {strides = array<i32>} : memref<8192xf32, #tpu.memory_space<vmem>>, vector<16xf32>,
        %swap3A_743 = vector.shape_cast %swap3A_742 : vector<16xf32> to vector<16xf32>
        %swap3A_744 = vector.shape_cast %get3A_740 : vector<16xf32> to vector<16xf32>
        tpu.vector_store %arg6[%swap3A_741], %swap3A_744 {add = true, strides = array<i32>} : memref<8192xf32, #tpu.memory_space<vmem>>, vector<16xf32>,
        %scan3A_745 = arith.constant 9 : i32
        %scan3A_746 = arith.addi %scan3A_649, %scan3A_745 : i32
        %mul3A_747 = arith.constant 16 : i32
        %mul3A_748 = arith.muli %scan3A_746, %mul3A_747 : i32
        %get3A_749 = arith.index_cast %mul3A_748 : i32 to index
        %get3A_750 = tpu.vector_load %arg10[%get3A_749] {strides = array<i32>} : memref<8192xf32, #tpu.memory_space<vmem>>, vector<16xf32>,
        %get3A_751 = vector.shape_cast %get3A_750 : vector<16xf32> to vector<16xf32>
        %swap3A_752 = arith.index_cast %mul3A_748 : i32 to index
        %swap3A_753 = tpu.vector_load %arg6[%swap3A_752] {strides = array<i32>} : memref<8192xf32, #tpu.memory_space<vmem>>, vector<16xf32>,
        %swap3A_754 = vector.shape_cast %swap3A_753 : vector<16xf32> to vector<16xf32>
        %swap3A_755 = vector.shape_cast %get3A_751 : vector<16xf32> to vector<16xf32>
        tpu.vector_store %arg6[%swap3A_752], %swap3A_755 {add = true, strides = array<i32>} : memref<8192xf32, #tpu.memory_space<vmem>>, vector<16xf32>,
        %scan3A_756 = arith.constant 10 : i32
        %scan3A_757 = arith.addi %scan3A_649, %scan3A_756 : i32
        %mul3A_758 = arith.constant 16 : i32
        %mul3A_759 = arith.muli %scan3A_757, %mul3A_758 : i32
        %get3A_760 = arith.index_cast %mul3A_759 : i32 to index
        %get3A_761 = tpu.vector_load %arg10[%get3A_760] {strides = array<i32>} : memref<8192xf32, #tpu.memory_space<vmem>>, vector<16xf32>,
        %get3A_762 = vector.shape_cast %get3A_761 : vector<16xf32> to vector<16xf32>
        %swap3A_763 = arith.index_cast %mul3A_759 : i32 to index
        %swap3A_764 = tpu.vector_load %arg6[%swap3A_763] {strides = array<i32>} : memref<8192xf32, #tpu.memory_space<vmem>>, vector<16xf32>,
        %swap3A_765 = vector.shape_cast %swap3A_764 : vector<16xf32> to vector<16xf32>
        %swap3A_766 = vector.shape_cast %get3A_762 : vector<16xf32> to vector<16xf32>
        tpu.vector_store %arg6[%swap3A_763], %swap3A_766 {add = true, strides = array<i32>} : memref<8192xf32, #tpu.memory_space<vmem>>, vector<16xf32>,
        %scan3A_767 = arith.constant 11 : i32
        %scan3A_768 = arith.addi %scan3A_649, %scan3A_767 : i32
        %mul3A_769 = arith.constant 16 : i32
        %mul3A_770 = arith.muli %scan3A_768, %mul3A_769 : i32
        %get3A_771 = arith.index_cast %mul3A_770 : i32 to index
        %get3A_772 = tpu.vector_load %arg10[%get3A_771] {strides = array<i32>} : memref<8192xf32, #tpu.memory_space<vmem>>, vector<16xf32>,
        %get3A_773 = vector.shape_cast %get3A_772 : vector<16xf32> to vector<16xf32>
        %swap3A_774 = arith.index_cast %mul3A_770 : i32 to index
        %swap3A_775 = tpu.vector_load %arg6[%swap3A_774] {strides = array<i32>} : memref<8192xf32, #tpu.memory_space<vmem>>, vector<16xf32>,
        %swap3A_776 = vector.shape_cast %swap3A_775 : vector<16xf32> to vector<16xf32>
        %swap3A_777 = vector.shape_cast %get3A_773 : vector<16xf32> to vector<16xf32>
        tpu.vector_store %arg6[%swap3A_774], %swap3A_777 {add = true, strides = array<i32>} : memref<8192xf32, #tpu.memory_space<vmem>>, vector<16xf32>,
        %scan3A_778 = arith.constant 12 : i32
        %scan3A_779 = arith.addi %scan3A_649, %scan3A_778 : i32
        %mul3A_780 = arith.constant 16 : i32
        %mul3A_781 = arith.muli %scan3A_779, %mul3A_780 : i32
        %get3A_782 = arith.index_cast %mul3A_781 : i32 to index
        %get3A_783 = tpu.vector_load %arg10[%get3A_782] {strides = array<i32>} : memref<8192xf32, #tpu.memory_space<vmem>>, vector<16xf32>,
        %get3A_784 = vector.shape_cast %get3A_783 : vector<16xf32> to vector<16xf32>
        %swap3A_785 = arith.index_cast %mul3A_781 : i32 to index
        %swap3A_786 = tpu.vector_load %arg6[%swap3A_785] {strides = array<i32>} : memref<8192xf32, #tpu.memory_space<vmem>>, vector<16xf32>,
        %swap3A_787 = vector.shape_cast %swap3A_786 : vector<16xf32> to vector<16xf32>
        %swap3A_788 = vector.shape_cast %get3A_784 : vector<16xf32> to vector<16xf32>
        tpu.vector_store %arg6[%swap3A_785], %swap3A_788 {add = true, strides = array<i32>} : memref<8192xf32, #tpu.memory_space<vmem>>, vector<16xf32>,
        %scan3A_789 = arith.constant 13 : i32
        %scan3A_790 = arith.addi %scan3A_649, %scan3A_789 : i32
        %mul3A_791 = arith.constant 16 : i32
        %mul3A_792 = arith.muli %scan3A_790, %mul3A_791 : i32
        %get3A_793 = arith.index_cast %mul3A_792 : i32 to index
        %get3A_794 = tpu.vector_load %arg10[%get3A_793] {strides = array<i32>} : memref<8192xf32, #tpu.memory_space<vmem>>, vector<16xf32>,
        %get3A_795 = vector.shape_cast %get3A_794 : vector<16xf32> to vector<16xf32>
        %swap3A_796 = arith.index_cast %mul3A_792 : i32 to index
        %swap3A_797 = tpu.vector_load %arg6[%swap3A_796] {strides = array<i32>} : memref<8192xf32, #tpu.memory_space<vmem>>, vector<16xf32>,
        %swap3A_798 = vector.shape_cast %swap3A_797 : vector<16xf32> to vector<16xf32>
        %swap3A_799 = vector.shape_cast %get3A_795 : vector<16xf32> to vector<16xf32>
        tpu.vector_store %arg6[%swap3A_796], %swap3A_799 {add = true, strides = array<i32>} : memref<8192xf32, #tpu.memory_space<vmem>>, vector<16xf32>,
        %scan3A_800 = arith.constant 14 : i32
        %scan3A_801 = arith.addi %scan3A_649, %scan3A_800 : i32
        %mul3A_802 = arith.constant 16 : i32
        %mul3A_803 = arith.muli %scan3A_801, %mul3A_802 : i32
        %get3A_804 = arith.index_cast %mul3A_803 : i32 to index
        %get3A_805 = tpu.vector_load %arg10[%get3A_804] {strides = array<i32>} : memref<8192xf32, #tpu.memory_space<vmem>>, vector<16xf32>,
        %get3A_806 = vector.shape_cast %get3A_805 : vector<16xf32> to vector<16xf32>
        %swap3A_807 = arith.index_cast %mul3A_803 : i32 to index
        %swap3A_808 = tpu.vector_load %arg6[%swap3A_807] {strides = array<i32>} : memref<8192xf32, #tpu.memory_space<vmem>>, vector<16xf32>,
        %swap3A_809 = vector.shape_cast %swap3A_808 : vector<16xf32> to vector<16xf32>
        %swap3A_810 = vector.shape_cast %get3A_806 : vector<16xf32> to vector<16xf32>
        tpu.vector_store %arg6[%swap3A_807], %swap3A_810 {add = true, strides = array<i32>} : memref<8192xf32, #tpu.memory_space<vmem>>, vector<16xf32>,
        %scan3A_811 = arith.constant 15 : i32
        %scan3A_812 = arith.addi %scan3A_649, %scan3A_811 : i32
        %mul3A_813 = arith.constant 16 : i32
        %mul3A_814 = arith.muli %scan3A_812, %mul3A_813 : i32
        %get3A_815 = arith.index_cast %mul3A_814 : i32 to index
        %get3A_816 = tpu.vector_load %arg10[%get3A_815] {strides = array<i32>} : memref<8192xf32, #tpu.memory_space<vmem>>, vector<16xf32>,
        %get3A_817 = vector.shape_cast %get3A_816 : vector<16xf32> to vector<16xf32>
        %swap3A_818 = arith.index_cast %mul3A_814 : i32 to index
        %swap3A_819 = tpu.vector_load %arg6[%swap3A_818] {strides = array<i32>} : memref<8192xf32, #tpu.memory_space<vmem>>, vector<16xf32>,
        %swap3A_820 = vector.shape_cast %swap3A_819 : vector<16xf32> to vector<16xf32>
        %swap3A_821 = vector.shape_cast %get3A_817 : vector<16xf32> to vector<16xf32>
        tpu.vector_store %arg6[%swap3A_818], %swap3A_821 {add = true, strides = array<i32>} : memref<8192xf32, #tpu.memory_space<vmem>>, vector<16xf32>,
      }
      %scan3A_348 = arith.constant 512 : i32
      %mul3A_349 = arith.constant 8192 : i32
      %mul3A_350 = arith.muli %add3A_283, %mul3A_349 : i32
      %add3A_351 = arith.addi %mul3A_2, %mul3A_350 : i32
      %dma_start3A_352 = tpu.memref_slice %arg4[%add3A_351] : memref<67108864xf32, #tpu.memory_space<hbm>> -> memref<8192xf32, #tpu.memory_space<hbm>>
      %dma_start3A_353 = tpu.memref_slice %arg4[%add3A_351] : memref<67108864xf32, #tpu.memory_space<hbm>> -> memref<8192xf32, #tpu.memory_space<hbm>>
      tpu.enqueue_dma source(%arg6 : memref<8192xf32, #tpu.memory_space<vmem>>) target(%dma_start3A_353 : memref<8192xf32, #tpu.memory_space<hbm>>) target_semaphore(%arg22 : memref<!tpu.dma_semaphore, #tpu.memory_space<semaphore_mem>>)
      %add3A_354 = arith.constant 4 : i32
      %add3A_355 = arith.addi %add3A_283, %add3A_354 : i32
      %jit3A_356 = arith.constant 8 : i32
      %div3A_357 = arith.divsi %add3A_355, %jit3A_356 : i32
      %sign3A_358 = arith.constant 0 : i32
      %sign3A_359 = arith.cmpi sgt, %add3A_355, %sign3A_358 : i32
      %sign3A_360 = arith.extui %sign3A_359 : i1 to i32
      %sign3A_361 = arith.constant 0 : i32
      %sign3A_362 = arith.cmpi slt, %add3A_355, %sign3A_361 : i32
      %sign3A_363 = arith.extui %sign3A_362 : i1 to i32
      %sign3A_364 = arith.subi %sign3A_360, %sign3A_363 : i32
      %sign3A_365 = arith.constant 0 : i32
      %sign3A_366 = arith.cmpi sgt, %jit3A_356, %sign3A_365 : i32
      %sign3A_367 = arith.extui %sign3A_366 : i1 to i32
      %sign3A_368 = arith.constant 0 : i32
      %sign3A_369 = arith.cmpi slt, %jit3A_356, %sign3A_368 : i32
      %sign3A_370 = arith.extui %sign3A_369 : i1 to i32
      %sign3A_371 = arith.subi %sign3A_367, %sign3A_370 : i32
      %ne3A_372 = arith.cmpi ne, %sign3A_364, %sign3A_371 : i32
      %rem3A_373 = arith.remsi %add3A_355, %jit3A_356 : i32
      %ne3A_374 = arith.constant 0 : i32
      %ne3A_375 = arith.cmpi ne, %rem3A_373, %ne3A_374 : i32
      %and3A_376 = arith.andi %ne3A_372, %ne3A_375 : i1
      %sub3A_377 = arith.constant 1 : i32
      %sub3A_378 = arith.subi %div3A_357, %sub3A_377 : i32
      %select_n3A_379 = arith.select %and3A_376, %sub3A_378, %div3A_357 : i32
      %add3A_380 = arith.addi %mul3A_4, %select_n3A_379 : i32
      %jit3A_381 = arith.constant 8 : i32
      %eq3A_382 = arith.constant 0 : i32
      %eq3A_383 = arith.cmpi eq, %jit3A_381, %eq3A_382 : i32
      %jit3A_384 = arith.constant 1 : i32
      %select_n3A_385 = arith.select %eq3A_383, %jit3A_384, %jit3A_381 : i32
      %rem3A_386 = arith.remsi %add3A_355, %select_n3A_385 : i32
      %ne3A_387 = arith.constant 0 : i32
      %ne3A_388 = arith.cmpi ne, %rem3A_386, %ne3A_387 : i32
      %lt3A_389 = arith.constant 0 : i32
      %lt3A_390 = arith.cmpi slt, %rem3A_386, %lt3A_389 : i32
      %lt3A_391 = arith.constant 0 : i32
      %lt3A_392 = arith.cmpi slt, %select_n3A_385, %lt3A_391 : i32
      %ne3A_393 = arith.xori %lt3A_390, %lt3A_392 : i1
      %and3A_394 = arith.andi %ne3A_393, %ne3A_388 : i1
      %add3A_395 = arith.addi %rem3A_386, %select_n3A_385 : i32
      %select_n3A_396 = arith.select %and3A_394, %add3A_395, %rem3A_386 : i32
      %mul3A_397 = arith.constant 8192 : i32
      %mul3A_398 = arith.muli %select_n3A_396, %mul3A_397 : i32
      %dma_start3A_399 = tpu.memref_slice %arg3[%add3A_380, %mul3A_398] : memref<1024x65536xf32, #tpu.memory_space<hbm>> -> memref<1x8192xf32, #tpu.memory_space<hbm>>
      %dma_start3A_400 = tpu.memref_squeeze %dma_start3A_399 : memref<1x8192xf32, #tpu.memory_space<hbm>> -> memref<8192xf32, #tpu.memory_space<hbm>>
      %dma_start3A_401 = tpu.memref_slice %arg3[%add3A_380, %mul3A_398] : memref<1024x65536xf32, #tpu.memory_space<hbm>> -> memref<1x8192xf32, #tpu.memory_space<hbm>>
      %dma_start3A_402 = tpu.memref_squeeze %dma_start3A_401 : memref<1x8192xf32, #tpu.memory_space<hbm>> -> memref<8192xf32, #tpu.memory_space<hbm>>
      tpu.enqueue_dma source(%dma_start3A_402 : memref<8192xf32, #tpu.memory_space<hbm>>) target(%arg10 : memref<8192xf32, #tpu.memory_space<vmem>>) target_semaphore(%arg18 : memref<!tpu.dma_semaphore, #tpu.memory_space<semaphore_mem>>)
      %mul3A_403 = arith.constant 4 : i32
      %mul3A_404 = arith.muli %scan3A_168, %mul3A_403 : i32
      %add3A_405 = arith.constant 2 : i32
      %add3A_406 = arith.addi %mul3A_404, %add3A_405 : i32
      %add3A_407 = arith.constant 2 : i32
      %add3A_408 = arith.addi %add3A_406, %add3A_407 : i32
      %lt3A_409 = arith.constant 256 : i32
      %lt3A_410 = arith.cmpi slt, %add3A_408, %lt3A_409 : i32
      %convert_element_type3A_411 = arith.extui %lt3A_410 : i1 to i32
      %cond3A_412 = arith.constant 0 : i32
      %cond3A_413 = arith.cmpi ne, %convert_element_type3A_411, %cond3A_412 : i32
      scf.if %cond3A_413 {
        %ge3A = arith.constant 4 : i32
        %ge3A_649 = arith.cmpi sge, %add3A_408, %ge3A : i32
        %convert_element_type3A_650 = arith.extui %ge3A_649 : i1 to i32
        %cond3A_651 = arith.constant 0 : i32
        %cond3A_652 = arith.cmpi ne, %convert_element_type3A_650, %cond3A_651 : i32
        scf.if %cond3A_652 {
          %sub3A_658 = arith.constant 4 : i32
          %sub3A_659 = arith.subi %add3A_408, %sub3A_658 : i32
          %mul3A_660 = arith.constant 8192 : i32
          %mul3A_661 = arith.muli %sub3A_659, %mul3A_660 : i32
          %add3A_662 = arith.addi %mul3A_2, %mul3A_661 : i32
          %dma_wait3A_663 = tpu.memref_slice %arg4[%add3A_662] : memref<67108864xf32, #tpu.memory_space<hbm>> -> memref<8192xf32, #tpu.memory_space<hbm>>
          %dma_wait3A_664 = tpu.memref_slice %arg4[%add3A_662] : memref<67108864xf32, #tpu.memory_space<hbm>> -> memref<8192xf32, #tpu.memory_space<hbm>>
          tpu.wait_dma2 semaphore(%arg21 : memref<!tpu.dma_semaphore, #tpu.memory_space<semaphore_mem>>) src(%arg5 : memref<8192xf32, #tpu.memory_space<vmem>>) dst(%dma_wait3A_664 : memref<8192xf32, #tpu.memory_space<hbm>>)
        } else {
        }
        %mul3A_653 = arith.constant 8192 : i32
        %mul3A_654 = arith.muli %add3A_408, %mul3A_653 : i32
        %add3A_655 = arith.addi %mul3A_2, %mul3A_654 : i32
        %dma_start3A_656 = tpu.memref_slice %arg2[%add3A_655] : memref<67108864xf32, #tpu.memory_space<hbm>> -> memref<8192xf32, #tpu.memory_space<hbm>>
        %dma_start3A_657 = tpu.memref_slice %arg2[%add3A_655] : memref<67108864xf32, #tpu.memory_space<hbm>> -> memref<8192xf32, #tpu.memory_space<hbm>>
        tpu.enqueue_dma source(%dma_start3A_657 : memref<8192xf32, #tpu.memory_space<hbm>>) target(%arg5 : memref<8192xf32, #tpu.memory_space<vmem>>) target_semaphore(%arg13 : memref<!tpu.dma_semaphore, #tpu.memory_space<semaphore_mem>>)
      } else {
      }
      %mul3A_414 = arith.constant 8192 : i32
      %mul3A_415 = arith.muli %add3A_406, %mul3A_414 : i32
      %add3A_416 = arith.addi %mul3A_2, %mul3A_415 : i32
      %dma_wait3A_417 = tpu.memref_slice %arg2[%add3A_416] : memref<67108864xf32, #tpu.memory_space<hbm>> -> memref<8192xf32, #tpu.memory_space<hbm>>
      %dma_wait3A_418 = tpu.memref_slice %arg2[%add3A_416] : memref<67108864xf32, #tpu.memory_space<hbm>> -> memref<8192xf32, #tpu.memory_space<hbm>>
      tpu.wait_dma2 semaphore(%arg15 : memref<!tpu.dma_semaphore, #tpu.memory_space<semaphore_mem>>) src(%dma_wait3A_418 : memref<8192xf32, #tpu.memory_space<hbm>>) dst(%arg7 : memref<8192xf32, #tpu.memory_space<vmem>>)
      %jit3A_419 = arith.constant 8 : i32
      %div3A_420 = arith.divsi %add3A_406, %jit3A_419 : i32
      %sign3A_421 = arith.constant 0 : i32
      %sign3A_422 = arith.cmpi sgt, %add3A_406, %sign3A_421 : i32
      %sign3A_423 = arith.extui %sign3A_422 : i1 to i32
      %sign3A_424 = arith.constant 0 : i32
      %sign3A_425 = arith.cmpi slt, %add3A_406, %sign3A_424 : i32
      %sign3A_426 = arith.extui %sign3A_425 : i1 to i32
      %sign3A_427 = arith.subi %sign3A_423, %sign3A_426 : i32
      %sign3A_428 = arith.constant 0 : i32
      %sign3A_429 = arith.cmpi sgt, %jit3A_419, %sign3A_428 : i32
      %sign3A_430 = arith.extui %sign3A_429 : i1 to i32
      %sign3A_431 = arith.constant 0 : i32
      %sign3A_432 = arith.cmpi slt, %jit3A_419, %sign3A_431 : i32
      %sign3A_433 = arith.extui %sign3A_432 : i1 to i32
      %sign3A_434 = arith.subi %sign3A_430, %sign3A_433 : i32
      %ne3A_435 = arith.cmpi ne, %sign3A_427, %sign3A_434 : i32
      %rem3A_436 = arith.remsi %add3A_406, %jit3A_419 : i32
      %ne3A_437 = arith.constant 0 : i32
      %ne3A_438 = arith.cmpi ne, %rem3A_436, %ne3A_437 : i32
      %and3A_439 = arith.andi %ne3A_435, %ne3A_438 : i1
      %sub3A_440 = arith.constant 1 : i32
      %sub3A_441 = arith.subi %div3A_420, %sub3A_440 : i32
      %select_n3A_442 = arith.select %and3A_439, %sub3A_441, %div3A_420 : i32
      %add3A_443 = arith.addi %mul3A_4, %select_n3A_442 : i32
      %jit3A_444 = arith.constant 8 : i32
      %eq3A_445 = arith.constant 0 : i32
      %eq3A_446 = arith.cmpi eq, %jit3A_444, %eq3A_445 : i32
      %jit3A_447 = arith.constant 1 : i32
      %select_n3A_448 = arith.select %eq3A_446, %jit3A_447, %jit3A_444 : i32
      %rem3A_449 = arith.remsi %add3A_406, %select_n3A_448 : i32
      %ne3A_450 = arith.constant 0 : i32
      %ne3A_451 = arith.cmpi ne, %rem3A_449, %ne3A_450 : i32
      %lt3A_452 = arith.constant 0 : i32
      %lt3A_453 = arith.cmpi slt, %rem3A_449, %lt3A_452 : i32
      %lt3A_454 = arith.constant 0 : i32
      %lt3A_455 = arith.cmpi slt, %select_n3A_448, %lt3A_454 : i32
      %ne3A_456 = arith.xori %lt3A_453, %lt3A_455 : i1
      %and3A_457 = arith.andi %ne3A_456, %ne3A_451 : i1
      %add3A_458 = arith.addi %rem3A_449, %select_n3A_448 : i32
      %select_n3A_459 = arith.select %and3A_457, %add3A_458, %rem3A_449 : i32
      %mul3A_460 = arith.constant 8192 : i32
      %mul3A_461 = arith.muli %select_n3A_459, %mul3A_460 : i32
      %dma_wait3A_462 = tpu.memref_slice %arg3[%add3A_443, %mul3A_461] : memref<1024x65536xf32, #tpu.memory_space<hbm>> -> memref<1x8192xf32, #tpu.memory_space<hbm>>
      %dma_wait3A_463 = tpu.memref_squeeze %dma_wait3A_462 : memref<1x8192xf32, #tpu.memory_space<hbm>> -> memref<8192xf32, #tpu.memory_space<hbm>>
      %dma_wait3A_464 = tpu.memref_slice %arg3[%add3A_443, %mul3A_461] : memref<1024x65536xf32, #tpu.memory_space<hbm>> -> memref<1x8192xf32, #tpu.memory_space<hbm>>
      %dma_wait3A_465 = tpu.memref_squeeze %dma_wait3A_464 : memref<1x8192xf32, #tpu.memory_space<hbm>> -> memref<8192xf32, #tpu.memory_space<hbm>>
      tpu.wait_dma2 semaphore(%arg19 : memref<!tpu.dma_semaphore, #tpu.memory_space<semaphore_mem>>) src(%dma_wait3A_465 : memref<8192xf32, #tpu.memory_space<hbm>>) dst(%arg11 : memref<8192xf32, #tpu.memory_space<vmem>>)
      %scan3A_466 = arith.constant 0 : i32
      %scan3A_467 = arith.constant 0 : i32
      %scan3A_468 = arith.constant 512 : i32
      %scan3A_469 = arith.addi %scan3A_467, %scan3A_468 : i32
      %scan3A_470 = arith.constant 16 : i32
      scf.for %scan3A_649 = %scan3A_467 to %scan3A_469 step %scan3A_470  : i32 {
        %mul3A_650 = arith.constant 16 : i32
        %mul3A_651 = arith.muli %scan3A_649, %mul3A_650 : i32
        %get3A = arith.index_cast %mul3A_651 : i32 to index
        %get3A_652 = tpu.vector_load %arg11[%get3A] {strides = array<i32>} : memref<8192xf32, #tpu.memory_space<vmem>>, vector<16xf32>,
        %get3A_653 = vector.shape_cast %get3A_652 : vector<16xf32> to vector<16xf32>
        %swap3A = arith.index_cast %mul3A_651 : i32 to index
        %swap3A_654 = tpu.vector_load %arg7[%swap3A] {strides = array<i32>} : memref<8192xf32, #tpu.memory_space<vmem>>, vector<16xf32>,
        %swap3A_655 = vector.shape_cast %swap3A_654 : vector<16xf32> to vector<16xf32>
        %swap3A_656 = vector.shape_cast %get3A_653 : vector<16xf32> to vector<16xf32>
        tpu.vector_store %arg7[%swap3A], %swap3A_656 {add = true, strides = array<i32>} : memref<8192xf32, #tpu.memory_space<vmem>>, vector<16xf32>,
        %scan3A_657 = arith.constant 1 : i32
        %scan3A_658 = arith.addi %scan3A_649, %scan3A_657 : i32
        %mul3A_659 = arith.constant 16 : i32
        %mul3A_660 = arith.muli %scan3A_658, %mul3A_659 : i32
        %get3A_661 = arith.index_cast %mul3A_660 : i32 to index
        %get3A_662 = tpu.vector_load %arg11[%get3A_661] {strides = array<i32>} : memref<8192xf32, #tpu.memory_space<vmem>>, vector<16xf32>,
        %get3A_663 = vector.shape_cast %get3A_662 : vector<16xf32> to vector<16xf32>
        %swap3A_664 = arith.index_cast %mul3A_660 : i32 to index
        %swap3A_665 = tpu.vector_load %arg7[%swap3A_664] {strides = array<i32>} : memref<8192xf32, #tpu.memory_space<vmem>>, vector<16xf32>,
        %swap3A_666 = vector.shape_cast %swap3A_665 : vector<16xf32> to vector<16xf32>
        %swap3A_667 = vector.shape_cast %get3A_663 : vector<16xf32> to vector<16xf32>
        tpu.vector_store %arg7[%swap3A_664], %swap3A_667 {add = true, strides = array<i32>} : memref<8192xf32, #tpu.memory_space<vmem>>, vector<16xf32>,
        %scan3A_668 = arith.constant 2 : i32
        %scan3A_669 = arith.addi %scan3A_649, %scan3A_668 : i32
        %mul3A_670 = arith.constant 16 : i32
        %mul3A_671 = arith.muli %scan3A_669, %mul3A_670 : i32
        %get3A_672 = arith.index_cast %mul3A_671 : i32 to index
        %get3A_673 = tpu.vector_load %arg11[%get3A_672] {strides = array<i32>} : memref<8192xf32, #tpu.memory_space<vmem>>, vector<16xf32>,
        %get3A_674 = vector.shape_cast %get3A_673 : vector<16xf32> to vector<16xf32>
        %swap3A_675 = arith.index_cast %mul3A_671 : i32 to index
        %swap3A_676 = tpu.vector_load %arg7[%swap3A_675] {strides = array<i32>} : memref<8192xf32, #tpu.memory_space<vmem>>, vector<16xf32>,
        %swap3A_677 = vector.shape_cast %swap3A_676 : vector<16xf32> to vector<16xf32>
        %swap3A_678 = vector.shape_cast %get3A_674 : vector<16xf32> to vector<16xf32>
        tpu.vector_store %arg7[%swap3A_675], %swap3A_678 {add = true, strides = array<i32>} : memref<8192xf32, #tpu.memory_space<vmem>>, vector<16xf32>,
        %scan3A_679 = arith.constant 3 : i32
        %scan3A_680 = arith.addi %scan3A_649, %scan3A_679 : i32
        %mul3A_681 = arith.constant 16 : i32
        %mul3A_682 = arith.muli %scan3A_680, %mul3A_681 : i32
        %get3A_683 = arith.index_cast %mul3A_682 : i32 to index
        %get3A_684 = tpu.vector_load %arg11[%get3A_683] {strides = array<i32>} : memref<8192xf32, #tpu.memory_space<vmem>>, vector<16xf32>,
        %get3A_685 = vector.shape_cast %get3A_684 : vector<16xf32> to vector<16xf32>
        %swap3A_686 = arith.index_cast %mul3A_682 : i32 to index
        %swap3A_687 = tpu.vector_load %arg7[%swap3A_686] {strides = array<i32>} : memref<8192xf32, #tpu.memory_space<vmem>>, vector<16xf32>,
        %swap3A_688 = vector.shape_cast %swap3A_687 : vector<16xf32> to vector<16xf32>
        %swap3A_689 = vector.shape_cast %get3A_685 : vector<16xf32> to vector<16xf32>
        tpu.vector_store %arg7[%swap3A_686], %swap3A_689 {add = true, strides = array<i32>} : memref<8192xf32, #tpu.memory_space<vmem>>, vector<16xf32>,
        %scan3A_690 = arith.constant 4 : i32
        %scan3A_691 = arith.addi %scan3A_649, %scan3A_690 : i32
        %mul3A_692 = arith.constant 16 : i32
        %mul3A_693 = arith.muli %scan3A_691, %mul3A_692 : i32
        %get3A_694 = arith.index_cast %mul3A_693 : i32 to index
        %get3A_695 = tpu.vector_load %arg11[%get3A_694] {strides = array<i32>} : memref<8192xf32, #tpu.memory_space<vmem>>, vector<16xf32>,
        %get3A_696 = vector.shape_cast %get3A_695 : vector<16xf32> to vector<16xf32>
        %swap3A_697 = arith.index_cast %mul3A_693 : i32 to index
        %swap3A_698 = tpu.vector_load %arg7[%swap3A_697] {strides = array<i32>} : memref<8192xf32, #tpu.memory_space<vmem>>, vector<16xf32>,
        %swap3A_699 = vector.shape_cast %swap3A_698 : vector<16xf32> to vector<16xf32>
        %swap3A_700 = vector.shape_cast %get3A_696 : vector<16xf32> to vector<16xf32>
        tpu.vector_store %arg7[%swap3A_697], %swap3A_700 {add = true, strides = array<i32>} : memref<8192xf32, #tpu.memory_space<vmem>>, vector<16xf32>,
        %scan3A_701 = arith.constant 5 : i32
        %scan3A_702 = arith.addi %scan3A_649, %scan3A_701 : i32
        %mul3A_703 = arith.constant 16 : i32
        %mul3A_704 = arith.muli %scan3A_702, %mul3A_703 : i32
        %get3A_705 = arith.index_cast %mul3A_704 : i32 to index
        %get3A_706 = tpu.vector_load %arg11[%get3A_705] {strides = array<i32>} : memref<8192xf32, #tpu.memory_space<vmem>>, vector<16xf32>,
        %get3A_707 = vector.shape_cast %get3A_706 : vector<16xf32> to vector<16xf32>
        %swap3A_708 = arith.index_cast %mul3A_704 : i32 to index
        %swap3A_709 = tpu.vector_load %arg7[%swap3A_708] {strides = array<i32>} : memref<8192xf32, #tpu.memory_space<vmem>>, vector<16xf32>,
        %swap3A_710 = vector.shape_cast %swap3A_709 : vector<16xf32> to vector<16xf32>
        %swap3A_711 = vector.shape_cast %get3A_707 : vector<16xf32> to vector<16xf32>
        tpu.vector_store %arg7[%swap3A_708], %swap3A_711 {add = true, strides = array<i32>} : memref<8192xf32, #tpu.memory_space<vmem>>, vector<16xf32>,
        %scan3A_712 = arith.constant 6 : i32
        %scan3A_713 = arith.addi %scan3A_649, %scan3A_712 : i32
        %mul3A_714 = arith.constant 16 : i32
        %mul3A_715 = arith.muli %scan3A_713, %mul3A_714 : i32
        %get3A_716 = arith.index_cast %mul3A_715 : i32 to index
        %get3A_717 = tpu.vector_load %arg11[%get3A_716] {strides = array<i32>} : memref<8192xf32, #tpu.memory_space<vmem>>, vector<16xf32>,
        %get3A_718 = vector.shape_cast %get3A_717 : vector<16xf32> to vector<16xf32>
        %swap3A_719 = arith.index_cast %mul3A_715 : i32 to index
        %swap3A_720 = tpu.vector_load %arg7[%swap3A_719] {strides = array<i32>} : memref<8192xf32, #tpu.memory_space<vmem>>, vector<16xf32>,
        %swap3A_721 = vector.shape_cast %swap3A_720 : vector<16xf32> to vector<16xf32>
        %swap3A_722 = vector.shape_cast %get3A_718 : vector<16xf32> to vector<16xf32>
        tpu.vector_store %arg7[%swap3A_719], %swap3A_722 {add = true, strides = array<i32>} : memref<8192xf32, #tpu.memory_space<vmem>>, vector<16xf32>,
        %scan3A_723 = arith.constant 7 : i32
        %scan3A_724 = arith.addi %scan3A_649, %scan3A_723 : i32
        %mul3A_725 = arith.constant 16 : i32
        %mul3A_726 = arith.muli %scan3A_724, %mul3A_725 : i32
        %get3A_727 = arith.index_cast %mul3A_726 : i32 to index
        %get3A_728 = tpu.vector_load %arg11[%get3A_727] {strides = array<i32>} : memref<8192xf32, #tpu.memory_space<vmem>>, vector<16xf32>,
        %get3A_729 = vector.shape_cast %get3A_728 : vector<16xf32> to vector<16xf32>
        %swap3A_730 = arith.index_cast %mul3A_726 : i32 to index
        %swap3A_731 = tpu.vector_load %arg7[%swap3A_730] {strides = array<i32>} : memref<8192xf32, #tpu.memory_space<vmem>>, vector<16xf32>,
        %swap3A_732 = vector.shape_cast %swap3A_731 : vector<16xf32> to vector<16xf32>
        %swap3A_733 = vector.shape_cast %get3A_729 : vector<16xf32> to vector<16xf32>
        tpu.vector_store %arg7[%swap3A_730], %swap3A_733 {add = true, strides = array<i32>} : memref<8192xf32, #tpu.memory_space<vmem>>, vector<16xf32>,
        %scan3A_734 = arith.constant 8 : i32
        %scan3A_735 = arith.addi %scan3A_649, %scan3A_734 : i32
        %mul3A_736 = arith.constant 16 : i32
        %mul3A_737 = arith.muli %scan3A_735, %mul3A_736 : i32
        %get3A_738 = arith.index_cast %mul3A_737 : i32 to index
        %get3A_739 = tpu.vector_load %arg11[%get3A_738] {strides = array<i32>} : memref<8192xf32, #tpu.memory_space<vmem>>, vector<16xf32>,
        %get3A_740 = vector.shape_cast %get3A_739 : vector<16xf32> to vector<16xf32>
        %swap3A_741 = arith.index_cast %mul3A_737 : i32 to index
        %swap3A_742 = tpu.vector_load %arg7[%swap3A_741] {strides = array<i32>} : memref<8192xf32, #tpu.memory_space<vmem>>, vector<16xf32>,
        %swap3A_743 = vector.shape_cast %swap3A_742 : vector<16xf32> to vector<16xf32>
        %swap3A_744 = vector.shape_cast %get3A_740 : vector<16xf32> to vector<16xf32>
        tpu.vector_store %arg7[%swap3A_741], %swap3A_744 {add = true, strides = array<i32>} : memref<8192xf32, #tpu.memory_space<vmem>>, vector<16xf32>,
        %scan3A_745 = arith.constant 9 : i32
        %scan3A_746 = arith.addi %scan3A_649, %scan3A_745 : i32
        %mul3A_747 = arith.constant 16 : i32
        %mul3A_748 = arith.muli %scan3A_746, %mul3A_747 : i32
        %get3A_749 = arith.index_cast %mul3A_748 : i32 to index
        %get3A_750 = tpu.vector_load %arg11[%get3A_749] {strides = array<i32>} : memref<8192xf32, #tpu.memory_space<vmem>>, vector<16xf32>,
        %get3A_751 = vector.shape_cast %get3A_750 : vector<16xf32> to vector<16xf32>
        %swap3A_752 = arith.index_cast %mul3A_748 : i32 to index
        %swap3A_753 = tpu.vector_load %arg7[%swap3A_752] {strides = array<i32>} : memref<8192xf32, #tpu.memory_space<vmem>>, vector<16xf32>,
        %swap3A_754 = vector.shape_cast %swap3A_753 : vector<16xf32> to vector<16xf32>
        %swap3A_755 = vector.shape_cast %get3A_751 : vector<16xf32> to vector<16xf32>
        tpu.vector_store %arg7[%swap3A_752], %swap3A_755 {add = true, strides = array<i32>} : memref<8192xf32, #tpu.memory_space<vmem>>, vector<16xf32>,
        %scan3A_756 = arith.constant 10 : i32
        %scan3A_757 = arith.addi %scan3A_649, %scan3A_756 : i32
        %mul3A_758 = arith.constant 16 : i32
        %mul3A_759 = arith.muli %scan3A_757, %mul3A_758 : i32
        %get3A_760 = arith.index_cast %mul3A_759 : i32 to index
        %get3A_761 = tpu.vector_load %arg11[%get3A_760] {strides = array<i32>} : memref<8192xf32, #tpu.memory_space<vmem>>, vector<16xf32>,
        %get3A_762 = vector.shape_cast %get3A_761 : vector<16xf32> to vector<16xf32>
        %swap3A_763 = arith.index_cast %mul3A_759 : i32 to index
        %swap3A_764 = tpu.vector_load %arg7[%swap3A_763] {strides = array<i32>} : memref<8192xf32, #tpu.memory_space<vmem>>, vector<16xf32>,
        %swap3A_765 = vector.shape_cast %swap3A_764 : vector<16xf32> to vector<16xf32>
        %swap3A_766 = vector.shape_cast %get3A_762 : vector<16xf32> to vector<16xf32>
        tpu.vector_store %arg7[%swap3A_763], %swap3A_766 {add = true, strides = array<i32>} : memref<8192xf32, #tpu.memory_space<vmem>>, vector<16xf32>,
        %scan3A_767 = arith.constant 11 : i32
        %scan3A_768 = arith.addi %scan3A_649, %scan3A_767 : i32
        %mul3A_769 = arith.constant 16 : i32
        %mul3A_770 = arith.muli %scan3A_768, %mul3A_769 : i32
        %get3A_771 = arith.index_cast %mul3A_770 : i32 to index
        %get3A_772 = tpu.vector_load %arg11[%get3A_771] {strides = array<i32>} : memref<8192xf32, #tpu.memory_space<vmem>>, vector<16xf32>,
        %get3A_773 = vector.shape_cast %get3A_772 : vector<16xf32> to vector<16xf32>
        %swap3A_774 = arith.index_cast %mul3A_770 : i32 to index
        %swap3A_775 = tpu.vector_load %arg7[%swap3A_774] {strides = array<i32>} : memref<8192xf32, #tpu.memory_space<vmem>>, vector<16xf32>,
        %swap3A_776 = vector.shape_cast %swap3A_775 : vector<16xf32> to vector<16xf32>
        %swap3A_777 = vector.shape_cast %get3A_773 : vector<16xf32> to vector<16xf32>
        tpu.vector_store %arg7[%swap3A_774], %swap3A_777 {add = true, strides = array<i32>} : memref<8192xf32, #tpu.memory_space<vmem>>, vector<16xf32>,
        %scan3A_778 = arith.constant 12 : i32
        %scan3A_779 = arith.addi %scan3A_649, %scan3A_778 : i32
        %mul3A_780 = arith.constant 16 : i32
        %mul3A_781 = arith.muli %scan3A_779, %mul3A_780 : i32
        %get3A_782 = arith.index_cast %mul3A_781 : i32 to index
        %get3A_783 = tpu.vector_load %arg11[%get3A_782] {strides = array<i32>} : memref<8192xf32, #tpu.memory_space<vmem>>, vector<16xf32>,
        %get3A_784 = vector.shape_cast %get3A_783 : vector<16xf32> to vector<16xf32>
        %swap3A_785 = arith.index_cast %mul3A_781 : i32 to index
        %swap3A_786 = tpu.vector_load %arg7[%swap3A_785] {strides = array<i32>} : memref<8192xf32, #tpu.memory_space<vmem>>, vector<16xf32>,
        %swap3A_787 = vector.shape_cast %swap3A_786 : vector<16xf32> to vector<16xf32>
        %swap3A_788 = vector.shape_cast %get3A_784 : vector<16xf32> to vector<16xf32>
        tpu.vector_store %arg7[%swap3A_785], %swap3A_788 {add = true, strides = array<i32>} : memref<8192xf32, #tpu.memory_space<vmem>>, vector<16xf32>,
        %scan3A_789 = arith.constant 13 : i32
        %scan3A_790 = arith.addi %scan3A_649, %scan3A_789 : i32
        %mul3A_791 = arith.constant 16 : i32
        %mul3A_792 = arith.muli %scan3A_790, %mul3A_791 : i32
        %get3A_793 = arith.index_cast %mul3A_792 : i32 to index
        %get3A_794 = tpu.vector_load %arg11[%get3A_793] {strides = array<i32>} : memref<8192xf32, #tpu.memory_space<vmem>>, vector<16xf32>,
        %get3A_795 = vector.shape_cast %get3A_794 : vector<16xf32> to vector<16xf32>
        %swap3A_796 = arith.index_cast %mul3A_792 : i32 to index
        %swap3A_797 = tpu.vector_load %arg7[%swap3A_796] {strides = array<i32>} : memref<8192xf32, #tpu.memory_space<vmem>>, vector<16xf32>,
        %swap3A_798 = vector.shape_cast %swap3A_797 : vector<16xf32> to vector<16xf32>
        %swap3A_799 = vector.shape_cast %get3A_795 : vector<16xf32> to vector<16xf32>
        tpu.vector_store %arg7[%swap3A_796], %swap3A_799 {add = true, strides = array<i32>} : memref<8192xf32, #tpu.memory_space<vmem>>, vector<16xf32>,
        %scan3A_800 = arith.constant 14 : i32
        %scan3A_801 = arith.addi %scan3A_649, %scan3A_800 : i32
        %mul3A_802 = arith.constant 16 : i32
        %mul3A_803 = arith.muli %scan3A_801, %mul3A_802 : i32
        %get3A_804 = arith.index_cast %mul3A_803 : i32 to index
        %get3A_805 = tpu.vector_load %arg11[%get3A_804] {strides = array<i32>} : memref<8192xf32, #tpu.memory_space<vmem>>, vector<16xf32>,
        %get3A_806 = vector.shape_cast %get3A_805 : vector<16xf32> to vector<16xf32>
        %swap3A_807 = arith.index_cast %mul3A_803 : i32 to index
        %swap3A_808 = tpu.vector_load %arg7[%swap3A_807] {strides = array<i32>} : memref<8192xf32, #tpu.memory_space<vmem>>, vector<16xf32>,
        %swap3A_809 = vector.shape_cast %swap3A_808 : vector<16xf32> to vector<16xf32>
        %swap3A_810 = vector.shape_cast %get3A_806 : vector<16xf32> to vector<16xf32>
        tpu.vector_store %arg7[%swap3A_807], %swap3A_810 {add = true, strides = array<i32>} : memref<8192xf32, #tpu.memory_space<vmem>>, vector<16xf32>,
        %scan3A_811 = arith.constant 15 : i32
        %scan3A_812 = arith.addi %scan3A_649, %scan3A_811 : i32
        %mul3A_813 = arith.constant 16 : i32
        %mul3A_814 = arith.muli %scan3A_812, %mul3A_813 : i32
        %get3A_815 = arith.index_cast %mul3A_814 : i32 to index
        %get3A_816 = tpu.vector_load %arg11[%get3A_815] {strides = array<i32>} : memref<8192xf32, #tpu.memory_space<vmem>>, vector<16xf32>,
        %get3A_817 = vector.shape_cast %get3A_816 : vector<16xf32> to vector<16xf32>
        %swap3A_818 = arith.index_cast %mul3A_814 : i32 to index
        %swap3A_819 = tpu.vector_load %arg7[%swap3A_818] {strides = array<i32>} : memref<8192xf32, #tpu.memory_space<vmem>>, vector<16xf32>,
        %swap3A_820 = vector.shape_cast %swap3A_819 : vector<16xf32> to vector<16xf32>
        %swap3A_821 = vector.shape_cast %get3A_817 : vector<16xf32> to vector<16xf32>
        tpu.vector_store %arg7[%swap3A_818], %swap3A_821 {add = true, strides = array<i32>} : memref<8192xf32, #tpu.memory_space<vmem>>, vector<16xf32>,
      }
      %scan3A_471 = arith.constant 512 : i32
      %mul3A_472 = arith.constant 8192 : i32
      %mul3A_473 = arith.muli %add3A_406, %mul3A_472 : i32
      %add3A_474 = arith.addi %mul3A_2, %mul3A_473 : i32
      %dma_start3A_475 = tpu.memref_slice %arg4[%add3A_474] : memref<67108864xf32, #tpu.memory_space<hbm>> -> memref<8192xf32, #tpu.memory_space<hbm>>
      %dma_start3A_476 = tpu.memref_slice %arg4[%add3A_474] : memref<67108864xf32, #tpu.memory_space<hbm>> -> memref<8192xf32, #tpu.memory_space<hbm>>
      tpu.enqueue_dma source(%arg7 : memref<8192xf32, #tpu.memory_space<vmem>>) target(%dma_start3A_476 : memref<8192xf32, #tpu.memory_space<hbm>>) target_semaphore(%arg23 : memref<!tpu.dma_semaphore, #tpu.memory_space<semaphore_mem>>)
      %add3A_477 = arith.constant 4 : i32
      %add3A_478 = arith.addi %add3A_406, %add3A_477 : i32
      %jit3A_479 = arith.constant 8 : i32
      %div3A_480 = arith.divsi %add3A_478, %jit3A_479 : i32
      %sign3A_481 = arith.constant 0 : i32
      %sign3A_482 = arith.cmpi sgt, %add3A_478, %sign3A_481 : i32
      %sign3A_483 = arith.extui %sign3A_482 : i1 to i32
      %sign3A_484 = arith.constant 0 : i32
      %sign3A_485 = arith.cmpi slt, %add3A_478, %sign3A_484 : i32
      %sign3A_486 = arith.extui %sign3A_485 : i1 to i32
      %sign3A_487 = arith.subi %sign3A_483, %sign3A_486 : i32
      %sign3A_488 = arith.constant 0 : i32
      %sign3A_489 = arith.cmpi sgt, %jit3A_479, %sign3A_488 : i32
      %sign3A_490 = arith.extui %sign3A_489 : i1 to i32
      %sign3A_491 = arith.constant 0 : i32
      %sign3A_492 = arith.cmpi slt, %jit3A_479, %sign3A_491 : i32
      %sign3A_493 = arith.extui %sign3A_492 : i1 to i32
      %sign3A_494 = arith.subi %sign3A_490, %sign3A_493 : i32
      %ne3A_495 = arith.cmpi ne, %sign3A_487, %sign3A_494 : i32
      %rem3A_496 = arith.remsi %add3A_478, %jit3A_479 : i32
      %ne3A_497 = arith.constant 0 : i32
      %ne3A_498 = arith.cmpi ne, %rem3A_496, %ne3A_497 : i32
      %and3A_499 = arith.andi %ne3A_495, %ne3A_498 : i1
      %sub3A_500 = arith.constant 1 : i32
      %sub3A_501 = arith.subi %div3A_480, %sub3A_500 : i32
      %select_n3A_502 = arith.select %and3A_499, %sub3A_501, %div3A_480 : i32
      %add3A_503 = arith.addi %mul3A_4, %select_n3A_502 : i32
      %jit3A_504 = arith.constant 8 : i32
      %eq3A_505 = arith.constant 0 : i32
      %eq3A_506 = arith.cmpi eq, %jit3A_504, %eq3A_505 : i32
      %jit3A_507 = arith.constant 1 : i32
      %select_n3A_508 = arith.select %eq3A_506, %jit3A_507, %jit3A_504 : i32
      %rem3A_509 = arith.remsi %add3A_478, %select_n3A_508 : i32
      %ne3A_510 = arith.constant 0 : i32
      %ne3A_511 = arith.cmpi ne, %rem3A_509, %ne3A_510 : i32
      %lt3A_512 = arith.constant 0 : i32
      %lt3A_513 = arith.cmpi slt, %rem3A_509, %lt3A_512 : i32
      %lt3A_514 = arith.constant 0 : i32
      %lt3A_515 = arith.cmpi slt, %select_n3A_508, %lt3A_514 : i32
      %ne3A_516 = arith.xori %lt3A_513, %lt3A_515 : i1
      %and3A_517 = arith.andi %ne3A_516, %ne3A_511 : i1
      %add3A_518 = arith.addi %rem3A_509, %select_n3A_508 : i32
      %select_n3A_519 = arith.select %and3A_517, %add3A_518, %rem3A_509 : i32
      %mul3A_520 = arith.constant 8192 : i32
      %mul3A_521 = arith.muli %select_n3A_519, %mul3A_520 : i32
      %dma_start3A_522 = tpu.memref_slice %arg3[%add3A_503, %mul3A_521] : memref<1024x65536xf32, #tpu.memory_space<hbm>> -> memref<1x8192xf32, #tpu.memory_space<hbm>>
      %dma_start3A_523 = tpu.memref_squeeze %dma_start3A_522 : memref<1x8192xf32, #tpu.memory_space<hbm>> -> memref<8192xf32, #tpu.memory_space<hbm>>
      %dma_start3A_524 = tpu.memref_slice %arg3[%add3A_503, %mul3A_521] : memref<1024x65536xf32, #tpu.memory_space<hbm>> -> memref<1x8192xf32, #tpu.memory_space<hbm>>
      %dma_start3A_525 = tpu.memref_squeeze %dma_start3A_524 : memref<1x8192xf32, #tpu.memory_space<hbm>> -> memref<8192xf32, #tpu.memory_space<hbm>>
      tpu.enqueue_dma source(%dma_start3A_525 : memref<8192xf32, #tpu.memory_space<hbm>>) target(%arg11 : memref<8192xf32, #tpu.memory_space<vmem>>) target_semaphore(%arg19 : memref<!tpu.dma_semaphore, #tpu.memory_space<semaphore_mem>>)
      %mul3A_526 = arith.constant 4 : i32
      %mul3A_527 = arith.muli %scan3A_168, %mul3A_526 : i32
      %add3A_528 = arith.constant 3 : i32
      %add3A_529 = arith.addi %mul3A_527, %add3A_528 : i32
      %add3A_530 = arith.constant 2 : i32
      %add3A_531 = arith.addi %add3A_529, %add3A_530 : i32
      %lt3A_532 = arith.constant 256 : i32
      %lt3A_533 = arith.cmpi slt, %add3A_531, %lt3A_532 : i32
      %convert_element_type3A_534 = arith.extui %lt3A_533 : i1 to i32
      %cond3A_535 = arith.constant 0 : i32
      %cond3A_536 = arith.cmpi ne, %convert_element_type3A_534, %cond3A_535 : i32
      scf.if %cond3A_536 {
        %ge3A = arith.constant 4 : i32
        %ge3A_649 = arith.cmpi sge, %add3A_531, %ge3A : i32
        %convert_element_type3A_650 = arith.extui %ge3A_649 : i1 to i32
        %cond3A_651 = arith.constant 0 : i32
        %cond3A_652 = arith.cmpi ne, %convert_element_type3A_650, %cond3A_651 : i32
        scf.if %cond3A_652 {
          %sub3A_658 = arith.constant 4 : i32
          %sub3A_659 = arith.subi %add3A_531, %sub3A_658 : i32
          %mul3A_660 = arith.constant 8192 : i32
          %mul3A_661 = arith.muli %sub3A_659, %mul3A_660 : i32
          %add3A_662 = arith.addi %mul3A_2, %mul3A_661 : i32
          %dma_wait3A_663 = tpu.memref_slice %arg4[%add3A_662] : memref<67108864xf32, #tpu.memory_space<hbm>> -> memref<8192xf32, #tpu.memory_space<hbm>>
          %dma_wait3A_664 = tpu.memref_slice %arg4[%add3A_662] : memref<67108864xf32, #tpu.memory_space<hbm>> -> memref<8192xf32, #tpu.memory_space<hbm>>
          tpu.wait_dma2 semaphore(%arg22 : memref<!tpu.dma_semaphore, #tpu.memory_space<semaphore_mem>>) src(%arg6 : memref<8192xf32, #tpu.memory_space<vmem>>) dst(%dma_wait3A_664 : memref<8192xf32, #tpu.memory_space<hbm>>)
        } else {
        }
        %mul3A_653 = arith.constant 8192 : i32
        %mul3A_654 = arith.muli %add3A_531, %mul3A_653 : i32
        %add3A_655 = arith.addi %mul3A_2, %mul3A_654 : i32
        %dma_start3A_656 = tpu.memref_slice %arg2[%add3A_655] : memref<67108864xf32, #tpu.memory_space<hbm>> -> memref<8192xf32, #tpu.memory_space<hbm>>
        %dma_start3A_657 = tpu.memref_slice %arg2[%add3A_655] : memref<67108864xf32, #tpu.memory_space<hbm>> -> memref<8192xf32, #tpu.memory_space<hbm>>
        tpu.enqueue_dma source(%dma_start3A_657 : memref<8192xf32, #tpu.memory_space<hbm>>) target(%arg6 : memref<8192xf32, #tpu.memory_space<vmem>>) target_semaphore(%arg14 : memref<!tpu.dma_semaphore, #tpu.memory_space<semaphore_mem>>)
      } else {
      }
      %mul3A_537 = arith.constant 8192 : i32
      %mul3A_538 = arith.muli %add3A_529, %mul3A_537 : i32
      %add3A_539 = arith.addi %mul3A_2, %mul3A_538 : i32
      %dma_wait3A_540 = tpu.memref_slice %arg2[%add3A_539] : memref<67108864xf32, #tpu.memory_space<hbm>> -> memref<8192xf32, #tpu.memory_space<hbm>>
      %dma_wait3A_541 = tpu.memref_slice %arg2[%add3A_539] : memref<67108864xf32, #tpu.memory_space<hbm>> -> memref<8192xf32, #tpu.memory_space<hbm>>
      tpu.wait_dma2 semaphore(%arg16 : memref<!tpu.dma_semaphore, #tpu.memory_space<semaphore_mem>>) src(%dma_wait3A_541 : memref<8192xf32, #tpu.memory_space<hbm>>) dst(%arg8 : memref<8192xf32, #tpu.memory_space<vmem>>)
      %jit3A_542 = arith.constant 8 : i32
      %div3A_543 = arith.divsi %add3A_529, %jit3A_542 : i32
      %sign3A_544 = arith.constant 0 : i32
      %sign3A_545 = arith.cmpi sgt, %add3A_529, %sign3A_544 : i32
      %sign3A_546 = arith.extui %sign3A_545 : i1 to i32
      %sign3A_547 = arith.constant 0 : i32
      %sign3A_548 = arith.cmpi slt, %add3A_529, %sign3A_547 : i32
      %sign3A_549 = arith.extui %sign3A_548 : i1 to i32
      %sign3A_550 = arith.subi %sign3A_546, %sign3A_549 : i32
      %sign3A_551 = arith.constant 0 : i32
      %sign3A_552 = arith.cmpi sgt, %jit3A_542, %sign3A_551 : i32
      %sign3A_553 = arith.extui %sign3A_552 : i1 to i32
      %sign3A_554 = arith.constant 0 : i32
      %sign3A_555 = arith.cmpi slt, %jit3A_542, %sign3A_554 : i32
      %sign3A_556 = arith.extui %sign3A_555 : i1 to i32
      %sign3A_557 = arith.subi %sign3A_553, %sign3A_556 : i32
      %ne3A_558 = arith.cmpi ne, %sign3A_550, %sign3A_557 : i32
      %rem3A_559 = arith.remsi %add3A_529, %jit3A_542 : i32
      %ne3A_560 = arith.constant 0 : i32
      %ne3A_561 = arith.cmpi ne, %rem3A_559, %ne3A_560 : i32
      %and3A_562 = arith.andi %ne3A_558, %ne3A_561 : i1
      %sub3A_563 = arith.constant 1 : i32
      %sub3A_564 = arith.subi %div3A_543, %sub3A_563 : i32
      %select_n3A_565 = arith.select %and3A_562, %sub3A_564, %div3A_543 : i32
      %add3A_566 = arith.addi %mul3A_4, %select_n3A_565 : i32
      %jit3A_567 = arith.constant 8 : i32
      %eq3A_568 = arith.constant 0 : i32
      %eq3A_569 = arith.cmpi eq, %jit3A_567, %eq3A_568 : i32
      %jit3A_570 = arith.constant 1 : i32
      %select_n3A_571 = arith.select %eq3A_569, %jit3A_570, %jit3A_567 : i32
      %rem3A_572 = arith.remsi %add3A_529, %select_n3A_571 : i32
      %ne3A_573 = arith.constant 0 : i32
      %ne3A_574 = arith.cmpi ne, %rem3A_572, %ne3A_573 : i32
      %lt3A_575 = arith.constant 0 : i32
      %lt3A_576 = arith.cmpi slt, %rem3A_572, %lt3A_575 : i32
      %lt3A_577 = arith.constant 0 : i32
      %lt3A_578 = arith.cmpi slt, %select_n3A_571, %lt3A_577 : i32
      %ne3A_579 = arith.xori %lt3A_576, %lt3A_578 : i1
      %and3A_580 = arith.andi %ne3A_579, %ne3A_574 : i1
      %add3A_581 = arith.addi %rem3A_572, %select_n3A_571 : i32
      %select_n3A_582 = arith.select %and3A_580, %add3A_581, %rem3A_572 : i32
      %mul3A_583 = arith.constant 8192 : i32
      %mul3A_584 = arith.muli %select_n3A_582, %mul3A_583 : i32
      %dma_wait3A_585 = tpu.memref_slice %arg3[%add3A_566, %mul3A_584] : memref<1024x65536xf32, #tpu.memory_space<hbm>> -> memref<1x8192xf32, #tpu.memory_space<hbm>>
      %dma_wait3A_586 = tpu.memref_squeeze %dma_wait3A_585 : memref<1x8192xf32, #tpu.memory_space<hbm>> -> memref<8192xf32, #tpu.memory_space<hbm>>
      %dma_wait3A_587 = tpu.memref_slice %arg3[%add3A_566, %mul3A_584] : memref<1024x65536xf32, #tpu.memory_space<hbm>> -> memref<1x8192xf32, #tpu.memory_space<hbm>>
      %dma_wait3A_588 = tpu.memref_squeeze %dma_wait3A_587 : memref<1x8192xf32, #tpu.memory_space<hbm>> -> memref<8192xf32, #tpu.memory_space<hbm>>
      tpu.wait_dma2 semaphore(%arg20 : memref<!tpu.dma_semaphore, #tpu.memory_space<semaphore_mem>>) src(%dma_wait3A_588 : memref<8192xf32, #tpu.memory_space<hbm>>) dst(%arg12 : memref<8192xf32, #tpu.memory_space<vmem>>)
      %scan3A_589 = arith.constant 0 : i32
      %scan3A_590 = arith.constant 0 : i32
      %scan3A_591 = arith.constant 512 : i32
      %scan3A_592 = arith.addi %scan3A_590, %scan3A_591 : i32
      %scan3A_593 = arith.constant 16 : i32
      scf.for %scan3A_649 = %scan3A_590 to %scan3A_592 step %scan3A_593  : i32 {
        %mul3A_650 = arith.constant 16 : i32
        %mul3A_651 = arith.muli %scan3A_649, %mul3A_650 : i32
        %get3A = arith.index_cast %mul3A_651 : i32 to index
        %get3A_652 = tpu.vector_load %arg12[%get3A] {strides = array<i32>} : memref<8192xf32, #tpu.memory_space<vmem>>, vector<16xf32>,
        %get3A_653 = vector.shape_cast %get3A_652 : vector<16xf32> to vector<16xf32>
        %swap3A = arith.index_cast %mul3A_651 : i32 to index
        %swap3A_654 = tpu.vector_load %arg8[%swap3A] {strides = array<i32>} : memref<8192xf32, #tpu.memory_space<vmem>>, vector<16xf32>,
        %swap3A_655 = vector.shape_cast %swap3A_654 : vector<16xf32> to vector<16xf32>
        %swap3A_656 = vector.shape_cast %get3A_653 : vector<16xf32> to vector<16xf32>
        tpu.vector_store %arg8[%swap3A], %swap3A_656 {add = true, strides = array<i32>} : memref<8192xf32, #tpu.memory_space<vmem>>, vector<16xf32>,
        %scan3A_657 = arith.constant 1 : i32
        %scan3A_658 = arith.addi %scan3A_649, %scan3A_657 : i32
        %mul3A_659 = arith.constant 16 : i32
        %mul3A_660 = arith.muli %scan3A_658, %mul3A_659 : i32
        %get3A_661 = arith.index_cast %mul3A_660 : i32 to index
        %get3A_662 = tpu.vector_load %arg12[%get3A_661] {strides = array<i32>} : memref<8192xf32, #tpu.memory_space<vmem>>, vector<16xf32>,
        %get3A_663 = vector.shape_cast %get3A_662 : vector<16xf32> to vector<16xf32>
        %swap3A_664 = arith.index_cast %mul3A_660 : i32 to index
        %swap3A_665 = tpu.vector_load %arg8[%swap3A_664] {strides = array<i32>} : memref<8192xf32, #tpu.memory_space<vmem>>, vector<16xf32>,
        %swap3A_666 = vector.shape_cast %swap3A_665 : vector<16xf32> to vector<16xf32>
        %swap3A_667 = vector.shape_cast %get3A_663 : vector<16xf32> to vector<16xf32>
        tpu.vector_store %arg8[%swap3A_664], %swap3A_667 {add = true, strides = array<i32>} : memref<8192xf32, #tpu.memory_space<vmem>>, vector<16xf32>,
        %scan3A_668 = arith.constant 2 : i32
        %scan3A_669 = arith.addi %scan3A_649, %scan3A_668 : i32
        %mul3A_670 = arith.constant 16 : i32
        %mul3A_671 = arith.muli %scan3A_669, %mul3A_670 : i32
        %get3A_672 = arith.index_cast %mul3A_671 : i32 to index
        %get3A_673 = tpu.vector_load %arg12[%get3A_672] {strides = array<i32>} : memref<8192xf32, #tpu.memory_space<vmem>>, vector<16xf32>,
        %get3A_674 = vector.shape_cast %get3A_673 : vector<16xf32> to vector<16xf32>
        %swap3A_675 = arith.index_cast %mul3A_671 : i32 to index
        %swap3A_676 = tpu.vector_load %arg8[%swap3A_675] {strides = array<i32>} : memref<8192xf32, #tpu.memory_space<vmem>>, vector<16xf32>,
        %swap3A_677 = vector.shape_cast %swap3A_676 : vector<16xf32> to vector<16xf32>
        %swap3A_678 = vector.shape_cast %get3A_674 : vector<16xf32> to vector<16xf32>
        tpu.vector_store %arg8[%swap3A_675], %swap3A_678 {add = true, strides = array<i32>} : memref<8192xf32, #tpu.memory_space<vmem>>, vector<16xf32>,
        %scan3A_679 = arith.constant 3 : i32
        %scan3A_680 = arith.addi %scan3A_649, %scan3A_679 : i32
        %mul3A_681 = arith.constant 16 : i32
        %mul3A_682 = arith.muli %scan3A_680, %mul3A_681 : i32
        %get3A_683 = arith.index_cast %mul3A_682 : i32 to index
        %get3A_684 = tpu.vector_load %arg12[%get3A_683] {strides = array<i32>} : memref<8192xf32, #tpu.memory_space<vmem>>, vector<16xf32>,
        %get3A_685 = vector.shape_cast %get3A_684 : vector<16xf32> to vector<16xf32>
        %swap3A_686 = arith.index_cast %mul3A_682 : i32 to index
        %swap3A_687 = tpu.vector_load %arg8[%swap3A_686] {strides = array<i32>} : memref<8192xf32, #tpu.memory_space<vmem>>, vector<16xf32>,
        %swap3A_688 = vector.shape_cast %swap3A_687 : vector<16xf32> to vector<16xf32>
        %swap3A_689 = vector.shape_cast %get3A_685 : vector<16xf32> to vector<16xf32>
        tpu.vector_store %arg8[%swap3A_686], %swap3A_689 {add = true, strides = array<i32>} : memref<8192xf32, #tpu.memory_space<vmem>>, vector<16xf32>,
        %scan3A_690 = arith.constant 4 : i32
        %scan3A_691 = arith.addi %scan3A_649, %scan3A_690 : i32
        %mul3A_692 = arith.constant 16 : i32
        %mul3A_693 = arith.muli %scan3A_691, %mul3A_692 : i32
        %get3A_694 = arith.index_cast %mul3A_693 : i32 to index
        %get3A_695 = tpu.vector_load %arg12[%get3A_694] {strides = array<i32>} : memref<8192xf32, #tpu.memory_space<vmem>>, vector<16xf32>,
        %get3A_696 = vector.shape_cast %get3A_695 : vector<16xf32> to vector<16xf32>
        %swap3A_697 = arith.index_cast %mul3A_693 : i32 to index
        %swap3A_698 = tpu.vector_load %arg8[%swap3A_697] {strides = array<i32>} : memref<8192xf32, #tpu.memory_space<vmem>>, vector<16xf32>,
        %swap3A_699 = vector.shape_cast %swap3A_698 : vector<16xf32> to vector<16xf32>
        %swap3A_700 = vector.shape_cast %get3A_696 : vector<16xf32> to vector<16xf32>
        tpu.vector_store %arg8[%swap3A_697], %swap3A_700 {add = true, strides = array<i32>} : memref<8192xf32, #tpu.memory_space<vmem>>, vector<16xf32>,
        %scan3A_701 = arith.constant 5 : i32
        %scan3A_702 = arith.addi %scan3A_649, %scan3A_701 : i32
        %mul3A_703 = arith.constant 16 : i32
        %mul3A_704 = arith.muli %scan3A_702, %mul3A_703 : i32
        %get3A_705 = arith.index_cast %mul3A_704 : i32 to index
        %get3A_706 = tpu.vector_load %arg12[%get3A_705] {strides = array<i32>} : memref<8192xf32, #tpu.memory_space<vmem>>, vector<16xf32>,
        %get3A_707 = vector.shape_cast %get3A_706 : vector<16xf32> to vector<16xf32>
        %swap3A_708 = arith.index_cast %mul3A_704 : i32 to index
        %swap3A_709 = tpu.vector_load %arg8[%swap3A_708] {strides = array<i32>} : memref<8192xf32, #tpu.memory_space<vmem>>, vector<16xf32>,
        %swap3A_710 = vector.shape_cast %swap3A_709 : vector<16xf32> to vector<16xf32>
        %swap3A_711 = vector.shape_cast %get3A_707 : vector<16xf32> to vector<16xf32>
        tpu.vector_store %arg8[%swap3A_708], %swap3A_711 {add = true, strides = array<i32>} : memref<8192xf32, #tpu.memory_space<vmem>>, vector<16xf32>,
        %scan3A_712 = arith.constant 6 : i32
        %scan3A_713 = arith.addi %scan3A_649, %scan3A_712 : i32
        %mul3A_714 = arith.constant 16 : i32
        %mul3A_715 = arith.muli %scan3A_713, %mul3A_714 : i32
        %get3A_716 = arith.index_cast %mul3A_715 : i32 to index
        %get3A_717 = tpu.vector_load %arg12[%get3A_716] {strides = array<i32>} : memref<8192xf32, #tpu.memory_space<vmem>>, vector<16xf32>,
        %get3A_718 = vector.shape_cast %get3A_717 : vector<16xf32> to vector<16xf32>
        %swap3A_719 = arith.index_cast %mul3A_715 : i32 to index
        %swap3A_720 = tpu.vector_load %arg8[%swap3A_719] {strides = array<i32>} : memref<8192xf32, #tpu.memory_space<vmem>>, vector<16xf32>,
        %swap3A_721 = vector.shape_cast %swap3A_720 : vector<16xf32> to vector<16xf32>
        %swap3A_722 = vector.shape_cast %get3A_718 : vector<16xf32> to vector<16xf32>
        tpu.vector_store %arg8[%swap3A_719], %swap3A_722 {add = true, strides = array<i32>} : memref<8192xf32, #tpu.memory_space<vmem>>, vector<16xf32>,
        %scan3A_723 = arith.constant 7 : i32
        %scan3A_724 = arith.addi %scan3A_649, %scan3A_723 : i32
        %mul3A_725 = arith.constant 16 : i32
        %mul3A_726 = arith.muli %scan3A_724, %mul3A_725 : i32
        %get3A_727 = arith.index_cast %mul3A_726 : i32 to index
        %get3A_728 = tpu.vector_load %arg12[%get3A_727] {strides = array<i32>} : memref<8192xf32, #tpu.memory_space<vmem>>, vector<16xf32>,
        %get3A_729 = vector.shape_cast %get3A_728 : vector<16xf32> to vector<16xf32>
        %swap3A_730 = arith.index_cast %mul3A_726 : i32 to index
        %swap3A_731 = tpu.vector_load %arg8[%swap3A_730] {strides = array<i32>} : memref<8192xf32, #tpu.memory_space<vmem>>, vector<16xf32>,
        %swap3A_732 = vector.shape_cast %swap3A_731 : vector<16xf32> to vector<16xf32>
        %swap3A_733 = vector.shape_cast %get3A_729 : vector<16xf32> to vector<16xf32>
        tpu.vector_store %arg8[%swap3A_730], %swap3A_733 {add = true, strides = array<i32>} : memref<8192xf32, #tpu.memory_space<vmem>>, vector<16xf32>,
        %scan3A_734 = arith.constant 8 : i32
        %scan3A_735 = arith.addi %scan3A_649, %scan3A_734 : i32
        %mul3A_736 = arith.constant 16 : i32
        %mul3A_737 = arith.muli %scan3A_735, %mul3A_736 : i32
        %get3A_738 = arith.index_cast %mul3A_737 : i32 to index
        %get3A_739 = tpu.vector_load %arg12[%get3A_738] {strides = array<i32>} : memref<8192xf32, #tpu.memory_space<vmem>>, vector<16xf32>,
        %get3A_740 = vector.shape_cast %get3A_739 : vector<16xf32> to vector<16xf32>
        %swap3A_741 = arith.index_cast %mul3A_737 : i32 to index
        %swap3A_742 = tpu.vector_load %arg8[%swap3A_741] {strides = array<i32>} : memref<8192xf32, #tpu.memory_space<vmem>>, vector<16xf32>,
        %swap3A_743 = vector.shape_cast %swap3A_742 : vector<16xf32> to vector<16xf32>
        %swap3A_744 = vector.shape_cast %get3A_740 : vector<16xf32> to vector<16xf32>
        tpu.vector_store %arg8[%swap3A_741], %swap3A_744 {add = true, strides = array<i32>} : memref<8192xf32, #tpu.memory_space<vmem>>, vector<16xf32>,
        %scan3A_745 = arith.constant 9 : i32
        %scan3A_746 = arith.addi %scan3A_649, %scan3A_745 : i32
        %mul3A_747 = arith.constant 16 : i32
        %mul3A_748 = arith.muli %scan3A_746, %mul3A_747 : i32
        %get3A_749 = arith.index_cast %mul3A_748 : i32 to index
        %get3A_750 = tpu.vector_load %arg12[%get3A_749] {strides = array<i32>} : memref<8192xf32, #tpu.memory_space<vmem>>, vector<16xf32>,
        %get3A_751 = vector.shape_cast %get3A_750 : vector<16xf32> to vector<16xf32>
        %swap3A_752 = arith.index_cast %mul3A_748 : i32 to index
        %swap3A_753 = tpu.vector_load %arg8[%swap3A_752] {strides = array<i32>} : memref<8192xf32, #tpu.memory_space<vmem>>, vector<16xf32>,
        %swap3A_754 = vector.shape_cast %swap3A_753 : vector<16xf32> to vector<16xf32>
        %swap3A_755 = vector.shape_cast %get3A_751 : vector<16xf32> to vector<16xf32>
        tpu.vector_store %arg8[%swap3A_752], %swap3A_755 {add = true, strides = array<i32>} : memref<8192xf32, #tpu.memory_space<vmem>>, vector<16xf32>,
        %scan3A_756 = arith.constant 10 : i32
        %scan3A_757 = arith.addi %scan3A_649, %scan3A_756 : i32
        %mul3A_758 = arith.constant 16 : i32
        %mul3A_759 = arith.muli %scan3A_757, %mul3A_758 : i32
        %get3A_760 = arith.index_cast %mul3A_759 : i32 to index
        %get3A_761 = tpu.vector_load %arg12[%get3A_760] {strides = array<i32>} : memref<8192xf32, #tpu.memory_space<vmem>>, vector<16xf32>,
        %get3A_762 = vector.shape_cast %get3A_761 : vector<16xf32> to vector<16xf32>
        %swap3A_763 = arith.index_cast %mul3A_759 : i32 to index
        %swap3A_764 = tpu.vector_load %arg8[%swap3A_763] {strides = array<i32>} : memref<8192xf32, #tpu.memory_space<vmem>>, vector<16xf32>,
        %swap3A_765 = vector.shape_cast %swap3A_764 : vector<16xf32> to vector<16xf32>
        %swap3A_766 = vector.shape_cast %get3A_762 : vector<16xf32> to vector<16xf32>
        tpu.vector_store %arg8[%swap3A_763], %swap3A_766 {add = true, strides = array<i32>} : memref<8192xf32, #tpu.memory_space<vmem>>, vector<16xf32>,
        %scan3A_767 = arith.constant 11 : i32
        %scan3A_768 = arith.addi %scan3A_649, %scan3A_767 : i32
        %mul3A_769 = arith.constant 16 : i32
        %mul3A_770 = arith.muli %scan3A_768, %mul3A_769 : i32
        %get3A_771 = arith.index_cast %mul3A_770 : i32 to index
        %get3A_772 = tpu.vector_load %arg12[%get3A_771] {strides = array<i32>} : memref<8192xf32, #tpu.memory_space<vmem>>, vector<16xf32>,
        %get3A_773 = vector.shape_cast %get3A_772 : vector<16xf32> to vector<16xf32>
        %swap3A_774 = arith.index_cast %mul3A_770 : i32 to index
        %swap3A_775 = tpu.vector_load %arg8[%swap3A_774] {strides = array<i32>} : memref<8192xf32, #tpu.memory_space<vmem>>, vector<16xf32>,
        %swap3A_776 = vector.shape_cast %swap3A_775 : vector<16xf32> to vector<16xf32>
        %swap3A_777 = vector.shape_cast %get3A_773 : vector<16xf32> to vector<16xf32>
        tpu.vector_store %arg8[%swap3A_774], %swap3A_777 {add = true, strides = array<i32>} : memref<8192xf32, #tpu.memory_space<vmem>>, vector<16xf32>,
        %scan3A_778 = arith.constant 12 : i32
        %scan3A_779 = arith.addi %scan3A_649, %scan3A_778 : i32
        %mul3A_780 = arith.constant 16 : i32
        %mul3A_781 = arith.muli %scan3A_779, %mul3A_780 : i32
        %get3A_782 = arith.index_cast %mul3A_781 : i32 to index
        %get3A_783 = tpu.vector_load %arg12[%get3A_782] {strides = array<i32>} : memref<8192xf32, #tpu.memory_space<vmem>>, vector<16xf32>,
        %get3A_784 = vector.shape_cast %get3A_783 : vector<16xf32> to vector<16xf32>
        %swap3A_785 = arith.index_cast %mul3A_781 : i32 to index
        %swap3A_786 = tpu.vector_load %arg8[%swap3A_785] {strides = array<i32>} : memref<8192xf32, #tpu.memory_space<vmem>>, vector<16xf32>,
        %swap3A_787 = vector.shape_cast %swap3A_786 : vector<16xf32> to vector<16xf32>
        %swap3A_788 = vector.shape_cast %get3A_784 : vector<16xf32> to vector<16xf32>
        tpu.vector_store %arg8[%swap3A_785], %swap3A_788 {add = true, strides = array<i32>} : memref<8192xf32, #tpu.memory_space<vmem>>, vector<16xf32>,
        %scan3A_789 = arith.constant 13 : i32
        %scan3A_790 = arith.addi %scan3A_649, %scan3A_789 : i32
        %mul3A_791 = arith.constant 16 : i32
        %mul3A_792 = arith.muli %scan3A_790, %mul3A_791 : i32
        %get3A_793 = arith.index_cast %mul3A_792 : i32 to index
        %get3A_794 = tpu.vector_load %arg12[%get3A_793] {strides = array<i32>} : memref<8192xf32, #tpu.memory_space<vmem>>, vector<16xf32>,
        %get3A_795 = vector.shape_cast %get3A_794 : vector<16xf32> to vector<16xf32>
        %swap3A_796 = arith.index_cast %mul3A_792 : i32 to index
        %swap3A_797 = tpu.vector_load %arg8[%swap3A_796] {strides = array<i32>} : memref<8192xf32, #tpu.memory_space<vmem>>, vector<16xf32>,
        %swap3A_798 = vector.shape_cast %swap3A_797 : vector<16xf32> to vector<16xf32>
        %swap3A_799 = vector.shape_cast %get3A_795 : vector<16xf32> to vector<16xf32>
        tpu.vector_store %arg8[%swap3A_796], %swap3A_799 {add = true, strides = array<i32>} : memref<8192xf32, #tpu.memory_space<vmem>>, vector<16xf32>,
        %scan3A_800 = arith.constant 14 : i32
        %scan3A_801 = arith.addi %scan3A_649, %scan3A_800 : i32
        %mul3A_802 = arith.constant 16 : i32
        %mul3A_803 = arith.muli %scan3A_801, %mul3A_802 : i32
        %get3A_804 = arith.index_cast %mul3A_803 : i32 to index
        %get3A_805 = tpu.vector_load %arg12[%get3A_804] {strides = array<i32>} : memref<8192xf32, #tpu.memory_space<vmem>>, vector<16xf32>,
        %get3A_806 = vector.shape_cast %get3A_805 : vector<16xf32> to vector<16xf32>
        %swap3A_807 = arith.index_cast %mul3A_803 : i32 to index
        %swap3A_808 = tpu.vector_load %arg8[%swap3A_807] {strides = array<i32>} : memref<8192xf32, #tpu.memory_space<vmem>>, vector<16xf32>,
        %swap3A_809 = vector.shape_cast %swap3A_808 : vector<16xf32> to vector<16xf32>
        %swap3A_810 = vector.shape_cast %get3A_806 : vector<16xf32> to vector<16xf32>
        tpu.vector_store %arg8[%swap3A_807], %swap3A_810 {add = true, strides = array<i32>} : memref<8192xf32, #tpu.memory_space<vmem>>, vector<16xf32>,
        %scan3A_811 = arith.constant 15 : i32
        %scan3A_812 = arith.addi %scan3A_649, %scan3A_811 : i32
        %mul3A_813 = arith.constant 16 : i32
        %mul3A_814 = arith.muli %scan3A_812, %mul3A_813 : i32
        %get3A_815 = arith.index_cast %mul3A_814 : i32 to index
        %get3A_816 = tpu.vector_load %arg12[%get3A_815] {strides = array<i32>} : memref<8192xf32, #tpu.memory_space<vmem>>, vector<16xf32>,
        %get3A_817 = vector.shape_cast %get3A_816 : vector<16xf32> to vector<16xf32>
        %swap3A_818 = arith.index_cast %mul3A_814 : i32 to index
        %swap3A_819 = tpu.vector_load %arg8[%swap3A_818] {strides = array<i32>} : memref<8192xf32, #tpu.memory_space<vmem>>, vector<16xf32>,
        %swap3A_820 = vector.shape_cast %swap3A_819 : vector<16xf32> to vector<16xf32>
        %swap3A_821 = vector.shape_cast %get3A_817 : vector<16xf32> to vector<16xf32>
        tpu.vector_store %arg8[%swap3A_818], %swap3A_821 {add = true, strides = array<i32>} : memref<8192xf32, #tpu.memory_space<vmem>>, vector<16xf32>,
      }
      %scan3A_594 = arith.constant 512 : i32
      %mul3A_595 = arith.constant 8192 : i32
      %mul3A_596 = arith.muli %add3A_529, %mul3A_595 : i32
      %add3A_597 = arith.addi %mul3A_2, %mul3A_596 : i32
      %dma_start3A_598 = tpu.memref_slice %arg4[%add3A_597] : memref<67108864xf32, #tpu.memory_space<hbm>> -> memref<8192xf32, #tpu.memory_space<hbm>>
      %dma_start3A_599 = tpu.memref_slice %arg4[%add3A_597] : memref<67108864xf32, #tpu.memory_space<hbm>> -> memref<8192xf32, #tpu.memory_space<hbm>>
      tpu.enqueue_dma source(%arg8 : memref<8192xf32, #tpu.memory_space<vmem>>) target(%dma_start3A_599 : memref<8192xf32, #tpu.memory_space<hbm>>) target_semaphore(%arg24 : memref<!tpu.dma_semaphore, #tpu.memory_space<semaphore_mem>>)
      %add3A_600 = arith.constant 4 : i32
      %add3A_601 = arith.addi %add3A_529, %add3A_600 : i32
      %jit3A_602 = arith.constant 8 : i32
      %div3A_603 = arith.divsi %add3A_601, %jit3A_602 : i32
      %sign3A_604 = arith.constant 0 : i32
      %sign3A_605 = arith.cmpi sgt, %add3A_601, %sign3A_604 : i32
      %sign3A_606 = arith.extui %sign3A_605 : i1 to i32
      %sign3A_607 = arith.constant 0 : i32
      %sign3A_608 = arith.cmpi slt, %add3A_601, %sign3A_607 : i32
      %sign3A_609 = arith.extui %sign3A_608 : i1 to i32
      %sign3A_610 = arith.subi %sign3A_606, %sign3A_609 : i32
      %sign3A_611 = arith.constant 0 : i32
      %sign3A_612 = arith.cmpi sgt, %jit3A_602, %sign3A_611 : i32
      %sign3A_613 = arith.extui %sign3A_612 : i1 to i32
      %sign3A_614 = arith.constant 0 : i32
      %sign3A_615 = arith.cmpi slt, %jit3A_602, %sign3A_614 : i32
      %sign3A_616 = arith.extui %sign3A_615 : i1 to i32
      %sign3A_617 = arith.subi %sign3A_613, %sign3A_616 : i32
      %ne3A_618 = arith.cmpi ne, %sign3A_610, %sign3A_617 : i32
      %rem3A_619 = arith.remsi %add3A_601, %jit3A_602 : i32
      %ne3A_620 = arith.constant 0 : i32
      %ne3A_621 = arith.cmpi ne, %rem3A_619, %ne3A_620 : i32
      %and3A_622 = arith.andi %ne3A_618, %ne3A_621 : i1
      %sub3A_623 = arith.constant 1 : i32
      %sub3A_624 = arith.subi %div3A_603, %sub3A_623 : i32
      %select_n3A_625 = arith.select %and3A_622, %sub3A_624, %div3A_603 : i32
      %add3A_626 = arith.addi %mul3A_4, %select_n3A_625 : i32
      %jit3A_627 = arith.constant 8 : i32
      %eq3A_628 = arith.constant 0 : i32
      %eq3A_629 = arith.cmpi eq, %jit3A_627, %eq3A_628 : i32
      %jit3A_630 = arith.constant 1 : i32
      %select_n3A_631 = arith.select %eq3A_629, %jit3A_630, %jit3A_627 : i32
      %rem3A_632 = arith.remsi %add3A_601, %select_n3A_631 : i32
      %ne3A_633 = arith.constant 0 : i32
      %ne3A_634 = arith.cmpi ne, %rem3A_632, %ne3A_633 : i32
      %lt3A_635 = arith.constant 0 : i32
      %lt3A_636 = arith.cmpi slt, %rem3A_632, %lt3A_635 : i32
      %lt3A_637 = arith.constant 0 : i32
      %lt3A_638 = arith.cmpi slt, %select_n3A_631, %lt3A_637 : i32
      %ne3A_639 = arith.xori %lt3A_636, %lt3A_638 : i1
      %and3A_640 = arith.andi %ne3A_639, %ne3A_634 : i1
      %add3A_641 = arith.addi %rem3A_632, %select_n3A_631 : i32
      %select_n3A_642 = arith.select %and3A_640, %add3A_641, %rem3A_632 : i32
      %mul3A_643 = arith.constant 8192 : i32
      %mul3A_644 = arith.muli %select_n3A_642, %mul3A_643 : i32
      %dma_start3A_645 = tpu.memref_slice %arg3[%add3A_626, %mul3A_644] : memref<1024x65536xf32, #tpu.memory_space<hbm>> -> memref<1x8192xf32, #tpu.memory_space<hbm>>
      %dma_start3A_646 = tpu.memref_squeeze %dma_start3A_645 : memref<1x8192xf32, #tpu.memory_space<hbm>> -> memref<8192xf32, #tpu.memory_space<hbm>>
      %dma_start3A_647 = tpu.memref_slice %arg3[%add3A_626, %mul3A_644] : memref<1024x65536xf32, #tpu.memory_space<hbm>> -> memref<1x8192xf32, #tpu.memory_space<hbm>>
      %dma_start3A_648 = tpu.memref_squeeze %dma_start3A_647 : memref<1x8192xf32, #tpu.memory_space<hbm>> -> memref<8192xf32, #tpu.memory_space<hbm>>
      tpu.enqueue_dma source(%dma_start3A_648 : memref<8192xf32, #tpu.memory_space<hbm>>) target(%arg12 : memref<8192xf32, #tpu.memory_space<vmem>>) target_semaphore(%arg20 : memref<!tpu.dma_semaphore, #tpu.memory_space<semaphore_mem>>)
    }
    %scan3A_48 = arith.constant 63 : i32
    %add3A_49 = arith.constant 2064384 : i32
    %add3A_50 = arith.addi %mul3A_2, %add3A_49 : i32
    %dma_wait3A = tpu.memref_slice %arg2[%add3A_50] : memref<67108864xf32, #tpu.memory_space<hbm>> -> memref<8192xf32, #tpu.memory_space<hbm>>
    %dma_wait3A_51 = tpu.memref_slice %arg2[%add3A_50] : memref<67108864xf32, #tpu.memory_space<hbm>> -> memref<8192xf32, #tpu.memory_space<hbm>>
    tpu.wait_dma2 semaphore(%arg13 : memref<!tpu.dma_semaphore, #tpu.memory_space<semaphore_mem>>) src(%dma_wait3A_51 : memref<8192xf32, #tpu.memory_space<hbm>>) dst(%arg5 : memref<8192xf32, #tpu.memory_space<vmem>>)
    %add3A_52 = arith.constant 31 : i32
    %add3A_53 = arith.addi %mul3A_4, %add3A_52 : i32
    %dma_wait3A_54 = arith.constant 32768 : i32
    %dma_wait3A_55 = tpu.memref_slice %arg3[%add3A_53, %dma_wait3A_54] : memref<1024x65536xf32, #tpu.memory_space<hbm>> -> memref<1x8192xf32, #tpu.memory_space<hbm>>
    %dma_wait3A_56 = tpu.memref_squeeze %dma_wait3A_55 : memref<1x8192xf32, #tpu.memory_space<hbm>> -> memref<8192xf32, #tpu.memory_space<hbm>>
    %dma_wait3A_57 = arith.constant 32768 : i32
    %dma_wait3A_58 = tpu.memref_slice %arg3[%add3A_53, %dma_wait3A_57] : memref<1024x65536xf32, #tpu.memory_space<hbm>> -> memref<1x8192xf32, #tpu.memory_space<hbm>>
    %dma_wait3A_59 = tpu.memref_squeeze %dma_wait3A_58 : memref<1x8192xf32, #tpu.memory_space<hbm>> -> memref<8192xf32, #tpu.memory_space<hbm>>
    tpu.wait_dma2 semaphore(%arg17 : memref<!tpu.dma_semaphore, #tpu.memory_space<semaphore_mem>>) src(%dma_wait3A_59 : memref<8192xf32, #tpu.memory_space<hbm>>) dst(%arg9 : memref<8192xf32, #tpu.memory_space<vmem>>)
    %scan3A_60 = arith.constant 0 : i32
    %scan3A_61 = arith.constant 0 : i32
    %scan3A_62 = arith.constant 512 : i32
    %scan3A_63 = arith.addi %scan3A_61, %scan3A_62 : i32
    %scan3A_64 = arith.constant 16 : i32
    scf.for %scan3A_168 = %scan3A_61 to %scan3A_63 step %scan3A_64  : i32 {
      %mul3A_169 = arith.constant 16 : i32
      %mul3A_170 = arith.muli %scan3A_168, %mul3A_169 : i32
      %get3A = arith.index_cast %mul3A_170 : i32 to index
      %get3A_171 = tpu.vector_load %arg9[%get3A] {strides = array<i32>} : memref<8192xf32, #tpu.memory_space<vmem>>, vector<16xf32>,
      %get3A_172 = vector.shape_cast %get3A_171 : vector<16xf32> to vector<16xf32>
      %swap3A = arith.index_cast %mul3A_170 : i32 to index
      %swap3A_173 = tpu.vector_load %arg5[%swap3A] {strides = array<i32>} : memref<8192xf32, #tpu.memory_space<vmem>>, vector<16xf32>,
      %swap3A_174 = vector.shape_cast %swap3A_173 : vector<16xf32> to vector<16xf32>
      %swap3A_175 = vector.shape_cast %get3A_172 : vector<16xf32> to vector<16xf32>
      tpu.vector_store %arg5[%swap3A], %swap3A_175 {add = true, strides = array<i32>} : memref<8192xf32, #tpu.memory_space<vmem>>, vector<16xf32>,
      %scan3A_176 = arith.constant 1 : i32
      %scan3A_177 = arith.addi %scan3A_168, %scan3A_176 : i32
      %mul3A_178 = arith.constant 16 : i32
      %mul3A_179 = arith.muli %scan3A_177, %mul3A_178 : i32
      %get3A_180 = arith.index_cast %mul3A_179 : i32 to index
      %get3A_181 = tpu.vector_load %arg9[%get3A_180] {strides = array<i32>} : memref<8192xf32, #tpu.memory_space<vmem>>, vector<16xf32>,
      %get3A_182 = vector.shape_cast %get3A_181 : vector<16xf32> to vector<16xf32>
      %swap3A_183 = arith.index_cast %mul3A_179 : i32 to index
      %swap3A_184 = tpu.vector_load %arg5[%swap3A_183] {strides = array<i32>} : memref<8192xf32, #tpu.memory_space<vmem>>, vector<16xf32>,
      %swap3A_185 = vector.shape_cast %swap3A_184 : vector<16xf32> to vector<16xf32>
      %swap3A_186 = vector.shape_cast %get3A_182 : vector<16xf32> to vector<16xf32>
      tpu.vector_store %arg5[%swap3A_183], %swap3A_186 {add = true, strides = array<i32>} : memref<8192xf32, #tpu.memory_space<vmem>>, vector<16xf32>,
      %scan3A_187 = arith.constant 2 : i32
      %scan3A_188 = arith.addi %scan3A_168, %scan3A_187 : i32
      %mul3A_189 = arith.constant 16 : i32
      %mul3A_190 = arith.muli %scan3A_188, %mul3A_189 : i32
      %get3A_191 = arith.index_cast %mul3A_190 : i32 to index
      %get3A_192 = tpu.vector_load %arg9[%get3A_191] {strides = array<i32>} : memref<8192xf32, #tpu.memory_space<vmem>>, vector<16xf32>,
      %get3A_193 = vector.shape_cast %get3A_192 : vector<16xf32> to vector<16xf32>
      %swap3A_194 = arith.index_cast %mul3A_190 : i32 to index
      %swap3A_195 = tpu.vector_load %arg5[%swap3A_194] {strides = array<i32>} : memref<8192xf32, #tpu.memory_space<vmem>>, vector<16xf32>,
      %swap3A_196 = vector.shape_cast %swap3A_195 : vector<16xf32> to vector<16xf32>
      %swap3A_197 = vector.shape_cast %get3A_193 : vector<16xf32> to vector<16xf32>
      tpu.vector_store %arg5[%swap3A_194], %swap3A_197 {add = true, strides = array<i32>} : memref<8192xf32, #tpu.memory_space<vmem>>, vector<16xf32>,
      %scan3A_198 = arith.constant 3 : i32
      %scan3A_199 = arith.addi %scan3A_168, %scan3A_198 : i32
      %mul3A_200 = arith.constant 16 : i32
      %mul3A_201 = arith.muli %scan3A_199, %mul3A_200 : i32
      %get3A_202 = arith.index_cast %mul3A_201 : i32 to index
      %get3A_203 = tpu.vector_load %arg9[%get3A_202] {strides = array<i32>} : memref<8192xf32, #tpu.memory_space<vmem>>, vector<16xf32>,
      %get3A_204 = vector.shape_cast %get3A_203 : vector<16xf32> to vector<16xf32>
      %swap3A_205 = arith.index_cast %mul3A_201 : i32 to index
      %swap3A_206 = tpu.vector_load %arg5[%swap3A_205] {strides = array<i32>} : memref<8192xf32, #tpu.memory_space<vmem>>, vector<16xf32>,
      %swap3A_207 = vector.shape_cast %swap3A_206 : vector<16xf32> to vector<16xf32>
      %swap3A_208 = vector.shape_cast %get3A_204 : vector<16xf32> to vector<16xf32>
      tpu.vector_store %arg5[%swap3A_205], %swap3A_208 {add = true, strides = array<i32>} : memref<8192xf32, #tpu.memory_space<vmem>>, vector<16xf32>,
      %scan3A_209 = arith.constant 4 : i32
      %scan3A_210 = arith.addi %scan3A_168, %scan3A_209 : i32
      %mul3A_211 = arith.constant 16 : i32
      %mul3A_212 = arith.muli %scan3A_210, %mul3A_211 : i32
      %get3A_213 = arith.index_cast %mul3A_212 : i32 to index
      %get3A_214 = tpu.vector_load %arg9[%get3A_213] {strides = array<i32>} : memref<8192xf32, #tpu.memory_space<vmem>>, vector<16xf32>,
      %get3A_215 = vector.shape_cast %get3A_214 : vector<16xf32> to vector<16xf32>
      %swap3A_216 = arith.index_cast %mul3A_212 : i32 to index
      %swap3A_217 = tpu.vector_load %arg5[%swap3A_216] {strides = array<i32>} : memref<8192xf32, #tpu.memory_space<vmem>>, vector<16xf32>,
      %swap3A_218 = vector.shape_cast %swap3A_217 : vector<16xf32> to vector<16xf32>
      %swap3A_219 = vector.shape_cast %get3A_215 : vector<16xf32> to vector<16xf32>
      tpu.vector_store %arg5[%swap3A_216], %swap3A_219 {add = true, strides = array<i32>} : memref<8192xf32, #tpu.memory_space<vmem>>, vector<16xf32>,
      %scan3A_220 = arith.constant 5 : i32
      %scan3A_221 = arith.addi %scan3A_168, %scan3A_220 : i32
      %mul3A_222 = arith.constant 16 : i32
      %mul3A_223 = arith.muli %scan3A_221, %mul3A_222 : i32
      %get3A_224 = arith.index_cast %mul3A_223 : i32 to index
      %get3A_225 = tpu.vector_load %arg9[%get3A_224] {strides = array<i32>} : memref<8192xf32, #tpu.memory_space<vmem>>, vector<16xf32>,
      %get3A_226 = vector.shape_cast %get3A_225 : vector<16xf32> to vector<16xf32>
      %swap3A_227 = arith.index_cast %mul3A_223 : i32 to index
      %swap3A_228 = tpu.vector_load %arg5[%swap3A_227] {strides = array<i32>} : memref<8192xf32, #tpu.memory_space<vmem>>, vector<16xf32>,
      %swap3A_229 = vector.shape_cast %swap3A_228 : vector<16xf32> to vector<16xf32>
      %swap3A_230 = vector.shape_cast %get3A_226 : vector<16xf32> to vector<16xf32>
      tpu.vector_store %arg5[%swap3A_227], %swap3A_230 {add = true, strides = array<i32>} : memref<8192xf32, #tpu.memory_space<vmem>>, vector<16xf32>,
      %scan3A_231 = arith.constant 6 : i32
      %scan3A_232 = arith.addi %scan3A_168, %scan3A_231 : i32
      %mul3A_233 = arith.constant 16 : i32
      %mul3A_234 = arith.muli %scan3A_232, %mul3A_233 : i32
      %get3A_235 = arith.index_cast %mul3A_234 : i32 to index
      %get3A_236 = tpu.vector_load %arg9[%get3A_235] {strides = array<i32>} : memref<8192xf32, #tpu.memory_space<vmem>>, vector<16xf32>,
      %get3A_237 = vector.shape_cast %get3A_236 : vector<16xf32> to vector<16xf32>
      %swap3A_238 = arith.index_cast %mul3A_234 : i32 to index
      %swap3A_239 = tpu.vector_load %arg5[%swap3A_238] {strides = array<i32>} : memref<8192xf32, #tpu.memory_space<vmem>>, vector<16xf32>,
      %swap3A_240 = vector.shape_cast %swap3A_239 : vector<16xf32> to vector<16xf32>
      %swap3A_241 = vector.shape_cast %get3A_237 : vector<16xf32> to vector<16xf32>
      tpu.vector_store %arg5[%swap3A_238], %swap3A_241 {add = true, strides = array<i32>} : memref<8192xf32, #tpu.memory_space<vmem>>, vector<16xf32>,
      %scan3A_242 = arith.constant 7 : i32
      %scan3A_243 = arith.addi %scan3A_168, %scan3A_242 : i32
      %mul3A_244 = arith.constant 16 : i32
      %mul3A_245 = arith.muli %scan3A_243, %mul3A_244 : i32
      %get3A_246 = arith.index_cast %mul3A_245 : i32 to index
      %get3A_247 = tpu.vector_load %arg9[%get3A_246] {strides = array<i32>} : memref<8192xf32, #tpu.memory_space<vmem>>, vector<16xf32>,
      %get3A_248 = vector.shape_cast %get3A_247 : vector<16xf32> to vector<16xf32>
      %swap3A_249 = arith.index_cast %mul3A_245 : i32 to index
      %swap3A_250 = tpu.vector_load %arg5[%swap3A_249] {strides = array<i32>} : memref<8192xf32, #tpu.memory_space<vmem>>, vector<16xf32>,
      %swap3A_251 = vector.shape_cast %swap3A_250 : vector<16xf32> to vector<16xf32>
      %swap3A_252 = vector.shape_cast %get3A_248 : vector<16xf32> to vector<16xf32>
      tpu.vector_store %arg5[%swap3A_249], %swap3A_252 {add = true, strides = array<i32>} : memref<8192xf32, #tpu.memory_space<vmem>>, vector<16xf32>,
      %scan3A_253 = arith.constant 8 : i32
      %scan3A_254 = arith.addi %scan3A_168, %scan3A_253 : i32
      %mul3A_255 = arith.constant 16 : i32
      %mul3A_256 = arith.muli %scan3A_254, %mul3A_255 : i32
      %get3A_257 = arith.index_cast %mul3A_256 : i32 to index
      %get3A_258 = tpu.vector_load %arg9[%get3A_257] {strides = array<i32>} : memref<8192xf32, #tpu.memory_space<vmem>>, vector<16xf32>,
      %get3A_259 = vector.shape_cast %get3A_258 : vector<16xf32> to vector<16xf32>
      %swap3A_260 = arith.index_cast %mul3A_256 : i32 to index
      %swap3A_261 = tpu.vector_load %arg5[%swap3A_260] {strides = array<i32>} : memref<8192xf32, #tpu.memory_space<vmem>>, vector<16xf32>,
      %swap3A_262 = vector.shape_cast %swap3A_261 : vector<16xf32> to vector<16xf32>
      %swap3A_263 = vector.shape_cast %get3A_259 : vector<16xf32> to vector<16xf32>
      tpu.vector_store %arg5[%swap3A_260], %swap3A_263 {add = true, strides = array<i32>} : memref<8192xf32, #tpu.memory_space<vmem>>, vector<16xf32>,
      %scan3A_264 = arith.constant 9 : i32
      %scan3A_265 = arith.addi %scan3A_168, %scan3A_264 : i32
      %mul3A_266 = arith.constant 16 : i32
      %mul3A_267 = arith.muli %scan3A_265, %mul3A_266 : i32
      %get3A_268 = arith.index_cast %mul3A_267 : i32 to index
      %get3A_269 = tpu.vector_load %arg9[%get3A_268] {strides = array<i32>} : memref<8192xf32, #tpu.memory_space<vmem>>, vector<16xf32>,
      %get3A_270 = vector.shape_cast %get3A_269 : vector<16xf32> to vector<16xf32>
      %swap3A_271 = arith.index_cast %mul3A_267 : i32 to index
      %swap3A_272 = tpu.vector_load %arg5[%swap3A_271] {strides = array<i32>} : memref<8192xf32, #tpu.memory_space<vmem>>, vector<16xf32>,
      %swap3A_273 = vector.shape_cast %swap3A_272 : vector<16xf32> to vector<16xf32>
      %swap3A_274 = vector.shape_cast %get3A_270 : vector<16xf32> to vector<16xf32>
      tpu.vector_store %arg5[%swap3A_271], %swap3A_274 {add = true, strides = array<i32>} : memref<8192xf32, #tpu.memory_space<vmem>>, vector<16xf32>,
      %scan3A_275 = arith.constant 10 : i32
      %scan3A_276 = arith.addi %scan3A_168, %scan3A_275 : i32
      %mul3A_277 = arith.constant 16 : i32
      %mul3A_278 = arith.muli %scan3A_276, %mul3A_277 : i32
      %get3A_279 = arith.index_cast %mul3A_278 : i32 to index
      %get3A_280 = tpu.vector_load %arg9[%get3A_279] {strides = array<i32>} : memref<8192xf32, #tpu.memory_space<vmem>>, vector<16xf32>,
      %get3A_281 = vector.shape_cast %get3A_280 : vector<16xf32> to vector<16xf32>
      %swap3A_282 = arith.index_cast %mul3A_278 : i32 to index
      %swap3A_283 = tpu.vector_load %arg5[%swap3A_282] {strides = array<i32>} : memref<8192xf32, #tpu.memory_space<vmem>>, vector<16xf32>,
      %swap3A_284 = vector.shape_cast %swap3A_283 : vector<16xf32> to vector<16xf32>
      %swap3A_285 = vector.shape_cast %get3A_281 : vector<16xf32> to vector<16xf32>
      tpu.vector_store %arg5[%swap3A_282], %swap3A_285 {add = true, strides = array<i32>} : memref<8192xf32, #tpu.memory_space<vmem>>, vector<16xf32>,
      %scan3A_286 = arith.constant 11 : i32
      %scan3A_287 = arith.addi %scan3A_168, %scan3A_286 : i32
      %mul3A_288 = arith.constant 16 : i32
      %mul3A_289 = arith.muli %scan3A_287, %mul3A_288 : i32
      %get3A_290 = arith.index_cast %mul3A_289 : i32 to index
      %get3A_291 = tpu.vector_load %arg9[%get3A_290] {strides = array<i32>} : memref<8192xf32, #tpu.memory_space<vmem>>, vector<16xf32>,
      %get3A_292 = vector.shape_cast %get3A_291 : vector<16xf32> to vector<16xf32>
      %swap3A_293 = arith.index_cast %mul3A_289 : i32 to index
      %swap3A_294 = tpu.vector_load %arg5[%swap3A_293] {strides = array<i32>} : memref<8192xf32, #tpu.memory_space<vmem>>, vector<16xf32>,
      %swap3A_295 = vector.shape_cast %swap3A_294 : vector<16xf32> to vector<16xf32>
      %swap3A_296 = vector.shape_cast %get3A_292 : vector<16xf32> to vector<16xf32>
      tpu.vector_store %arg5[%swap3A_293], %swap3A_296 {add = true, strides = array<i32>} : memref<8192xf32, #tpu.memory_space<vmem>>, vector<16xf32>,
      %scan3A_297 = arith.constant 12 : i32
      %scan3A_298 = arith.addi %scan3A_168, %scan3A_297 : i32
      %mul3A_299 = arith.constant 16 : i32
      %mul3A_300 = arith.muli %scan3A_298, %mul3A_299 : i32
      %get3A_301 = arith.index_cast %mul3A_300 : i32 to index
      %get3A_302 = tpu.vector_load %arg9[%get3A_301] {strides = array<i32>} : memref<8192xf32, #tpu.memory_space<vmem>>, vector<16xf32>,
      %get3A_303 = vector.shape_cast %get3A_302 : vector<16xf32> to vector<16xf32>
      %swap3A_304 = arith.index_cast %mul3A_300 : i32 to index
      %swap3A_305 = tpu.vector_load %arg5[%swap3A_304] {strides = array<i32>} : memref<8192xf32, #tpu.memory_space<vmem>>, vector<16xf32>,
      %swap3A_306 = vector.shape_cast %swap3A_305 : vector<16xf32> to vector<16xf32>
      %swap3A_307 = vector.shape_cast %get3A_303 : vector<16xf32> to vector<16xf32>
      tpu.vector_store %arg5[%swap3A_304], %swap3A_307 {add = true, strides = array<i32>} : memref<8192xf32, #tpu.memory_space<vmem>>, vector<16xf32>,
      %scan3A_308 = arith.constant 13 : i32
      %scan3A_309 = arith.addi %scan3A_168, %scan3A_308 : i32
      %mul3A_310 = arith.constant 16 : i32
      %mul3A_311 = arith.muli %scan3A_309, %mul3A_310 : i32
      %get3A_312 = arith.index_cast %mul3A_311 : i32 to index
      %get3A_313 = tpu.vector_load %arg9[%get3A_312] {strides = array<i32>} : memref<8192xf32, #tpu.memory_space<vmem>>, vector<16xf32>,
      %get3A_314 = vector.shape_cast %get3A_313 : vector<16xf32> to vector<16xf32>
      %swap3A_315 = arith.index_cast %mul3A_311 : i32 to index
      %swap3A_316 = tpu.vector_load %arg5[%swap3A_315] {strides = array<i32>} : memref<8192xf32, #tpu.memory_space<vmem>>, vector<16xf32>,
      %swap3A_317 = vector.shape_cast %swap3A_316 : vector<16xf32> to vector<16xf32>
      %swap3A_318 = vector.shape_cast %get3A_314 : vector<16xf32> to vector<16xf32>
      tpu.vector_store %arg5[%swap3A_315], %swap3A_318 {add = true, strides = array<i32>} : memref<8192xf32, #tpu.memory_space<vmem>>, vector<16xf32>,
      %scan3A_319 = arith.constant 14 : i32
      %scan3A_320 = arith.addi %scan3A_168, %scan3A_319 : i32
      %mul3A_321 = arith.constant 16 : i32
      %mul3A_322 = arith.muli %scan3A_320, %mul3A_321 : i32
      %get3A_323 = arith.index_cast %mul3A_322 : i32 to index
      %get3A_324 = tpu.vector_load %arg9[%get3A_323] {strides = array<i32>} : memref<8192xf32, #tpu.memory_space<vmem>>, vector<16xf32>,
      %get3A_325 = vector.shape_cast %get3A_324 : vector<16xf32> to vector<16xf32>
      %swap3A_326 = arith.index_cast %mul3A_322 : i32 to index
      %swap3A_327 = tpu.vector_load %arg5[%swap3A_326] {strides = array<i32>} : memref<8192xf32, #tpu.memory_space<vmem>>, vector<16xf32>,
      %swap3A_328 = vector.shape_cast %swap3A_327 : vector<16xf32> to vector<16xf32>
      %swap3A_329 = vector.shape_cast %get3A_325 : vector<16xf32> to vector<16xf32>
      tpu.vector_store %arg5[%swap3A_326], %swap3A_329 {add = true, strides = array<i32>} : memref<8192xf32, #tpu.memory_space<vmem>>, vector<16xf32>,
      %scan3A_330 = arith.constant 15 : i32
      %scan3A_331 = arith.addi %scan3A_168, %scan3A_330 : i32
      %mul3A_332 = arith.constant 16 : i32
      %mul3A_333 = arith.muli %scan3A_331, %mul3A_332 : i32
      %get3A_334 = arith.index_cast %mul3A_333 : i32 to index
      %get3A_335 = tpu.vector_load %arg9[%get3A_334] {strides = array<i32>} : memref<8192xf32, #tpu.memory_space<vmem>>, vector<16xf32>,
      %get3A_336 = vector.shape_cast %get3A_335 : vector<16xf32> to vector<16xf32>
      %swap3A_337 = arith.index_cast %mul3A_333 : i32 to index
      %swap3A_338 = tpu.vector_load %arg5[%swap3A_337] {strides = array<i32>} : memref<8192xf32, #tpu.memory_space<vmem>>, vector<16xf32>,
      %swap3A_339 = vector.shape_cast %swap3A_338 : vector<16xf32> to vector<16xf32>
      %swap3A_340 = vector.shape_cast %get3A_336 : vector<16xf32> to vector<16xf32>
      tpu.vector_store %arg5[%swap3A_337], %swap3A_340 {add = true, strides = array<i32>} : memref<8192xf32, #tpu.memory_space<vmem>>, vector<16xf32>,
    }
    %scan3A_65 = arith.constant 512 : i32
    %add3A_66 = arith.constant 2064384 : i32
    %add3A_67 = arith.addi %mul3A_2, %add3A_66 : i32
    %dma_start3A_68 = tpu.memref_slice %arg4[%add3A_67] : memref<67108864xf32, #tpu.memory_space<hbm>> -> memref<8192xf32, #tpu.memory_space<hbm>>
    %dma_start3A_69 = tpu.memref_slice %arg4[%add3A_67] : memref<67108864xf32, #tpu.memory_space<hbm>> -> memref<8192xf32, #tpu.memory_space<hbm>>
    tpu.enqueue_dma source(%arg5 : memref<8192xf32, #tpu.memory_space<vmem>>) target(%dma_start3A_69 : memref<8192xf32, #tpu.memory_space<hbm>>) target_semaphore(%arg21 : memref<!tpu.dma_semaphore, #tpu.memory_space<semaphore_mem>>)
    %add3A_70 = arith.constant 2048000 : i32
    %add3A_71 = arith.addi %mul3A_2, %add3A_70 : i32
    %dma_wait3A_72 = tpu.memref_slice %arg4[%add3A_71] : memref<67108864xf32, #tpu.memory_space<hbm>> -> memref<8192xf32, #tpu.memory_space<hbm>>
    %dma_wait3A_73 = tpu.memref_slice %arg4[%add3A_71] : memref<67108864xf32, #tpu.memory_space<hbm>> -> memref<8192xf32, #tpu.memory_space<hbm>>
    tpu.wait_dma2 semaphore(%arg23 : memref<!tpu.dma_semaphore, #tpu.memory_space<semaphore_mem>>) src(%arg7 : memref<8192xf32, #tpu.memory_space<vmem>>) dst(%dma_wait3A_73 : memref<8192xf32, #tpu.memory_space<hbm>>)
    %add3A_74 = arith.constant 2080768 : i32
    %add3A_75 = arith.addi %mul3A_2, %add3A_74 : i32
    %dma_start3A_76 = tpu.memref_slice %arg2[%add3A_75] : memref<67108864xf32, #tpu.memory_space<hbm>> -> memref<8192xf32, #tpu.memory_space<hbm>>
    %dma_start3A_77 = tpu.memref_slice %arg2[%add3A_75] : memref<67108864xf32, #tpu.memory_space<hbm>> -> memref<8192xf32, #tpu.memory_space<hbm>>
    tpu.enqueue_dma source(%dma_start3A_77 : memref<8192xf32, #tpu.memory_space<hbm>>) target(%arg7 : memref<8192xf32, #tpu.memory_space<vmem>>) target_semaphore(%arg15 : memref<!tpu.dma_semaphore, #tpu.memory_space<semaphore_mem>>)
    %add3A_78 = arith.constant 2072576 : i32
    %add3A_79 = arith.addi %mul3A_2, %add3A_78 : i32
    %dma_wait3A_80 = tpu.memref_slice %arg2[%add3A_79] : memref<67108864xf32, #tpu.memory_space<hbm>> -> memref<8192xf32, #tpu.memory_space<hbm>>
    %dma_wait3A_81 = tpu.memref_slice %arg2[%add3A_79] : memref<67108864xf32, #tpu.memory_space<hbm>> -> memref<8192xf32, #tpu.memory_space<hbm>>
    tpu.wait_dma2 semaphore(%arg14 : memref<!tpu.dma_semaphore, #tpu.memory_space<semaphore_mem>>) src(%dma_wait3A_81 : memref<8192xf32, #tpu.memory_space<hbm>>) dst(%arg6 : memref<8192xf32, #tpu.memory_space<vmem>>)
    %add3A_82 = arith.constant 31 : i32
    %add3A_83 = arith.addi %mul3A_4, %add3A_82 : i32
    %dma_wait3A_84 = arith.constant 40960 : i32
    %dma_wait3A_85 = tpu.memref_slice %arg3[%add3A_83, %dma_wait3A_84] : memref<1024x65536xf32, #tpu.memory_space<hbm>> -> memref<1x8192xf32, #tpu.memory_space<hbm>>
    %dma_wait3A_86 = tpu.memref_squeeze %dma_wait3A_85 : memref<1x8192xf32, #tpu.memory_space<hbm>> -> memref<8192xf32, #tpu.memory_space<hbm>>
    %dma_wait3A_87 = arith.constant 40960 : i32
    %dma_wait3A_88 = tpu.memref_slice %arg3[%add3A_83, %dma_wait3A_87] : memref<1024x65536xf32, #tpu.memory_space<hbm>> -> memref<1x8192xf32, #tpu.memory_space<hbm>>
    %dma_wait3A_89 = tpu.memref_squeeze %dma_wait3A_88 : memref<1x8192xf32, #tpu.memory_space<hbm>> -> memref<8192xf32, #tpu.memory_space<hbm>>
    tpu.wait_dma2 semaphore(%arg18 : memref<!tpu.dma_semaphore, #tpu.memory_space<semaphore_mem>>) src(%dma_wait3A_89 : memref<8192xf32, #tpu.memory_space<hbm>>) dst(%arg10 : memref<8192xf32, #tpu.memory_space<vmem>>)
    %scan3A_90 = arith.constant 0 : i32
    %scan3A_91 = arith.constant 0 : i32
    %scan3A_92 = arith.constant 512 : i32
    %scan3A_93 = arith.addi %scan3A_91, %scan3A_92 : i32
    %scan3A_94 = arith.constant 16 : i32
    scf.for %scan3A_168 = %scan3A_91 to %scan3A_93 step %scan3A_94  : i32 {
      %mul3A_169 = arith.constant 16 : i32
      %mul3A_170 = arith.muli %scan3A_168, %mul3A_169 : i32
      %get3A = arith.index_cast %mul3A_170 : i32 to index
      %get3A_171 = tpu.vector_load %arg10[%get3A] {strides = array<i32>} : memref<8192xf32, #tpu.memory_space<vmem>>, vector<16xf32>,
      %get3A_172 = vector.shape_cast %get3A_171 : vector<16xf32> to vector<16xf32>
      %swap3A = arith.index_cast %mul3A_170 : i32 to index
      %swap3A_173 = tpu.vector_load %arg6[%swap3A] {strides = array<i32>} : memref<8192xf32, #tpu.memory_space<vmem>>, vector<16xf32>,
      %swap3A_174 = vector.shape_cast %swap3A_173 : vector<16xf32> to vector<16xf32>
      %swap3A_175 = vector.shape_cast %get3A_172 : vector<16xf32> to vector<16xf32>
      tpu.vector_store %arg6[%swap3A], %swap3A_175 {add = true, strides = array<i32>} : memref<8192xf32, #tpu.memory_space<vmem>>, vector<16xf32>,
      %scan3A_176 = arith.constant 1 : i32
      %scan3A_177 = arith.addi %scan3A_168, %scan3A_176 : i32
      %mul3A_178 = arith.constant 16 : i32
      %mul3A_179 = arith.muli %scan3A_177, %mul3A_178 : i32
      %get3A_180 = arith.index_cast %mul3A_179 : i32 to index
      %get3A_181 = tpu.vector_load %arg10[%get3A_180] {strides = array<i32>} : memref<8192xf32, #tpu.memory_space<vmem>>, vector<16xf32>,
      %get3A_182 = vector.shape_cast %get3A_181 : vector<16xf32> to vector<16xf32>
      %swap3A_183 = arith.index_cast %mul3A_179 : i32 to index
      %swap3A_184 = tpu.vector_load %arg6[%swap3A_183] {strides = array<i32>} : memref<8192xf32, #tpu.memory_space<vmem>>, vector<16xf32>,
      %swap3A_185 = vector.shape_cast %swap3A_184 : vector<16xf32> to vector<16xf32>
      %swap3A_186 = vector.shape_cast %get3A_182 : vector<16xf32> to vector<16xf32>
      tpu.vector_store %arg6[%swap3A_183], %swap3A_186 {add = true, strides = array<i32>} : memref<8192xf32, #tpu.memory_space<vmem>>, vector<16xf32>,
      %scan3A_187 = arith.constant 2 : i32
      %scan3A_188 = arith.addi %scan3A_168, %scan3A_187 : i32
      %mul3A_189 = arith.constant 16 : i32
      %mul3A_190 = arith.muli %scan3A_188, %mul3A_189 : i32
      %get3A_191 = arith.index_cast %mul3A_190 : i32 to index
      %get3A_192 = tpu.vector_load %arg10[%get3A_191] {strides = array<i32>} : memref<8192xf32, #tpu.memory_space<vmem>>, vector<16xf32>,
      %get3A_193 = vector.shape_cast %get3A_192 : vector<16xf32> to vector<16xf32>
      %swap3A_194 = arith.index_cast %mul3A_190 : i32 to index
      %swap3A_195 = tpu.vector_load %arg6[%swap3A_194] {strides = array<i32>} : memref<8192xf32, #tpu.memory_space<vmem>>, vector<16xf32>,
      %swap3A_196 = vector.shape_cast %swap3A_195 : vector<16xf32> to vector<16xf32>
      %swap3A_197 = vector.shape_cast %get3A_193 : vector<16xf32> to vector<16xf32>
      tpu.vector_store %arg6[%swap3A_194], %swap3A_197 {add = true, strides = array<i32>} : memref<8192xf32, #tpu.memory_space<vmem>>, vector<16xf32>,
      %scan3A_198 = arith.constant 3 : i32
      %scan3A_199 = arith.addi %scan3A_168, %scan3A_198 : i32
      %mul3A_200 = arith.constant 16 : i32
      %mul3A_201 = arith.muli %scan3A_199, %mul3A_200 : i32
      %get3A_202 = arith.index_cast %mul3A_201 : i32 to index
      %get3A_203 = tpu.vector_load %arg10[%get3A_202] {strides = array<i32>} : memref<8192xf32, #tpu.memory_space<vmem>>, vector<16xf32>,
      %get3A_204 = vector.shape_cast %get3A_203 : vector<16xf32> to vector<16xf32>
      %swap3A_205 = arith.index_cast %mul3A_201 : i32 to index
      %swap3A_206 = tpu.vector_load %arg6[%swap3A_205] {strides = array<i32>} : memref<8192xf32, #tpu.memory_space<vmem>>, vector<16xf32>,
      %swap3A_207 = vector.shape_cast %swap3A_206 : vector<16xf32> to vector<16xf32>
      %swap3A_208 = vector.shape_cast %get3A_204 : vector<16xf32> to vector<16xf32>
      tpu.vector_store %arg6[%swap3A_205], %swap3A_208 {add = true, strides = array<i32>} : memref<8192xf32, #tpu.memory_space<vmem>>, vector<16xf32>,
      %scan3A_209 = arith.constant 4 : i32
      %scan3A_210 = arith.addi %scan3A_168, %scan3A_209 : i32
      %mul3A_211 = arith.constant 16 : i32
      %mul3A_212 = arith.muli %scan3A_210, %mul3A_211 : i32
      %get3A_213 = arith.index_cast %mul3A_212 : i32 to index
      %get3A_214 = tpu.vector_load %arg10[%get3A_213] {strides = array<i32>} : memref<8192xf32, #tpu.memory_space<vmem>>, vector<16xf32>,
      %get3A_215 = vector.shape_cast %get3A_214 : vector<16xf32> to vector<16xf32>
      %swap3A_216 = arith.index_cast %mul3A_212 : i32 to index
      %swap3A_217 = tpu.vector_load %arg6[%swap3A_216] {strides = array<i32>} : memref<8192xf32, #tpu.memory_space<vmem>>, vector<16xf32>,
      %swap3A_218 = vector.shape_cast %swap3A_217 : vector<16xf32> to vector<16xf32>
      %swap3A_219 = vector.shape_cast %get3A_215 : vector<16xf32> to vector<16xf32>
      tpu.vector_store %arg6[%swap3A_216], %swap3A_219 {add = true, strides = array<i32>} : memref<8192xf32, #tpu.memory_space<vmem>>, vector<16xf32>,
      %scan3A_220 = arith.constant 5 : i32
      %scan3A_221 = arith.addi %scan3A_168, %scan3A_220 : i32
      %mul3A_222 = arith.constant 16 : i32
      %mul3A_223 = arith.muli %scan3A_221, %mul3A_222 : i32
      %get3A_224 = arith.index_cast %mul3A_223 : i32 to index
      %get3A_225 = tpu.vector_load %arg10[%get3A_224] {strides = array<i32>} : memref<8192xf32, #tpu.memory_space<vmem>>, vector<16xf32>,
      %get3A_226 = vector.shape_cast %get3A_225 : vector<16xf32> to vector<16xf32>
      %swap3A_227 = arith.index_cast %mul3A_223 : i32 to index
      %swap3A_228 = tpu.vector_load %arg6[%swap3A_227] {strides = array<i32>} : memref<8192xf32, #tpu.memory_space<vmem>>, vector<16xf32>,
      %swap3A_229 = vector.shape_cast %swap3A_228 : vector<16xf32> to vector<16xf32>
      %swap3A_230 = vector.shape_cast %get3A_226 : vector<16xf32> to vector<16xf32>
      tpu.vector_store %arg6[%swap3A_227], %swap3A_230 {add = true, strides = array<i32>} : memref<8192xf32, #tpu.memory_space<vmem>>, vector<16xf32>,
      %scan3A_231 = arith.constant 6 : i32
      %scan3A_232 = arith.addi %scan3A_168, %scan3A_231 : i32
      %mul3A_233 = arith.constant 16 : i32
      %mul3A_234 = arith.muli %scan3A_232, %mul3A_233 : i32
      %get3A_235 = arith.index_cast %mul3A_234 : i32 to index
      %get3A_236 = tpu.vector_load %arg10[%get3A_235] {strides = array<i32>} : memref<8192xf32, #tpu.memory_space<vmem>>, vector<16xf32>,
      %get3A_237 = vector.shape_cast %get3A_236 : vector<16xf32> to vector<16xf32>
      %swap3A_238 = arith.index_cast %mul3A_234 : i32 to index
      %swap3A_239 = tpu.vector_load %arg6[%swap3A_238] {strides = array<i32>} : memref<8192xf32, #tpu.memory_space<vmem>>, vector<16xf32>,
      %swap3A_240 = vector.shape_cast %swap3A_239 : vector<16xf32> to vector<16xf32>
      %swap3A_241 = vector.shape_cast %get3A_237 : vector<16xf32> to vector<16xf32>
      tpu.vector_store %arg6[%swap3A_238], %swap3A_241 {add = true, strides = array<i32>} : memref<8192xf32, #tpu.memory_space<vmem>>, vector<16xf32>,
      %scan3A_242 = arith.constant 7 : i32
      %scan3A_243 = arith.addi %scan3A_168, %scan3A_242 : i32
      %mul3A_244 = arith.constant 16 : i32
      %mul3A_245 = arith.muli %scan3A_243, %mul3A_244 : i32
      %get3A_246 = arith.index_cast %mul3A_245 : i32 to index
      %get3A_247 = tpu.vector_load %arg10[%get3A_246] {strides = array<i32>} : memref<8192xf32, #tpu.memory_space<vmem>>, vector<16xf32>,
      %get3A_248 = vector.shape_cast %get3A_247 : vector<16xf32> to vector<16xf32>
      %swap3A_249 = arith.index_cast %mul3A_245 : i32 to index
      %swap3A_250 = tpu.vector_load %arg6[%swap3A_249] {strides = array<i32>} : memref<8192xf32, #tpu.memory_space<vmem>>, vector<16xf32>,
      %swap3A_251 = vector.shape_cast %swap3A_250 : vector<16xf32> to vector<16xf32>
      %swap3A_252 = vector.shape_cast %get3A_248 : vector<16xf32> to vector<16xf32>
      tpu.vector_store %arg6[%swap3A_249], %swap3A_252 {add = true, strides = array<i32>} : memref<8192xf32, #tpu.memory_space<vmem>>, vector<16xf32>,
      %scan3A_253 = arith.constant 8 : i32
      %scan3A_254 = arith.addi %scan3A_168, %scan3A_253 : i32
      %mul3A_255 = arith.constant 16 : i32
      %mul3A_256 = arith.muli %scan3A_254, %mul3A_255 : i32
      %get3A_257 = arith.index_cast %mul3A_256 : i32 to index
      %get3A_258 = tpu.vector_load %arg10[%get3A_257] {strides = array<i32>} : memref<8192xf32, #tpu.memory_space<vmem>>, vector<16xf32>,
      %get3A_259 = vector.shape_cast %get3A_258 : vector<16xf32> to vector<16xf32>
      %swap3A_260 = arith.index_cast %mul3A_256 : i32 to index
      %swap3A_261 = tpu.vector_load %arg6[%swap3A_260] {strides = array<i32>} : memref<8192xf32, #tpu.memory_space<vmem>>, vector<16xf32>,
      %swap3A_262 = vector.shape_cast %swap3A_261 : vector<16xf32> to vector<16xf32>
      %swap3A_263 = vector.shape_cast %get3A_259 : vector<16xf32> to vector<16xf32>
      tpu.vector_store %arg6[%swap3A_260], %swap3A_263 {add = true, strides = array<i32>} : memref<8192xf32, #tpu.memory_space<vmem>>, vector<16xf32>,
      %scan3A_264 = arith.constant 9 : i32
      %scan3A_265 = arith.addi %scan3A_168, %scan3A_264 : i32
      %mul3A_266 = arith.constant 16 : i32
      %mul3A_267 = arith.muli %scan3A_265, %mul3A_266 : i32
      %get3A_268 = arith.index_cast %mul3A_267 : i32 to index
      %get3A_269 = tpu.vector_load %arg10[%get3A_268] {strides = array<i32>} : memref<8192xf32, #tpu.memory_space<vmem>>, vector<16xf32>,
      %get3A_270 = vector.shape_cast %get3A_269 : vector<16xf32> to vector<16xf32>
      %swap3A_271 = arith.index_cast %mul3A_267 : i32 to index
      %swap3A_272 = tpu.vector_load %arg6[%swap3A_271] {strides = array<i32>} : memref<8192xf32, #tpu.memory_space<vmem>>, vector<16xf32>,
      %swap3A_273 = vector.shape_cast %swap3A_272 : vector<16xf32> to vector<16xf32>
      %swap3A_274 = vector.shape_cast %get3A_270 : vector<16xf32> to vector<16xf32>
      tpu.vector_store %arg6[%swap3A_271], %swap3A_274 {add = true, strides = array<i32>} : memref<8192xf32, #tpu.memory_space<vmem>>, vector<16xf32>,
      %scan3A_275 = arith.constant 10 : i32
      %scan3A_276 = arith.addi %scan3A_168, %scan3A_275 : i32
      %mul3A_277 = arith.constant 16 : i32
      %mul3A_278 = arith.muli %scan3A_276, %mul3A_277 : i32
      %get3A_279 = arith.index_cast %mul3A_278 : i32 to index
      %get3A_280 = tpu.vector_load %arg10[%get3A_279] {strides = array<i32>} : memref<8192xf32, #tpu.memory_space<vmem>>, vector<16xf32>,
      %get3A_281 = vector.shape_cast %get3A_280 : vector<16xf32> to vector<16xf32>
      %swap3A_282 = arith.index_cast %mul3A_278 : i32 to index
      %swap3A_283 = tpu.vector_load %arg6[%swap3A_282] {strides = array<i32>} : memref<8192xf32, #tpu.memory_space<vmem>>, vector<16xf32>,
      %swap3A_284 = vector.shape_cast %swap3A_283 : vector<16xf32> to vector<16xf32>
      %swap3A_285 = vector.shape_cast %get3A_281 : vector<16xf32> to vector<16xf32>
      tpu.vector_store %arg6[%swap3A_282], %swap3A_285 {add = true, strides = array<i32>} : memref<8192xf32, #tpu.memory_space<vmem>>, vector<16xf32>,
      %scan3A_286 = arith.constant 11 : i32
      %scan3A_287 = arith.addi %scan3A_168, %scan3A_286 : i32
      %mul3A_288 = arith.constant 16 : i32
      %mul3A_289 = arith.muli %scan3A_287, %mul3A_288 : i32
      %get3A_290 = arith.index_cast %mul3A_289 : i32 to index
      %get3A_291 = tpu.vector_load %arg10[%get3A_290] {strides = array<i32>} : memref<8192xf32, #tpu.memory_space<vmem>>, vector<16xf32>,
      %get3A_292 = vector.shape_cast %get3A_291 : vector<16xf32> to vector<16xf32>
      %swap3A_293 = arith.index_cast %mul3A_289 : i32 to index
      %swap3A_294 = tpu.vector_load %arg6[%swap3A_293] {strides = array<i32>} : memref<8192xf32, #tpu.memory_space<vmem>>, vector<16xf32>,
      %swap3A_295 = vector.shape_cast %swap3A_294 : vector<16xf32> to vector<16xf32>
      %swap3A_296 = vector.shape_cast %get3A_292 : vector<16xf32> to vector<16xf32>
      tpu.vector_store %arg6[%swap3A_293], %swap3A_296 {add = true, strides = array<i32>} : memref<8192xf32, #tpu.memory_space<vmem>>, vector<16xf32>,
      %scan3A_297 = arith.constant 12 : i32
      %scan3A_298 = arith.addi %scan3A_168, %scan3A_297 : i32
      %mul3A_299 = arith.constant 16 : i32
      %mul3A_300 = arith.muli %scan3A_298, %mul3A_299 : i32
      %get3A_301 = arith.index_cast %mul3A_300 : i32 to index
      %get3A_302 = tpu.vector_load %arg10[%get3A_301] {strides = array<i32>} : memref<8192xf32, #tpu.memory_space<vmem>>, vector<16xf32>,
      %get3A_303 = vector.shape_cast %get3A_302 : vector<16xf32> to vector<16xf32>
      %swap3A_304 = arith.index_cast %mul3A_300 : i32 to index
      %swap3A_305 = tpu.vector_load %arg6[%swap3A_304] {strides = array<i32>} : memref<8192xf32, #tpu.memory_space<vmem>>, vector<16xf32>,
      %swap3A_306 = vector.shape_cast %swap3A_305 : vector<16xf32> to vector<16xf32>
      %swap3A_307 = vector.shape_cast %get3A_303 : vector<16xf32> to vector<16xf32>
      tpu.vector_store %arg6[%swap3A_304], %swap3A_307 {add = true, strides = array<i32>} : memref<8192xf32, #tpu.memory_space<vmem>>, vector<16xf32>,
      %scan3A_308 = arith.constant 13 : i32
      %scan3A_309 = arith.addi %scan3A_168, %scan3A_308 : i32
      %mul3A_310 = arith.constant 16 : i32
      %mul3A_311 = arith.muli %scan3A_309, %mul3A_310 : i32
      %get3A_312 = arith.index_cast %mul3A_311 : i32 to index
      %get3A_313 = tpu.vector_load %arg10[%get3A_312] {strides = array<i32>} : memref<8192xf32, #tpu.memory_space<vmem>>, vector<16xf32>,
      %get3A_314 = vector.shape_cast %get3A_313 : vector<16xf32> to vector<16xf32>
      %swap3A_315 = arith.index_cast %mul3A_311 : i32 to index
      %swap3A_316 = tpu.vector_load %arg6[%swap3A_315] {strides = array<i32>} : memref<8192xf32, #tpu.memory_space<vmem>>, vector<16xf32>,
      %swap3A_317 = vector.shape_cast %swap3A_316 : vector<16xf32> to vector<16xf32>
      %swap3A_318 = vector.shape_cast %get3A_314 : vector<16xf32> to vector<16xf32>
      tpu.vector_store %arg6[%swap3A_315], %swap3A_318 {add = true, strides = array<i32>} : memref<8192xf32, #tpu.memory_space<vmem>>, vector<16xf32>,
      %scan3A_319 = arith.constant 14 : i32
      %scan3A_320 = arith.addi %scan3A_168, %scan3A_319 : i32
      %mul3A_321 = arith.constant 16 : i32
      %mul3A_322 = arith.muli %scan3A_320, %mul3A_321 : i32
      %get3A_323 = arith.index_cast %mul3A_322 : i32 to index
      %get3A_324 = tpu.vector_load %arg10[%get3A_323] {strides = array<i32>} : memref<8192xf32, #tpu.memory_space<vmem>>, vector<16xf32>,
      %get3A_325 = vector.shape_cast %get3A_324 : vector<16xf32> to vector<16xf32>
      %swap3A_326 = arith.index_cast %mul3A_322 : i32 to index
      %swap3A_327 = tpu.vector_load %arg6[%swap3A_326] {strides = array<i32>} : memref<8192xf32, #tpu.memory_space<vmem>>, vector<16xf32>,
      %swap3A_328 = vector.shape_cast %swap3A_327 : vector<16xf32> to vector<16xf32>
      %swap3A_329 = vector.shape_cast %get3A_325 : vector<16xf32> to vector<16xf32>
      tpu.vector_store %arg6[%swap3A_326], %swap3A_329 {add = true, strides = array<i32>} : memref<8192xf32, #tpu.memory_space<vmem>>, vector<16xf32>,
      %scan3A_330 = arith.constant 15 : i32
      %scan3A_331 = arith.addi %scan3A_168, %scan3A_330 : i32
      %mul3A_332 = arith.constant 16 : i32
      %mul3A_333 = arith.muli %scan3A_331, %mul3A_332 : i32
      %get3A_334 = arith.index_cast %mul3A_333 : i32 to index
      %get3A_335 = tpu.vector_load %arg10[%get3A_334] {strides = array<i32>} : memref<8192xf32, #tpu.memory_space<vmem>>, vector<16xf32>,
      %get3A_336 = vector.shape_cast %get3A_335 : vector<16xf32> to vector<16xf32>
      %swap3A_337 = arith.index_cast %mul3A_333 : i32 to index
      %swap3A_338 = tpu.vector_load %arg6[%swap3A_337] {strides = array<i32>} : memref<8192xf32, #tpu.memory_space<vmem>>, vector<16xf32>,
      %swap3A_339 = vector.shape_cast %swap3A_338 : vector<16xf32> to vector<16xf32>
      %swap3A_340 = vector.shape_cast %get3A_336 : vector<16xf32> to vector<16xf32>
      tpu.vector_store %arg6[%swap3A_337], %swap3A_340 {add = true, strides = array<i32>} : memref<8192xf32, #tpu.memory_space<vmem>>, vector<16xf32>,
    }
    %scan3A_95 = arith.constant 512 : i32
    %add3A_96 = arith.constant 2072576 : i32
    %add3A_97 = arith.addi %mul3A_2, %add3A_96 : i32
    %dma_start3A_98 = tpu.memref_slice %arg4[%add3A_97] : memref<67108864xf32, #tpu.memory_space<hbm>> -> memref<8192xf32, #tpu.memory_space<hbm>>
    %dma_start3A_99 = tpu.memref_slice %arg4[%add3A_97] : memref<67108864xf32, #tpu.memory_space<hbm>> -> memref<8192xf32, #tpu.memory_space<hbm>>
    tpu.enqueue_dma source(%arg6 : memref<8192xf32, #tpu.memory_space<vmem>>) target(%dma_start3A_99 : memref<8192xf32, #tpu.memory_space<hbm>>) target_semaphore(%arg22 : memref<!tpu.dma_semaphore, #tpu.memory_space<semaphore_mem>>)
    %add3A_100 = arith.constant 2056192 : i32
    %add3A_101 = arith.addi %mul3A_2, %add3A_100 : i32
    %dma_wait3A_102 = tpu.memref_slice %arg4[%add3A_101] : memref<67108864xf32, #tpu.memory_space<hbm>> -> memref<8192xf32, #tpu.memory_space<hbm>>
    %dma_wait3A_103 = tpu.memref_slice %arg4[%add3A_101] : memref<67108864xf32, #tpu.memory_space<hbm>> -> memref<8192xf32, #tpu.memory_space<hbm>>
    tpu.wait_dma2 semaphore(%arg24 : memref<!tpu.dma_semaphore, #tpu.memory_space<semaphore_mem>>) src(%arg8 : memref<8192xf32, #tpu.memory_space<vmem>>) dst(%dma_wait3A_103 : memref<8192xf32, #tpu.memory_space<hbm>>)
    %add3A_104 = arith.constant 2088960 : i32
    %add3A_105 = arith.addi %mul3A_2, %add3A_104 : i32
    %dma_start3A_106 = tpu.memref_slice %arg2[%add3A_105] : memref<67108864xf32, #tpu.memory_space<hbm>> -> memref<8192xf32, #tpu.memory_space<hbm>>
    %dma_start3A_107 = tpu.memref_slice %arg2[%add3A_105] : memref<67108864xf32, #tpu.memory_space<hbm>> -> memref<8192xf32, #tpu.memory_space<hbm>>
    tpu.enqueue_dma source(%dma_start3A_107 : memref<8192xf32, #tpu.memory_space<hbm>>) target(%arg8 : memref<8192xf32, #tpu.memory_space<vmem>>) target_semaphore(%arg16 : memref<!tpu.dma_semaphore, #tpu.memory_space<semaphore_mem>>)
    %add3A_108 = arith.constant 2080768 : i32
    %add3A_109 = arith.addi %mul3A_2, %add3A_108 : i32
    %dma_wait3A_110 = tpu.memref_slice %arg2[%add3A_109] : memref<67108864xf32, #tpu.memory_space<hbm>> -> memref<8192xf32, #tpu.memory_space<hbm>>
    %dma_wait3A_111 = tpu.memref_slice %arg2[%add3A_109] : memref<67108864xf32, #tpu.memory_space<hbm>> -> memref<8192xf32, #tpu.memory_space<hbm>>
    tpu.wait_dma2 semaphore(%arg15 : memref<!tpu.dma_semaphore, #tpu.memory_space<semaphore_mem>>) src(%dma_wait3A_111 : memref<8192xf32, #tpu.memory_space<hbm>>) dst(%arg7 : memref<8192xf32, #tpu.memory_space<vmem>>)
    %add3A_112 = arith.constant 31 : i32
    %add3A_113 = arith.addi %mul3A_4, %add3A_112 : i32
    %dma_wait3A_114 = arith.constant 49152 : i32
    %dma_wait3A_115 = tpu.memref_slice %arg3[%add3A_113, %dma_wait3A_114] : memref<1024x65536xf32, #tpu.memory_space<hbm>> -> memref<1x8192xf32, #tpu.memory_space<hbm>>
    %dma_wait3A_116 = tpu.memref_squeeze %dma_wait3A_115 : memref<1x8192xf32, #tpu.memory_space<hbm>> -> memref<8192xf32, #tpu.memory_space<hbm>>
    %dma_wait3A_117 = arith.constant 49152 : i32
    %dma_wait3A_118 = tpu.memref_slice %arg3[%add3A_113, %dma_wait3A_117] : memref<1024x65536xf32, #tpu.memory_space<hbm>> -> memref<1x8192xf32, #tpu.memory_space<hbm>>
    %dma_wait3A_119 = tpu.memref_squeeze %dma_wait3A_118 : memref<1x8192xf32, #tpu.memory_space<hbm>> -> memref<8192xf32, #tpu.memory_space<hbm>>
    tpu.wait_dma2 semaphore(%arg19 : memref<!tpu.dma_semaphore, #tpu.memory_space<semaphore_mem>>) src(%dma_wait3A_119 : memref<8192xf32, #tpu.memory_space<hbm>>) dst(%arg11 : memref<8192xf32, #tpu.memory_space<vmem>>)
    %scan3A_120 = arith.constant 0 : i32
    %scan3A_121 = arith.constant 0 : i32
    %scan3A_122 = arith.constant 512 : i32
    %scan3A_123 = arith.addi %scan3A_121, %scan3A_122 : i32
    %scan3A_124 = arith.constant 16 : i32
    scf.for %scan3A_168 = %scan3A_121 to %scan3A_123 step %scan3A_124  : i32 {
      %mul3A_169 = arith.constant 16 : i32
      %mul3A_170 = arith.muli %scan3A_168, %mul3A_169 : i32
      %get3A = arith.index_cast %mul3A_170 : i32 to index
      %get3A_171 = tpu.vector_load %arg11[%get3A] {strides = array<i32>} : memref<8192xf32, #tpu.memory_space<vmem>>, vector<16xf32>,
      %get3A_172 = vector.shape_cast %get3A_171 : vector<16xf32> to vector<16xf32>
      %swap3A = arith.index_cast %mul3A_170 : i32 to index
      %swap3A_173 = tpu.vector_load %arg7[%swap3A] {strides = array<i32>} : memref<8192xf32, #tpu.memory_space<vmem>>, vector<16xf32>,
      %swap3A_174 = vector.shape_cast %swap3A_173 : vector<16xf32> to vector<16xf32>
      %swap3A_175 = vector.shape_cast %get3A_172 : vector<16xf32> to vector<16xf32>
      tpu.vector_store %arg7[%swap3A], %swap3A_175 {add = true, strides = array<i32>} : memref<8192xf32, #tpu.memory_space<vmem>>, vector<16xf32>,
      %scan3A_176 = arith.constant 1 : i32
      %scan3A_177 = arith.addi %scan3A_168, %scan3A_176 : i32
      %mul3A_178 = arith.constant 16 : i32
      %mul3A_179 = arith.muli %scan3A_177, %mul3A_178 : i32
      %get3A_180 = arith.index_cast %mul3A_179 : i32 to index
      %get3A_181 = tpu.vector_load %arg11[%get3A_180] {strides = array<i32>} : memref<8192xf32, #tpu.memory_space<vmem>>, vector<16xf32>,
      %get3A_182 = vector.shape_cast %get3A_181 : vector<16xf32> to vector<16xf32>
      %swap3A_183 = arith.index_cast %mul3A_179 : i32 to index
      %swap3A_184 = tpu.vector_load %arg7[%swap3A_183] {strides = array<i32>} : memref<8192xf32, #tpu.memory_space<vmem>>, vector<16xf32>,
      %swap3A_185 = vector.shape_cast %swap3A_184 : vector<16xf32> to vector<16xf32>
      %swap3A_186 = vector.shape_cast %get3A_182 : vector<16xf32> to vector<16xf32>
      tpu.vector_store %arg7[%swap3A_183], %swap3A_186 {add = true, strides = array<i32>} : memref<8192xf32, #tpu.memory_space<vmem>>, vector<16xf32>,
      %scan3A_187 = arith.constant 2 : i32
      %scan3A_188 = arith.addi %scan3A_168, %scan3A_187 : i32
      %mul3A_189 = arith.constant 16 : i32
      %mul3A_190 = arith.muli %scan3A_188, %mul3A_189 : i32
      %get3A_191 = arith.index_cast %mul3A_190 : i32 to index
      %get3A_192 = tpu.vector_load %arg11[%get3A_191] {strides = array<i32>} : memref<8192xf32, #tpu.memory_space<vmem>>, vector<16xf32>,
      %get3A_193 = vector.shape_cast %get3A_192 : vector<16xf32> to vector<16xf32>
      %swap3A_194 = arith.index_cast %mul3A_190 : i32 to index
      %swap3A_195 = tpu.vector_load %arg7[%swap3A_194] {strides = array<i32>} : memref<8192xf32, #tpu.memory_space<vmem>>, vector<16xf32>,
      %swap3A_196 = vector.shape_cast %swap3A_195 : vector<16xf32> to vector<16xf32>
      %swap3A_197 = vector.shape_cast %get3A_193 : vector<16xf32> to vector<16xf32>
      tpu.vector_store %arg7[%swap3A_194], %swap3A_197 {add = true, strides = array<i32>} : memref<8192xf32, #tpu.memory_space<vmem>>, vector<16xf32>,
      %scan3A_198 = arith.constant 3 : i32
      %scan3A_199 = arith.addi %scan3A_168, %scan3A_198 : i32
      %mul3A_200 = arith.constant 16 : i32
      %mul3A_201 = arith.muli %scan3A_199, %mul3A_200 : i32
      %get3A_202 = arith.index_cast %mul3A_201 : i32 to index
      %get3A_203 = tpu.vector_load %arg11[%get3A_202] {strides = array<i32>} : memref<8192xf32, #tpu.memory_space<vmem>>, vector<16xf32>,
      %get3A_204 = vector.shape_cast %get3A_203 : vector<16xf32> to vector<16xf32>
      %swap3A_205 = arith.index_cast %mul3A_201 : i32 to index
      %swap3A_206 = tpu.vector_load %arg7[%swap3A_205] {strides = array<i32>} : memref<8192xf32, #tpu.memory_space<vmem>>, vector<16xf32>,
      %swap3A_207 = vector.shape_cast %swap3A_206 : vector<16xf32> to vector<16xf32>
      %swap3A_208 = vector.shape_cast %get3A_204 : vector<16xf32> to vector<16xf32>
      tpu.vector_store %arg7[%swap3A_205], %swap3A_208 {add = true, strides = array<i32>} : memref<8192xf32, #tpu.memory_space<vmem>>, vector<16xf32>,
      %scan3A_209 = arith.constant 4 : i32
      %scan3A_210 = arith.addi %scan3A_168, %scan3A_209 : i32
      %mul3A_211 = arith.constant 16 : i32
      %mul3A_212 = arith.muli %scan3A_210, %mul3A_211 : i32
      %get3A_213 = arith.index_cast %mul3A_212 : i32 to index
      %get3A_214 = tpu.vector_load %arg11[%get3A_213] {strides = array<i32>} : memref<8192xf32, #tpu.memory_space<vmem>>, vector<16xf32>,
      %get3A_215 = vector.shape_cast %get3A_214 : vector<16xf32> to vector<16xf32>
      %swap3A_216 = arith.index_cast %mul3A_212 : i32 to index
      %swap3A_217 = tpu.vector_load %arg7[%swap3A_216] {strides = array<i32>} : memref<8192xf32, #tpu.memory_space<vmem>>, vector<16xf32>,
      %swap3A_218 = vector.shape_cast %swap3A_217 : vector<16xf32> to vector<16xf32>
      %swap3A_219 = vector.shape_cast %get3A_215 : vector<16xf32> to vector<16xf32>
      tpu.vector_store %arg7[%swap3A_216], %swap3A_219 {add = true, strides = array<i32>} : memref<8192xf32, #tpu.memory_space<vmem>>, vector<16xf32>,
      %scan3A_220 = arith.constant 5 : i32
      %scan3A_221 = arith.addi %scan3A_168, %scan3A_220 : i32
      %mul3A_222 = arith.constant 16 : i32
      %mul3A_223 = arith.muli %scan3A_221, %mul3A_222 : i32
      %get3A_224 = arith.index_cast %mul3A_223 : i32 to index
      %get3A_225 = tpu.vector_load %arg11[%get3A_224] {strides = array<i32>} : memref<8192xf32, #tpu.memory_space<vmem>>, vector<16xf32>,
      %get3A_226 = vector.shape_cast %get3A_225 : vector<16xf32> to vector<16xf32>
      %swap3A_227 = arith.index_cast %mul3A_223 : i32 to index
      %swap3A_228 = tpu.vector_load %arg7[%swap3A_227] {strides = array<i32>} : memref<8192xf32, #tpu.memory_space<vmem>>, vector<16xf32>,
      %swap3A_229 = vector.shape_cast %swap3A_228 : vector<16xf32> to vector<16xf32>
      %swap3A_230 = vector.shape_cast %get3A_226 : vector<16xf32> to vector<16xf32>
      tpu.vector_store %arg7[%swap3A_227], %swap3A_230 {add = true, strides = array<i32>} : memref<8192xf32, #tpu.memory_space<vmem>>, vector<16xf32>,
      %scan3A_231 = arith.constant 6 : i32
      %scan3A_232 = arith.addi %scan3A_168, %scan3A_231 : i32
      %mul3A_233 = arith.constant 16 : i32
      %mul3A_234 = arith.muli %scan3A_232, %mul3A_233 : i32
      %get3A_235 = arith.index_cast %mul3A_234 : i32 to index
      %get3A_236 = tpu.vector_load %arg11[%get3A_235] {strides = array<i32>} : memref<8192xf32, #tpu.memory_space<vmem>>, vector<16xf32>,
      %get3A_237 = vector.shape_cast %get3A_236 : vector<16xf32> to vector<16xf32>
      %swap3A_238 = arith.index_cast %mul3A_234 : i32 to index
      %swap3A_239 = tpu.vector_load %arg7[%swap3A_238] {strides = array<i32>} : memref<8192xf32, #tpu.memory_space<vmem>>, vector<16xf32>,
      %swap3A_240 = vector.shape_cast %swap3A_239 : vector<16xf32> to vector<16xf32>
      %swap3A_241 = vector.shape_cast %get3A_237 : vector<16xf32> to vector<16xf32>
      tpu.vector_store %arg7[%swap3A_238], %swap3A_241 {add = true, strides = array<i32>} : memref<8192xf32, #tpu.memory_space<vmem>>, vector<16xf32>,
      %scan3A_242 = arith.constant 7 : i32
      %scan3A_243 = arith.addi %scan3A_168, %scan3A_242 : i32
      %mul3A_244 = arith.constant 16 : i32
      %mul3A_245 = arith.muli %scan3A_243, %mul3A_244 : i32
      %get3A_246 = arith.index_cast %mul3A_245 : i32 to index
      %get3A_247 = tpu.vector_load %arg11[%get3A_246] {strides = array<i32>} : memref<8192xf32, #tpu.memory_space<vmem>>, vector<16xf32>,
      %get3A_248 = vector.shape_cast %get3A_247 : vector<16xf32> to vector<16xf32>
      %swap3A_249 = arith.index_cast %mul3A_245 : i32 to index
      %swap3A_250 = tpu.vector_load %arg7[%swap3A_249] {strides = array<i32>} : memref<8192xf32, #tpu.memory_space<vmem>>, vector<16xf32>,
      %swap3A_251 = vector.shape_cast %swap3A_250 : vector<16xf32> to vector<16xf32>
      %swap3A_252 = vector.shape_cast %get3A_248 : vector<16xf32> to vector<16xf32>
      tpu.vector_store %arg7[%swap3A_249], %swap3A_252 {add = true, strides = array<i32>} : memref<8192xf32, #tpu.memory_space<vmem>>, vector<16xf32>,
      %scan3A_253 = arith.constant 8 : i32
      %scan3A_254 = arith.addi %scan3A_168, %scan3A_253 : i32
      %mul3A_255 = arith.constant 16 : i32
      %mul3A_256 = arith.muli %scan3A_254, %mul3A_255 : i32
      %get3A_257 = arith.index_cast %mul3A_256 : i32 to index
      %get3A_258 = tpu.vector_load %arg11[%get3A_257] {strides = array<i32>} : memref<8192xf32, #tpu.memory_space<vmem>>, vector<16xf32>,
      %get3A_259 = vector.shape_cast %get3A_258 : vector<16xf32> to vector<16xf32>
      %swap3A_260 = arith.index_cast %mul3A_256 : i32 to index
      %swap3A_261 = tpu.vector_load %arg7[%swap3A_260] {strides = array<i32>} : memref<8192xf32, #tpu.memory_space<vmem>>, vector<16xf32>,
      %swap3A_262 = vector.shape_cast %swap3A_261 : vector<16xf32> to vector<16xf32>
      %swap3A_263 = vector.shape_cast %get3A_259 : vector<16xf32> to vector<16xf32>
      tpu.vector_store %arg7[%swap3A_260], %swap3A_263 {add = true, strides = array<i32>} : memref<8192xf32, #tpu.memory_space<vmem>>, vector<16xf32>,
      %scan3A_264 = arith.constant 9 : i32
      %scan3A_265 = arith.addi %scan3A_168, %scan3A_264 : i32
      %mul3A_266 = arith.constant 16 : i32
      %mul3A_267 = arith.muli %scan3A_265, %mul3A_266 : i32
      %get3A_268 = arith.index_cast %mul3A_267 : i32 to index
      %get3A_269 = tpu.vector_load %arg11[%get3A_268] {strides = array<i32>} : memref<8192xf32, #tpu.memory_space<vmem>>, vector<16xf32>,
      %get3A_270 = vector.shape_cast %get3A_269 : vector<16xf32> to vector<16xf32>
      %swap3A_271 = arith.index_cast %mul3A_267 : i32 to index
      %swap3A_272 = tpu.vector_load %arg7[%swap3A_271] {strides = array<i32>} : memref<8192xf32, #tpu.memory_space<vmem>>, vector<16xf32>,
      %swap3A_273 = vector.shape_cast %swap3A_272 : vector<16xf32> to vector<16xf32>
      %swap3A_274 = vector.shape_cast %get3A_270 : vector<16xf32> to vector<16xf32>
      tpu.vector_store %arg7[%swap3A_271], %swap3A_274 {add = true, strides = array<i32>} : memref<8192xf32, #tpu.memory_space<vmem>>, vector<16xf32>,
      %scan3A_275 = arith.constant 10 : i32
      %scan3A_276 = arith.addi %scan3A_168, %scan3A_275 : i32
      %mul3A_277 = arith.constant 16 : i32
      %mul3A_278 = arith.muli %scan3A_276, %mul3A_277 : i32
      %get3A_279 = arith.index_cast %mul3A_278 : i32 to index
      %get3A_280 = tpu.vector_load %arg11[%get3A_279] {strides = array<i32>} : memref<8192xf32, #tpu.memory_space<vmem>>, vector<16xf32>,
      %get3A_281 = vector.shape_cast %get3A_280 : vector<16xf32> to vector<16xf32>
      %swap3A_282 = arith.index_cast %mul3A_278 : i32 to index
      %swap3A_283 = tpu.vector_load %arg7[%swap3A_282] {strides = array<i32>} : memref<8192xf32, #tpu.memory_space<vmem>>, vector<16xf32>,
      %swap3A_284 = vector.shape_cast %swap3A_283 : vector<16xf32> to vector<16xf32>
      %swap3A_285 = vector.shape_cast %get3A_281 : vector<16xf32> to vector<16xf32>
      tpu.vector_store %arg7[%swap3A_282], %swap3A_285 {add = true, strides = array<i32>} : memref<8192xf32, #tpu.memory_space<vmem>>, vector<16xf32>,
      %scan3A_286 = arith.constant 11 : i32
      %scan3A_287 = arith.addi %scan3A_168, %scan3A_286 : i32
      %mul3A_288 = arith.constant 16 : i32
      %mul3A_289 = arith.muli %scan3A_287, %mul3A_288 : i32
      %get3A_290 = arith.index_cast %mul3A_289 : i32 to index
      %get3A_291 = tpu.vector_load %arg11[%get3A_290] {strides = array<i32>} : memref<8192xf32, #tpu.memory_space<vmem>>, vector<16xf32>,
      %get3A_292 = vector.shape_cast %get3A_291 : vector<16xf32> to vector<16xf32>
      %swap3A_293 = arith.index_cast %mul3A_289 : i32 to index
      %swap3A_294 = tpu.vector_load %arg7[%swap3A_293] {strides = array<i32>} : memref<8192xf32, #tpu.memory_space<vmem>>, vector<16xf32>,
      %swap3A_295 = vector.shape_cast %swap3A_294 : vector<16xf32> to vector<16xf32>
      %swap3A_296 = vector.shape_cast %get3A_292 : vector<16xf32> to vector<16xf32>
      tpu.vector_store %arg7[%swap3A_293], %swap3A_296 {add = true, strides = array<i32>} : memref<8192xf32, #tpu.memory_space<vmem>>, vector<16xf32>,
      %scan3A_297 = arith.constant 12 : i32
      %scan3A_298 = arith.addi %scan3A_168, %scan3A_297 : i32
      %mul3A_299 = arith.constant 16 : i32
      %mul3A_300 = arith.muli %scan3A_298, %mul3A_299 : i32
      %get3A_301 = arith.index_cast %mul3A_300 : i32 to index
      %get3A_302 = tpu.vector_load %arg11[%get3A_301] {strides = array<i32>} : memref<8192xf32, #tpu.memory_space<vmem>>, vector<16xf32>,
      %get3A_303 = vector.shape_cast %get3A_302 : vector<16xf32> to vector<16xf32>
      %swap3A_304 = arith.index_cast %mul3A_300 : i32 to index
      %swap3A_305 = tpu.vector_load %arg7[%swap3A_304] {strides = array<i32>} : memref<8192xf32, #tpu.memory_space<vmem>>, vector<16xf32>,
      %swap3A_306 = vector.shape_cast %swap3A_305 : vector<16xf32> to vector<16xf32>
      %swap3A_307 = vector.shape_cast %get3A_303 : vector<16xf32> to vector<16xf32>
      tpu.vector_store %arg7[%swap3A_304], %swap3A_307 {add = true, strides = array<i32>} : memref<8192xf32, #tpu.memory_space<vmem>>, vector<16xf32>,
      %scan3A_308 = arith.constant 13 : i32
      %scan3A_309 = arith.addi %scan3A_168, %scan3A_308 : i32
      %mul3A_310 = arith.constant 16 : i32
      %mul3A_311 = arith.muli %scan3A_309, %mul3A_310 : i32
      %get3A_312 = arith.index_cast %mul3A_311 : i32 to index
      %get3A_313 = tpu.vector_load %arg11[%get3A_312] {strides = array<i32>} : memref<8192xf32, #tpu.memory_space<vmem>>, vector<16xf32>,
      %get3A_314 = vector.shape_cast %get3A_313 : vector<16xf32> to vector<16xf32>
      %swap3A_315 = arith.index_cast %mul3A_311 : i32 to index
      %swap3A_316 = tpu.vector_load %arg7[%swap3A_315] {strides = array<i32>} : memref<8192xf32, #tpu.memory_space<vmem>>, vector<16xf32>,
      %swap3A_317 = vector.shape_cast %swap3A_316 : vector<16xf32> to vector<16xf32>
      %swap3A_318 = vector.shape_cast %get3A_314 : vector<16xf32> to vector<16xf32>
      tpu.vector_store %arg7[%swap3A_315], %swap3A_318 {add = true, strides = array<i32>} : memref<8192xf32, #tpu.memory_space<vmem>>, vector<16xf32>,
      %scan3A_319 = arith.constant 14 : i32
      %scan3A_320 = arith.addi %scan3A_168, %scan3A_319 : i32
      %mul3A_321 = arith.constant 16 : i32
      %mul3A_322 = arith.muli %scan3A_320, %mul3A_321 : i32
      %get3A_323 = arith.index_cast %mul3A_322 : i32 to index
      %get3A_324 = tpu.vector_load %arg11[%get3A_323] {strides = array<i32>} : memref<8192xf32, #tpu.memory_space<vmem>>, vector<16xf32>,
      %get3A_325 = vector.shape_cast %get3A_324 : vector<16xf32> to vector<16xf32>
      %swap3A_326 = arith.index_cast %mul3A_322 : i32 to index
      %swap3A_327 = tpu.vector_load %arg7[%swap3A_326] {strides = array<i32>} : memref<8192xf32, #tpu.memory_space<vmem>>, vector<16xf32>,
      %swap3A_328 = vector.shape_cast %swap3A_327 : vector<16xf32> to vector<16xf32>
      %swap3A_329 = vector.shape_cast %get3A_325 : vector<16xf32> to vector<16xf32>
      tpu.vector_store %arg7[%swap3A_326], %swap3A_329 {add = true, strides = array<i32>} : memref<8192xf32, #tpu.memory_space<vmem>>, vector<16xf32>,
      %scan3A_330 = arith.constant 15 : i32
      %scan3A_331 = arith.addi %scan3A_168, %scan3A_330 : i32
      %mul3A_332 = arith.constant 16 : i32
      %mul3A_333 = arith.muli %scan3A_331, %mul3A_332 : i32
      %get3A_334 = arith.index_cast %mul3A_333 : i32 to index
      %get3A_335 = tpu.vector_load %arg11[%get3A_334] {strides = array<i32>} : memref<8192xf32, #tpu.memory_space<vmem>>, vector<16xf32>,
      %get3A_336 = vector.shape_cast %get3A_335 : vector<16xf32> to vector<16xf32>
      %swap3A_337 = arith.index_cast %mul3A_333 : i32 to index
      %swap3A_338 = tpu.vector_load %arg7[%swap3A_337] {strides = array<i32>} : memref<8192xf32, #tpu.memory_space<vmem>>, vector<16xf32>,
      %swap3A_339 = vector.shape_cast %swap3A_338 : vector<16xf32> to vector<16xf32>
      %swap3A_340 = vector.shape_cast %get3A_336 : vector<16xf32> to vector<16xf32>
      tpu.vector_store %arg7[%swap3A_337], %swap3A_340 {add = true, strides = array<i32>} : memref<8192xf32, #tpu.memory_space<vmem>>, vector<16xf32>,
    }
    %scan3A_125 = arith.constant 512 : i32
    %add3A_126 = arith.constant 2080768 : i32
    %add3A_127 = arith.addi %mul3A_2, %add3A_126 : i32
    %dma_start3A_128 = tpu.memref_slice %arg4[%add3A_127] : memref<67108864xf32, #tpu.memory_space<hbm>> -> memref<8192xf32, #tpu.memory_space<hbm>>
    %dma_start3A_129 = tpu.memref_slice %arg4[%add3A_127] : memref<67108864xf32, #tpu.memory_space<hbm>> -> memref<8192xf32, #tpu.memory_space<hbm>>
    tpu.enqueue_dma source(%arg7 : memref<8192xf32, #tpu.memory_space<vmem>>) target(%dma_start3A_129 : memref<8192xf32, #tpu.memory_space<hbm>>) target_semaphore(%arg23 : memref<!tpu.dma_semaphore, #tpu.memory_space<semaphore_mem>>)
    %add3A_130 = arith.constant 2088960 : i32
    %add3A_131 = arith.addi %mul3A_2, %add3A_130 : i32
    %dma_wait3A_132 = tpu.memref_slice %arg2[%add3A_131] : memref<67108864xf32, #tpu.memory_space<hbm>> -> memref<8192xf32, #tpu.memory_space<hbm>>
    %dma_wait3A_133 = tpu.memref_slice %arg2[%add3A_131] : memref<67108864xf32, #tpu.memory_space<hbm>> -> memref<8192xf32, #tpu.memory_space<hbm>>
    tpu.wait_dma2 semaphore(%arg16 : memref<!tpu.dma_semaphore, #tpu.memory_space<semaphore_mem>>) src(%dma_wait3A_133 : memref<8192xf32, #tpu.memory_space<hbm>>) dst(%arg8 : memref<8192xf32, #tpu.memory_space<vmem>>)
    %add3A_134 = arith.constant 31 : i32
    %add3A_135 = arith.addi %mul3A_4, %add3A_134 : i32
    %dma_wait3A_136 = arith.constant 57344 : i32
    %dma_wait3A_137 = tpu.memref_slice %arg3[%add3A_135, %dma_wait3A_136] : memref<1024x65536xf32, #tpu.memory_space<hbm>> -> memref<1x8192xf32, #tpu.memory_space<hbm>>
    %dma_wait3A_138 = tpu.memref_squeeze %dma_wait3A_137 : memref<1x8192xf32, #tpu.memory_space<hbm>> -> memref<8192xf32, #tpu.memory_space<hbm>>
    %dma_wait3A_139 = arith.constant 57344 : i32
    %dma_wait3A_140 = tpu.memref_slice %arg3[%add3A_135, %dma_wait3A_139] : memref<1024x65536xf32, #tpu.memory_space<hbm>> -> memref<1x8192xf32, #tpu.memory_space<hbm>>
    %dma_wait3A_141 = tpu.memref_squeeze %dma_wait3A_140 : memref<1x8192xf32, #tpu.memory_space<hbm>> -> memref<8192xf32, #tpu.memory_space<hbm>>
    tpu.wait_dma2 semaphore(%arg20 : memref<!tpu.dma_semaphore, #tpu.memory_space<semaphore_mem>>) src(%dma_wait3A_141 : memref<8192xf32, #tpu.memory_space<hbm>>) dst(%arg12 : memref<8192xf32, #tpu.memory_space<vmem>>)
    %scan3A_142 = arith.constant 0 : i32
    %scan3A_143 = arith.constant 0 : i32
    %scan3A_144 = arith.constant 512 : i32
    %scan3A_145 = arith.addi %scan3A_143, %scan3A_144 : i32
    %scan3A_146 = arith.constant 16 : i32
    scf.for %scan3A_168 = %scan3A_143 to %scan3A_145 step %scan3A_146  : i32 {
      %mul3A_169 = arith.constant 16 : i32
      %mul3A_170 = arith.muli %scan3A_168, %mul3A_169 : i32
      %get3A = arith.index_cast %mul3A_170 : i32 to index
      %get3A_171 = tpu.vector_load %arg12[%get3A] {strides = array<i32>} : memref<8192xf32, #tpu.memory_space<vmem>>, vector<16xf32>,
      %get3A_172 = vector.shape_cast %get3A_171 : vector<16xf32> to vector<16xf32>
      %swap3A = arith.index_cast %mul3A_170 : i32 to index
      %swap3A_173 = tpu.vector_load %arg8[%swap3A] {strides = array<i32>} : memref<8192xf32, #tpu.memory_space<vmem>>, vector<16xf32>,
      %swap3A_174 = vector.shape_cast %swap3A_173 : vector<16xf32> to vector<16xf32>
      %swap3A_175 = vector.shape_cast %get3A_172 : vector<16xf32> to vector<16xf32>
      tpu.vector_store %arg8[%swap3A], %swap3A_175 {add = true, strides = array<i32>} : memref<8192xf32, #tpu.memory_space<vmem>>, vector<16xf32>,
      %scan3A_176 = arith.constant 1 : i32
      %scan3A_177 = arith.addi %scan3A_168, %scan3A_176 : i32
      %mul3A_178 = arith.constant 16 : i32
      %mul3A_179 = arith.muli %scan3A_177, %mul3A_178 : i32
      %get3A_180 = arith.index_cast %mul3A_179 : i32 to index
      %get3A_181 = tpu.vector_load %arg12[%get3A_180] {strides = array<i32>} : memref<8192xf32, #tpu.memory_space<vmem>>, vector<16xf32>,
      %get3A_182 = vector.shape_cast %get3A_181 : vector<16xf32> to vector<16xf32>
      %swap3A_183 = arith.index_cast %mul3A_179 : i32 to index
      %swap3A_184 = tpu.vector_load %arg8[%swap3A_183] {strides = array<i32>} : memref<8192xf32, #tpu.memory_space<vmem>>, vector<16xf32>,
      %swap3A_185 = vector.shape_cast %swap3A_184 : vector<16xf32> to vector<16xf32>
      %swap3A_186 = vector.shape_cast %get3A_182 : vector<16xf32> to vector<16xf32>
      tpu.vector_store %arg8[%swap3A_183], %swap3A_186 {add = true, strides = array<i32>} : memref<8192xf32, #tpu.memory_space<vmem>>, vector<16xf32>,
      %scan3A_187 = arith.constant 2 : i32
      %scan3A_188 = arith.addi %scan3A_168, %scan3A_187 : i32
      %mul3A_189 = arith.constant 16 : i32
      %mul3A_190 = arith.muli %scan3A_188, %mul3A_189 : i32
      %get3A_191 = arith.index_cast %mul3A_190 : i32 to index
      %get3A_192 = tpu.vector_load %arg12[%get3A_191] {strides = array<i32>} : memref<8192xf32, #tpu.memory_space<vmem>>, vector<16xf32>,
      %get3A_193 = vector.shape_cast %get3A_192 : vector<16xf32> to vector<16xf32>
      %swap3A_194 = arith.index_cast %mul3A_190 : i32 to index
      %swap3A_195 = tpu.vector_load %arg8[%swap3A_194] {strides = array<i32>} : memref<8192xf32, #tpu.memory_space<vmem>>, vector<16xf32>,
      %swap3A_196 = vector.shape_cast %swap3A_195 : vector<16xf32> to vector<16xf32>
      %swap3A_197 = vector.shape_cast %get3A_193 : vector<16xf32> to vector<16xf32>
      tpu.vector_store %arg8[%swap3A_194], %swap3A_197 {add = true, strides = array<i32>} : memref<8192xf32, #tpu.memory_space<vmem>>, vector<16xf32>,
      %scan3A_198 = arith.constant 3 : i32
      %scan3A_199 = arith.addi %scan3A_168, %scan3A_198 : i32
      %mul3A_200 = arith.constant 16 : i32
      %mul3A_201 = arith.muli %scan3A_199, %mul3A_200 : i32
      %get3A_202 = arith.index_cast %mul3A_201 : i32 to index
      %get3A_203 = tpu.vector_load %arg12[%get3A_202] {strides = array<i32>} : memref<8192xf32, #tpu.memory_space<vmem>>, vector<16xf32>,
      %get3A_204 = vector.shape_cast %get3A_203 : vector<16xf32> to vector<16xf32>
      %swap3A_205 = arith.index_cast %mul3A_201 : i32 to index
      %swap3A_206 = tpu.vector_load %arg8[%swap3A_205] {strides = array<i32>} : memref<8192xf32, #tpu.memory_space<vmem>>, vector<16xf32>,
      %swap3A_207 = vector.shape_cast %swap3A_206 : vector<16xf32> to vector<16xf32>
      %swap3A_208 = vector.shape_cast %get3A_204 : vector<16xf32> to vector<16xf32>
      tpu.vector_store %arg8[%swap3A_205], %swap3A_208 {add = true, strides = array<i32>} : memref<8192xf32, #tpu.memory_space<vmem>>, vector<16xf32>,
      %scan3A_209 = arith.constant 4 : i32
      %scan3A_210 = arith.addi %scan3A_168, %scan3A_209 : i32
      %mul3A_211 = arith.constant 16 : i32
      %mul3A_212 = arith.muli %scan3A_210, %mul3A_211 : i32
      %get3A_213 = arith.index_cast %mul3A_212 : i32 to index
      %get3A_214 = tpu.vector_load %arg12[%get3A_213] {strides = array<i32>} : memref<8192xf32, #tpu.memory_space<vmem>>, vector<16xf32>,
      %get3A_215 = vector.shape_cast %get3A_214 : vector<16xf32> to vector<16xf32>
      %swap3A_216 = arith.index_cast %mul3A_212 : i32 to index
      %swap3A_217 = tpu.vector_load %arg8[%swap3A_216] {strides = array<i32>} : memref<8192xf32, #tpu.memory_space<vmem>>, vector<16xf32>,
      %swap3A_218 = vector.shape_cast %swap3A_217 : vector<16xf32> to vector<16xf32>
      %swap3A_219 = vector.shape_cast %get3A_215 : vector<16xf32> to vector<16xf32>
      tpu.vector_store %arg8[%swap3A_216], %swap3A_219 {add = true, strides = array<i32>} : memref<8192xf32, #tpu.memory_space<vmem>>, vector<16xf32>,
      %scan3A_220 = arith.constant 5 : i32
      %scan3A_221 = arith.addi %scan3A_168, %scan3A_220 : i32
      %mul3A_222 = arith.constant 16 : i32
      %mul3A_223 = arith.muli %scan3A_221, %mul3A_222 : i32
      %get3A_224 = arith.index_cast %mul3A_223 : i32 to index
      %get3A_225 = tpu.vector_load %arg12[%get3A_224] {strides = array<i32>} : memref<8192xf32, #tpu.memory_space<vmem>>, vector<16xf32>,
      %get3A_226 = vector.shape_cast %get3A_225 : vector<16xf32> to vector<16xf32>
      %swap3A_227 = arith.index_cast %mul3A_223 : i32 to index
      %swap3A_228 = tpu.vector_load %arg8[%swap3A_227] {strides = array<i32>} : memref<8192xf32, #tpu.memory_space<vmem>>, vector<16xf32>,
      %swap3A_229 = vector.shape_cast %swap3A_228 : vector<16xf32> to vector<16xf32>
      %swap3A_230 = vector.shape_cast %get3A_226 : vector<16xf32> to vector<16xf32>
      tpu.vector_store %arg8[%swap3A_227], %swap3A_230 {add = true, strides = array<i32>} : memref<8192xf32, #tpu.memory_space<vmem>>, vector<16xf32>,
      %scan3A_231 = arith.constant 6 : i32
      %scan3A_232 = arith.addi %scan3A_168, %scan3A_231 : i32
      %mul3A_233 = arith.constant 16 : i32
      %mul3A_234 = arith.muli %scan3A_232, %mul3A_233 : i32
      %get3A_235 = arith.index_cast %mul3A_234 : i32 to index
      %get3A_236 = tpu.vector_load %arg12[%get3A_235] {strides = array<i32>} : memref<8192xf32, #tpu.memory_space<vmem>>, vector<16xf32>,
      %get3A_237 = vector.shape_cast %get3A_236 : vector<16xf32> to vector<16xf32>
      %swap3A_238 = arith.index_cast %mul3A_234 : i32 to index
      %swap3A_239 = tpu.vector_load %arg8[%swap3A_238] {strides = array<i32>} : memref<8192xf32, #tpu.memory_space<vmem>>, vector<16xf32>,
      %swap3A_240 = vector.shape_cast %swap3A_239 : vector<16xf32> to vector<16xf32>
      %swap3A_241 = vector.shape_cast %get3A_237 : vector<16xf32> to vector<16xf32>
      tpu.vector_store %arg8[%swap3A_238], %swap3A_241 {add = true, strides = array<i32>} : memref<8192xf32, #tpu.memory_space<vmem>>, vector<16xf32>,
      %scan3A_242 = arith.constant 7 : i32
      %scan3A_243 = arith.addi %scan3A_168, %scan3A_242 : i32
      %mul3A_244 = arith.constant 16 : i32
      %mul3A_245 = arith.muli %scan3A_243, %mul3A_244 : i32
      %get3A_246 = arith.index_cast %mul3A_245 : i32 to index
      %get3A_247 = tpu.vector_load %arg12[%get3A_246] {strides = array<i32>} : memref<8192xf32, #tpu.memory_space<vmem>>, vector<16xf32>,
      %get3A_248 = vector.shape_cast %get3A_247 : vector<16xf32> to vector<16xf32>
      %swap3A_249 = arith.index_cast %mul3A_245 : i32 to index
      %swap3A_250 = tpu.vector_load %arg8[%swap3A_249] {strides = array<i32>} : memref<8192xf32, #tpu.memory_space<vmem>>, vector<16xf32>,
      %swap3A_251 = vector.shape_cast %swap3A_250 : vector<16xf32> to vector<16xf32>
      %swap3A_252 = vector.shape_cast %get3A_248 : vector<16xf32> to vector<16xf32>
      tpu.vector_store %arg8[%swap3A_249], %swap3A_252 {add = true, strides = array<i32>} : memref<8192xf32, #tpu.memory_space<vmem>>, vector<16xf32>,
      %scan3A_253 = arith.constant 8 : i32
      %scan3A_254 = arith.addi %scan3A_168, %scan3A_253 : i32
      %mul3A_255 = arith.constant 16 : i32
      %mul3A_256 = arith.muli %scan3A_254, %mul3A_255 : i32
      %get3A_257 = arith.index_cast %mul3A_256 : i32 to index
      %get3A_258 = tpu.vector_load %arg12[%get3A_257] {strides = array<i32>} : memref<8192xf32, #tpu.memory_space<vmem>>, vector<16xf32>,
      %get3A_259 = vector.shape_cast %get3A_258 : vector<16xf32> to vector<16xf32>
      %swap3A_260 = arith.index_cast %mul3A_256 : i32 to index
      %swap3A_261 = tpu.vector_load %arg8[%swap3A_260] {strides = array<i32>} : memref<8192xf32, #tpu.memory_space<vmem>>, vector<16xf32>,
      %swap3A_262 = vector.shape_cast %swap3A_261 : vector<16xf32> to vector<16xf32>
      %swap3A_263 = vector.shape_cast %get3A_259 : vector<16xf32> to vector<16xf32>
      tpu.vector_store %arg8[%swap3A_260], %swap3A_263 {add = true, strides = array<i32>} : memref<8192xf32, #tpu.memory_space<vmem>>, vector<16xf32>,
      %scan3A_264 = arith.constant 9 : i32
      %scan3A_265 = arith.addi %scan3A_168, %scan3A_264 : i32
      %mul3A_266 = arith.constant 16 : i32
      %mul3A_267 = arith.muli %scan3A_265, %mul3A_266 : i32
      %get3A_268 = arith.index_cast %mul3A_267 : i32 to index
      %get3A_269 = tpu.vector_load %arg12[%get3A_268] {strides = array<i32>} : memref<8192xf32, #tpu.memory_space<vmem>>, vector<16xf32>,
      %get3A_270 = vector.shape_cast %get3A_269 : vector<16xf32> to vector<16xf32>
      %swap3A_271 = arith.index_cast %mul3A_267 : i32 to index
      %swap3A_272 = tpu.vector_load %arg8[%swap3A_271] {strides = array<i32>} : memref<8192xf32, #tpu.memory_space<vmem>>, vector<16xf32>,
      %swap3A_273 = vector.shape_cast %swap3A_272 : vector<16xf32> to vector<16xf32>
      %swap3A_274 = vector.shape_cast %get3A_270 : vector<16xf32> to vector<16xf32>
      tpu.vector_store %arg8[%swap3A_271], %swap3A_274 {add = true, strides = array<i32>} : memref<8192xf32, #tpu.memory_space<vmem>>, vector<16xf32>,
      %scan3A_275 = arith.constant 10 : i32
      %scan3A_276 = arith.addi %scan3A_168, %scan3A_275 : i32
      %mul3A_277 = arith.constant 16 : i32
      %mul3A_278 = arith.muli %scan3A_276, %mul3A_277 : i32
      %get3A_279 = arith.index_cast %mul3A_278 : i32 to index
      %get3A_280 = tpu.vector_load %arg12[%get3A_279] {strides = array<i32>} : memref<8192xf32, #tpu.memory_space<vmem>>, vector<16xf32>,
      %get3A_281 = vector.shape_cast %get3A_280 : vector<16xf32> to vector<16xf32>
      %swap3A_282 = arith.index_cast %mul3A_278 : i32 to index
      %swap3A_283 = tpu.vector_load %arg8[%swap3A_282] {strides = array<i32>} : memref<8192xf32, #tpu.memory_space<vmem>>, vector<16xf32>,
      %swap3A_284 = vector.shape_cast %swap3A_283 : vector<16xf32> to vector<16xf32>
      %swap3A_285 = vector.shape_cast %get3A_281 : vector<16xf32> to vector<16xf32>
      tpu.vector_store %arg8[%swap3A_282], %swap3A_285 {add = true, strides = array<i32>} : memref<8192xf32, #tpu.memory_space<vmem>>, vector<16xf32>,
      %scan3A_286 = arith.constant 11 : i32
      %scan3A_287 = arith.addi %scan3A_168, %scan3A_286 : i32
      %mul3A_288 = arith.constant 16 : i32
      %mul3A_289 = arith.muli %scan3A_287, %mul3A_288 : i32
      %get3A_290 = arith.index_cast %mul3A_289 : i32 to index
      %get3A_291 = tpu.vector_load %arg12[%get3A_290] {strides = array<i32>} : memref<8192xf32, #tpu.memory_space<vmem>>, vector<16xf32>,
      %get3A_292 = vector.shape_cast %get3A_291 : vector<16xf32> to vector<16xf32>
      %swap3A_293 = arith.index_cast %mul3A_289 : i32 to index
      %swap3A_294 = tpu.vector_load %arg8[%swap3A_293] {strides = array<i32>} : memref<8192xf32, #tpu.memory_space<vmem>>, vector<16xf32>,
      %swap3A_295 = vector.shape_cast %swap3A_294 : vector<16xf32> to vector<16xf32>
      %swap3A_296 = vector.shape_cast %get3A_292 : vector<16xf32> to vector<16xf32>
      tpu.vector_store %arg8[%swap3A_293], %swap3A_296 {add = true, strides = array<i32>} : memref<8192xf32, #tpu.memory_space<vmem>>, vector<16xf32>,
      %scan3A_297 = arith.constant 12 : i32
      %scan3A_298 = arith.addi %scan3A_168, %scan3A_297 : i32
      %mul3A_299 = arith.constant 16 : i32
      %mul3A_300 = arith.muli %scan3A_298, %mul3A_299 : i32
      %get3A_301 = arith.index_cast %mul3A_300 : i32 to index
      %get3A_302 = tpu.vector_load %arg12[%get3A_301] {strides = array<i32>} : memref<8192xf32, #tpu.memory_space<vmem>>, vector<16xf32>,
      %get3A_303 = vector.shape_cast %get3A_302 : vector<16xf32> to vector<16xf32>
      %swap3A_304 = arith.index_cast %mul3A_300 : i32 to index
      %swap3A_305 = tpu.vector_load %arg8[%swap3A_304] {strides = array<i32>} : memref<8192xf32, #tpu.memory_space<vmem>>, vector<16xf32>,
      %swap3A_306 = vector.shape_cast %swap3A_305 : vector<16xf32> to vector<16xf32>
      %swap3A_307 = vector.shape_cast %get3A_303 : vector<16xf32> to vector<16xf32>
      tpu.vector_store %arg8[%swap3A_304], %swap3A_307 {add = true, strides = array<i32>} : memref<8192xf32, #tpu.memory_space<vmem>>, vector<16xf32>,
      %scan3A_308 = arith.constant 13 : i32
      %scan3A_309 = arith.addi %scan3A_168, %scan3A_308 : i32
      %mul3A_310 = arith.constant 16 : i32
      %mul3A_311 = arith.muli %scan3A_309, %mul3A_310 : i32
      %get3A_312 = arith.index_cast %mul3A_311 : i32 to index
      %get3A_313 = tpu.vector_load %arg12[%get3A_312] {strides = array<i32>} : memref<8192xf32, #tpu.memory_space<vmem>>, vector<16xf32>,
      %get3A_314 = vector.shape_cast %get3A_313 : vector<16xf32> to vector<16xf32>
      %swap3A_315 = arith.index_cast %mul3A_311 : i32 to index
      %swap3A_316 = tpu.vector_load %arg8[%swap3A_315] {strides = array<i32>} : memref<8192xf32, #tpu.memory_space<vmem>>, vector<16xf32>,
      %swap3A_317 = vector.shape_cast %swap3A_316 : vector<16xf32> to vector<16xf32>
      %swap3A_318 = vector.shape_cast %get3A_314 : vector<16xf32> to vector<16xf32>
      tpu.vector_store %arg8[%swap3A_315], %swap3A_318 {add = true, strides = array<i32>} : memref<8192xf32, #tpu.memory_space<vmem>>, vector<16xf32>,
      %scan3A_319 = arith.constant 14 : i32
      %scan3A_320 = arith.addi %scan3A_168, %scan3A_319 : i32
      %mul3A_321 = arith.constant 16 : i32
      %mul3A_322 = arith.muli %scan3A_320, %mul3A_321 : i32
      %get3A_323 = arith.index_cast %mul3A_322 : i32 to index
      %get3A_324 = tpu.vector_load %arg12[%get3A_323] {strides = array<i32>} : memref<8192xf32, #tpu.memory_space<vmem>>, vector<16xf32>,
      %get3A_325 = vector.shape_cast %get3A_324 : vector<16xf32> to vector<16xf32>
      %swap3A_326 = arith.index_cast %mul3A_322 : i32 to index
      %swap3A_327 = tpu.vector_load %arg8[%swap3A_326] {strides = array<i32>} : memref<8192xf32, #tpu.memory_space<vmem>>, vector<16xf32>,
      %swap3A_328 = vector.shape_cast %swap3A_327 : vector<16xf32> to vector<16xf32>
      %swap3A_329 = vector.shape_cast %get3A_325 : vector<16xf32> to vector<16xf32>
      tpu.vector_store %arg8[%swap3A_326], %swap3A_329 {add = true, strides = array<i32>} : memref<8192xf32, #tpu.memory_space<vmem>>, vector<16xf32>,
      %scan3A_330 = arith.constant 15 : i32
      %scan3A_331 = arith.addi %scan3A_168, %scan3A_330 : i32
      %mul3A_332 = arith.constant 16 : i32
      %mul3A_333 = arith.muli %scan3A_331, %mul3A_332 : i32
      %get3A_334 = arith.index_cast %mul3A_333 : i32 to index
      %get3A_335 = tpu.vector_load %arg12[%get3A_334] {strides = array<i32>} : memref<8192xf32, #tpu.memory_space<vmem>>, vector<16xf32>,
      %get3A_336 = vector.shape_cast %get3A_335 : vector<16xf32> to vector<16xf32>
      %swap3A_337 = arith.index_cast %mul3A_333 : i32 to index
      %swap3A_338 = tpu.vector_load %arg8[%swap3A_337] {strides = array<i32>} : memref<8192xf32, #tpu.memory_space<vmem>>, vector<16xf32>,
      %swap3A_339 = vector.shape_cast %swap3A_338 : vector<16xf32> to vector<16xf32>
      %swap3A_340 = vector.shape_cast %get3A_336 : vector<16xf32> to vector<16xf32>
      tpu.vector_store %arg8[%swap3A_337], %swap3A_340 {add = true, strides = array<i32>} : memref<8192xf32, #tpu.memory_space<vmem>>, vector<16xf32>,
    }
    %scan3A_147 = arith.constant 512 : i32
    %add3A_148 = arith.constant 2088960 : i32
    %add3A_149 = arith.addi %mul3A_2, %add3A_148 : i32
    %dma_start3A_150 = tpu.memref_slice %arg4[%add3A_149] : memref<67108864xf32, #tpu.memory_space<hbm>> -> memref<8192xf32, #tpu.memory_space<hbm>>
    %dma_start3A_151 = tpu.memref_slice %arg4[%add3A_149] : memref<67108864xf32, #tpu.memory_space<hbm>> -> memref<8192xf32, #tpu.memory_space<hbm>>
    tpu.enqueue_dma source(%arg8 : memref<8192xf32, #tpu.memory_space<vmem>>) target(%dma_start3A_151 : memref<8192xf32, #tpu.memory_space<hbm>>) target_semaphore(%arg24 : memref<!tpu.dma_semaphore, #tpu.memory_space<semaphore_mem>>)
    %add3A_152 = arith.constant 2064384 : i32
    %add3A_153 = arith.addi %mul3A_2, %add3A_152 : i32
    %dma_wait3A_154 = tpu.memref_slice %arg4[%add3A_153] : memref<67108864xf32, #tpu.memory_space<hbm>> -> memref<8192xf32, #tpu.memory_space<hbm>>
    %dma_wait3A_155 = tpu.memref_slice %arg4[%add3A_153] : memref<67108864xf32, #tpu.memory_space<hbm>> -> memref<8192xf32, #tpu.memory_space<hbm>>
    tpu.wait_dma2 semaphore(%arg21 : memref<!tpu.dma_semaphore, #tpu.memory_space<semaphore_mem>>) src(%arg5 : memref<8192xf32, #tpu.memory_space<vmem>>) dst(%dma_wait3A_155 : memref<8192xf32, #tpu.memory_space<hbm>>)
    %add3A_156 = arith.constant 2072576 : i32
    %add3A_157 = arith.addi %mul3A_2, %add3A_156 : i32
    %dma_wait3A_158 = tpu.memref_slice %arg4[%add3A_157] : memref<67108864xf32, #tpu.memory_space<hbm>> -> memref<8192xf32, #tpu.memory_space<hbm>>
    %dma_wait3A_159 = tpu.memref_slice %arg4[%add3A_157] : memref<67108864xf32, #tpu.memory_space<hbm>> -> memref<8192xf32, #tpu.memory_space<hbm>>
    tpu.wait_dma2 semaphore(%arg22 : memref<!tpu.dma_semaphore, #tpu.memory_space<semaphore_mem>>) src(%arg6 : memref<8192xf32, #tpu.memory_space<vmem>>) dst(%dma_wait3A_159 : memref<8192xf32, #tpu.memory_space<hbm>>)
    %add3A_160 = arith.constant 2080768 : i32
    %add3A_161 = arith.addi %mul3A_2, %add3A_160 : i32
    %dma_wait3A_162 = tpu.memref_slice %arg4[%add3A_161] : memref<67108864xf32, #tpu.memory_space<hbm>> -> memref<8192xf32, #tpu.memory_space<hbm>>
    %dma_wait3A_163 = tpu.memref_slice %arg4[%add3A_161] : memref<67108864xf32, #tpu.memory_space<hbm>> -> memref<8192xf32, #tpu.memory_space<hbm>>
    tpu.wait_dma2 semaphore(%arg23 : memref<!tpu.dma_semaphore, #tpu.memory_space<semaphore_mem>>) src(%arg7 : memref<8192xf32, #tpu.memory_space<vmem>>) dst(%dma_wait3A_163 : memref<8192xf32, #tpu.memory_space<hbm>>)
    %add3A_164 = arith.constant 2088960 : i32
    %add3A_165 = arith.addi %mul3A_2, %add3A_164 : i32
    %dma_wait3A_166 = tpu.memref_slice %arg4[%add3A_165] : memref<67108864xf32, #tpu.memory_space<hbm>> -> memref<8192xf32, #tpu.memory_space<hbm>>
    %dma_wait3A_167 = tpu.memref_slice %arg4[%add3A_165] : memref<67108864xf32, #tpu.memory_space<hbm>> -> memref<8192xf32, #tpu.memory_space<hbm>>
    tpu.wait_dma2 semaphore(%arg24 : memref<!tpu.dma_semaphore, #tpu.memory_space<semaphore_mem>>) src(%arg8 : memref<8192xf32, #tpu.memory_space<vmem>>) dst(%dma_wait3A_167 : memref<8192xf32, #tpu.memory_space<hbm>>)
    return
  }
}

</mosaic_0001>

<sc_bundles>
// kernel: kernel.3.cloned.1.call-start
scs
__scs_entry_jumppad:
0x0: {  	(pc) =	sbr.rel $0x88, $3  }
0x1: {  	(tag) =	ssettag $0x0;
	lr =	simm.s32 $0x1  }
0x2: {  	[smem:$0x3F9F] =	sst lr;
	_ =	strace $0xD0000000  }
0x3: {  	_ = 	snop  }
0x4: {  	_ = 	snop  }
0x5: {  	_ = 	snop  }
0x6: {  	_ = 	snop  }
0x7: {  	_ = 	snop  }
__scs_overlays_trampoline_lowered:
0x8: {  	[smem:$0x3FAE] =	sst s0  }
0x9: {  	[smem:$0x3FAF] =	sst s1  }
0xa: {  	[smem:$0x3FB0] =	sst s2  }
0xb: {  	[smem:$0x3FB1] =	sst s3  }
0xc: {  	[smem:$0x3FB2] =	sst s4  }
0xd: {  	[smem:$0x3FB3] =	sst s5  }
0xe: {  	[smem:$0x3FB4] =	sst s6  }
0xf: {  	[smem:$0x3FB5] =	sst s7  }
0x10: {  	[smem:$0x3FB6] =	sst s8  }
0x11: {  	[smem:$0x3FB7] =	sst s9;
	s0 =	simm.s32 @!p0 $0x0  }
0x12: {  	s1 =	sld [smem:$0x3F9D];
	s0 =	simm.s32 @p0 $0x1  }
0x13: {  	[smem:$0x3FB8] =	sst s0;
	s0 =	simm.s32 @!p1 $0x0  }
0x14: {  	s2 =	sld [smem:$0x3F9C];
	s0 =	simm.s32 @p1 $0x1  }
0x15: {  	[smem:$0x3FB9] =	sst s0;
	s0 =	simm.s32 @!p2 $0x0  }
0x16: {  	s3 =	sld [smem:$0x3FDB];
	s0 =	simm.s32 @p2 $0x1  }
0x17: {  	s4 =	simm.s32 $0x1BF5;
	[smem:$0x3FBB] =	sst s0  }
0x18: {  	s0 =	sld [smem:$0x3F9E];
	_ =	swait.ge [sflag:s4], $0x0  }
0x19: {  	s7 =	sld [smem:$0x3F9F]  }
0x1a: {  	s8 =	sadd.s32 $0xFFFFE003, lr  }
0x1b: {  	s9 =	sadd.s32 $0xFFFFFEF7, lr;
	s5 =	simm.s32 $0xFFFFFFFF;
	p2 =	slt.u32 s8, $0xFFFFF086  }
0x1c: {  	p1 =	slt.u32 s9, $0xF7A;
	s5 =	simm.s32 @!p2 $0x0  }
0x1d: {  	s5 =	simm.s32 @p1 $0x1;
	p0 =	seq.s32 s7, s2  }
0x1e: {  	s7 =	smul.u32 @!p0 $0xF7A, s2;
	p2 =	seq.s32 @!p0 s5, $0x0  }
0x1f: {  	s9 =	smul.u32 $0xF7A, s1;
	s8 =	simm.s32 @!p0 $0x1BF5;
	p2 =	por !p2, p0  }
0x20: {  	[sflag:s8] =	ssyncset.s32 @!p0 $0xFFFFF086;
	s6 =	sadd.s32 @!p0 s3, s7;
	s7 =	simm.s32 @!p0 $0x108  }
0x21: {  	s3 =	sadd.s32 s3, s9;
	s6 =	sadd.s32 @!p0 $0x88, s6;
	s7 =	simm.s32 @p2 $0x1082  }
0x22: {  	[simem:s7], [sflag:s8] =	dma.local @!p0 [hbm:s6], $0xF7A  }
0x23: {  	s9 =	sor.u32 $0xD0000000, s2;
	s6 =	simm.s32 $0x108;
	_ =	swait.ge @!p0 [sflag:s8], $0x0  }
0x24: {  	s3 =	sadd.s32 $0x88, s3;
	s6 =	simm.s32 @!p1 $0x1082;
	[sflag:s4] =	ssyncset.s32 $0xFFFFF086  }
0x25: {  	[simem:s6], [sflag:s4] =	dma.local [hbm:s3], $0xF7A  }
0x26: {  	[smem:$0x3F9F] =	sst s1;
	(tag) =	ssettag s2;
	_ =	strace s9  }
0x27: {  	s1 =	sld [smem:$0x3FAF]  }
0x28: {  	s2 =	sld [smem:$0x3FB0]  }
0x29: {  	s4 =	sld [smem:$0x3FB2]  }
0x2a: {  	p0 =	seq.s32 s5, $0x0;
	s5 =	sld [smem:$0x3FB3]  }
0x2b: {  	s6 =	sld [smem:$0x3FB4]  }
0x2c: {  	s7 =	sld [smem:$0x3FB5]  }
0x2d: {  	s3 =	simm.s32 $0x108;
	s8 =	sld [smem:$0x3FB6]  }
0x2e: {  	s3 =	simm.s32 @!p0 $0x1082;
	s9 =	sld [smem:$0x3FB7]  }
0x2f: {  	lr =	sadd.s32 s0, s3;
	s0 =	sld [smem:$0x3FAE]  }
0x30: {  	s3 =	sld [smem:$0x3FB1]  }
0x31: {  	[smem:$0x3FBA] =	sst s10  }
0x32: {  	s10 =	sld [smem:$0x3FB8];
	_ =	sdelay $0x3  }
0x33: {  	p0 =	seq.s32 s10, $0x1;
	s10 =	sld [smem:$0x3FBA];
	_ =	sdelay $0x3  }
0x34: {  	[smem:$0x3FBA] =	sst s10  }
0x35: {  	s10 =	sld [smem:$0x3FB9];
	_ =	sdelay $0x3  }
0x36: {  	p1 =	seq.s32 s10, $0x1;
	s10 =	sld [smem:$0x3FBA];
	_ =	sdelay $0x3  }
0x37: {  	[smem:$0x3FBA] =	sst s10  }
0x38: {  	s10 =	sld [smem:$0x3FBB]  }
0x39: {  	_ = 	snop;
	(pc) =	sbr.ind lr, $3  }
0x3a: {  	_ = 	snop  }
0x3b: {  	_ = 	snop  }
0x3c: {  	p2 =	seq.s32 s10, $0x1;
	s10 =	sld [smem:$0x3FBA]  }
0x3d: {  	_ =	shalt  }
0x3e: {  	_ =	shalt  }
0x3f: {  	_ =	shalt  }
0x40: {  	_ =	shalt  }
0x41: {  	_ =	shalt  }
0x42: {  	_ =	shalt  }
0x43: {  	_ =	shalt  }
0x44: {  	_ =	shalt  }
0x45: {  	_ =	shalt  }
0x46: {  	_ =	shalt  }
0x47: {  	_ =	shalt  }
0x48: {  	_ =	shalt  }
0x49: {  	_ =	shalt  }
0x4a: {  	_ =	shalt  }
0x4b: {  	_ =	shalt  }
0x4c: {  	_ =	shalt  }
0x4d: {  	_ =	shalt  }
0x4e: {  	_ =	shalt  }
0x4f: {  	_ =	shalt  }
0x50: {  	_ =	shalt  }
0x51: {  	_ =	shalt  }
0x52: {  	_ =	shalt  }
0x53: {  	_ =	shalt  }
0x54: {  	_ =	shalt  }
0x55: {  	_ =	shalt  }
0x56: {  	_ =	shalt  }
0x57: {  	_ =	shalt  }
0x58: {  	_ =	shalt  }
0x59: {  	_ =	shalt  }
0x5a: {  	_ =	shalt  }
0x5b: {  	_ =	shalt  }
0x5c: {  	_ =	shalt  }
0x5d: {  	_ =	shalt  }
0x5e: {  	_ =	shalt  }
0x5f: {  	_ =	shalt  }
0x60: {  	_ =	shalt  }
0x61: {  	_ =	shalt  }
0x62: {  	_ =	shalt  }
0x63: {  	_ =	shalt  }
0x64: {  	_ =	shalt  }
0x65: {  	_ =	shalt  }
0x66: {  	_ =	shalt  }
0x67: {  	_ =	shalt  }
0x68: {  	_ =	shalt  }
0x69: {  	_ =	shalt  }
0x6a: {  	_ =	shalt  }
0x6b: {  	_ =	shalt  }
0x6c: {  	_ =	shalt  }
0x6d: {  	_ =	shalt  }
0x6e: {  	_ =	shalt  }
0x6f: {  	_ =	shalt  }
0x70: {  	_ =	shalt  }
0x71: {  	_ =	shalt  }
0x72: {  	_ =	shalt  }
0x73: {  	_ =	shalt  }
0x74: {  	_ =	shalt  }
0x75: {  	_ =	shalt  }
0x76: {  	_ =	shalt  }
0x77: {  	_ =	shalt  }
0x78: {  	_ =	shalt  }
0x79: {  	_ =	shalt  }
0x7a: {  	_ =	shalt  }
0x7b: {  	_ =	shalt  }
0x7c: {  	_ =	shalt  }
0x7d: {  	_ =	shalt  }
0x7e: {  	_ =	shalt  }
0x7f: {  	_ =	shalt  }
0x80: {  	_ =	shalt  }
0x81: {  	_ =	shalt  }
0x82: {  	_ =	shalt  }
0x83: {  	_ =	shalt  }
0x84: {  	_ =	shalt  }
0x85: {  	_ =	shalt  }
0x86: {  	_ =	shalt  }
0x87: {  	_ =	shalt  }
.Lfunc_end0:
.L_simem_size_0:
called_computation_lowered:
.L_overlay_start_0:
0x88: {  	s2 =	sld [smem:$0x3FD9]  }
0x89: {  	s3 =	sld [smem:$0x3FFE];
	_ =	sdelay $0x1  }
0x8a: {  	s1 =	srdreg.scid  }
0x8b: {  	s0 =	sand.u32 $0x1, s1  }
0x8c: {  	s18 =	sshll.u32 s0, $0xA;
	s2 =	sadd.s32 s3, s2  }
0x8d: {  	s2 =	sadd.s32 s2, s18  }
0x8e: {  	[smem:$0x3FC6] =	sst s2  }
0x8f: {  	_ = 	snop  }
0x90: {  	s2 =	sld [smem:$0x3FC9]  }
0x91: {  	s19 =	sld [smem:$0x3FC8]  }
0x92: {  	s4 =	sld [smem:$0x3FD0];
	(tm) =	ssettm $0x1  }
0x93: {  	s5 =	sld [smem:$0x3FFB];
	_ =	sdelay $0x3  }
0x94: {  	_ =	strace s5  }
0x95: {  	s5 =	sld [smem:$0x3FFC];
	_ =	sdelay $0x3  }
0x96: {  	_ =	strace s5  }
0x97: {  	s5 =	sld [smem:$0x3FFD];
	_ =	sdelay $0x3  }
0x98: {  	_ =	strace s5  }
0x99: {  	_ =	strace $0x8FFFFFFF  }
0x9a: {  	s20 =	sld [smem:$0x3FDB];
	_ =	sdelay $0x1  }
0x9b: {  	s6 =	simm.s32 $_scs_section_size  }
0x9c: {  	s7 =	simm.s32 $_size__tile_overlayer_lowered;
	s8 =	simm.s32 $_tile_overlayer_lowered  }
0x9d: {  	s23 =	simm.s32 $0x1BFF;
	s22 =	sshll.u32 s8, $0x1;
	s5 =	sadd.s32 s6, s20  }
0x9e: {  	s9 =	simm.s32 $0x0;
	s21 =	sshll.u32 s7, $0x1;
	s7 =	sadd.s32 s22, s5  }
0x9f: {  	[timem:s9], [sflag:s23] =	dma.local [hbm:s7], s21  }
0xa0: {  	_ =	swait.ge [sflag:s23], s21  }
0xa1: {  	s6 =	ssub.s32 $0x0, s21;
	[sflag:s23] =	ssyncset.done $0x0  }
0xa2: {  	[sflag:s23] =	ssyncadd.s32 s6;
	_ =	sdelay $0x1  }
0xa3: {  	s24 =	simm.s32 $0x1B8B  }
0xa4: {  	_ =	swait.ge [sflag:s24], $0x1  }
0xa5: {  	[sflag:s24] =	ssyncset.done $0x0  }
0xa6: {  	s25 =	simm.s32 $0x1B8E;
	[sflag:s24] =	ssyncadd.s32 $0xFFFFFFFF  }
0xa7: {  	s26 =	simm.s32 $execute0_lowered;
	[smem:$0x3FD2] =	sst s25  }
0xa8: {  	s6 =	sshll.u32 s26, $0x1;
	_ =	strace $0x80000046;
	[dreg:$0x1] =	wrdreg $0xFFFFFFFF  }
0xa9: {  	s28 =	simm.s32 $_size_execute0_lowered;
	s5 =	sadd.s32 s5, s6;
	[dreg:$0x0] =	wrdreg $0x0  }
0xaa: {  	s6 =	sshll.u32 s28, $0x1;
	[dreg:$0x2] =	wrdreg s5  }
0xab: {  	[dreg:$0x3] =	wrdreg s6  }
0xac: {  	[dreg:$0x4] =	wrdreg $0xC0  }
0xad: {  	_ =	task [dreg:s9], $0x5FFFF  }
0xae: {  	[dreg:$0x1] =	wrdreg $0xFFFFFFFF  }
0xaf: {  	[dreg:$0x0] =	wrdreg $0x60  }
0xb0: {  	[dreg:$0x2] =	wrdreg s2  }
0xb1: {  	[dreg:$0x3] =	wrdreg s19  }
0xb2: {  	[dreg:$0x4] =	wrdreg s4  }
0xb3: {  	[dreg:$0x5] =	wrdreg $0x9  }
0xb4: {  	_ =	task.clear_ibuf [dreg:s9], $0x6FFFF;
	_ =	strace $0x90000046  }
0xb5: {  	s29 =	simm.s32 $0x9;
	_ =	strace $0x80000048  }
0xb6: {  	_ =	swait.ge [sflag:s29], $0x1  }
0xb7: {  	[sflag:s29] =	ssyncadd.s32 $0xFFFFFFFF  }
0xb8: {  	_ =	strace $0x90000048  }
0xb9: {  	_ =	sfence  }
0xba: {  	s30 =	sld [smem:$0x0];
	_ =	sdelay $0x2  }
0xbb: {  	s31 =	sshll.u32 s1, $0xD;
	s1 =	sshrl.u32 s1, $0x2  }
0xbc: {  	s3 =	sand.u32 $0x4000, s31;
	s1 =	sadd.s32 s1, s30  }
0xbd: {  	s0 =	sor.u32 s3, s0;
	s1 =	sshll.u32 s1, $0x11  }
0xbe: {  	s0 =	sor.u32 s1, s0  }
0xbf: {  	s0 =	sadd.s32 $0x8F2B, s0  }
0xc0: {  	[sflag:s0] =	ssyncadd.remote.s32 $0x1  }
0xc1: {  	_ =	sfence.sel $0xFFFF  }
0xc2: {  	[dreg:$0x0] =	wrdreg $0xFFFFFFFF;
	(pc) =	sbr.abs _section_cstart, $3  }
0xc3: {  	[dreg:$0x1] =	wrdreg $0xFFFFFFFF  }
0xc4: {  	_ =	task.clear_ibuf [dreg:s9], $0x2FFFF;
	_ =	strace $0x9FFFFFFF  }
0xc5: {  	(tm) =	ssettm $0x7FFFFFFF  }
tec
execute0_lowered:
.L_overlay_start_1:
0x0: {  	(tag) =	ssettag $0x1  }
0x1: {  	s1 =	rddreg [dreg:$0x0]  }
0x2: {  	s3 =	rddreg [dreg:$0x1]  }
0x3: {  	s0 =	srdreg.scid;
	s6 =	stileid.u32  }
0x4: {  	s4 =	rddreg [dreg:$0x2];
	s0 =	sand.u32 $0x1, s0;
	s6 =	sshll.u32 s6, $0x1  }
0x5: {  	s5 =	simm.s32 $0x0;
	s2 =	ssub.s32 $0x2, s0;
	s0 =	sor.u32 s0, s6  }
0x6: {  	[smem:$0x7FF] =	sst s5;
	s15 =	sshll.u32 s0, $0x12  }
0x7: {  	s31 =	simm.s32 $0x4000;
	_ =	strace $0x80000047;
	s8 =	sadd.s32 s1, s15  }
0x8: {  	s6 =	sshll.u32 s0, $0x15;
	s10 =	sadd.s32 s3, s15;
	[dreg:$0x4] =	wrdreg s8  }
0x9: {  	s11 =	simm.s32 $0x2;
	s20 =	sor.u32 $0x4000, s6;
	[dreg:$0x5] =	wrdreg s10  }
0xa: {  	s12 =	simm.s32 $0x6;
	s21 =	sor.u32 $0x6000, s6;
	[dreg:$0xa] =	wrdreg s20  }
0xb: {  	s13 =	simm.s32 $0x9;
	s16 =	sadd.s32 $0x400, s8;
	[dreg:$0xb] =	wrdreg s21  }
0xc: {  	s7 =	sshrl.u32 s2, $0x1;
	s17 =	sadd.s32 $0x2000, s10;
	[dreg:$0x6] =	wrdreg s16  }
0xd: {  	s9 =	sshll.u32 s0, $0x5;
	s18 =	sadd.s32 $0x4000, s10;
	[dreg:$0x7] =	wrdreg s17  }
0xe: {  	s22 =	sadd.s32 s15, s4;
	s19 =	sadd.s32 $0x6000, s10;
	[dreg:$0x8] =	wrdreg s18  }
0xf: {  	s23 =	sor.u32 $0x3F800, s15;
	s24 =	sadd.s32 $0x3F000, s22;
	[dreg:$0x9] =	wrdreg s19  }
0x10: {  	s2 =	ssub.s32 s2, s7;
	s25 =	sadd.s32 s1, s23;
	[dreg:$0xc] =	wrdreg s24  }
0x11: {  	s7 =	sor.u32 $0x3FC00, s15;
	s0 =	sadd.s32 $0x3F400, s22;
	[dreg:$0xd] =	wrdreg s25  }
0x12: {  	s26 =	sadd.s32 s1, s7;
	s28 =	sadd.s32 s4, s23;
	[dreg:$0xe] =	wrdreg s0  }
0x13: {  	s29 =	sadd.s32 s4, s7;
	s30 =	smax.u32 s2, $0x1;
	[dreg:$0xf] =	wrdreg s26  }
0x14: {  	s23 =	simm.s32 $0x2000;
	s2 =	simm.s32 $0x5;
	[dreg:$0x10] =	wrdreg s28  }
0x15: {  	s10 =	simm.s32 $0x6000;
	s20 =	simm.s32 $0x8;
	[dreg:$0x11] =	wrdreg s29  }
0x16: {  	s8 =	simm.s32 $0x0;
	[dreg:$0x12] =	wrdreg s30;
	s24 =	simm.s32 $0x80  }
0x17: {  	s25 =	simm.s32 $0x400;
	s0 =	simm.s32 $0x1;
	s16 =	simm.s32 $0x3  }
0x18: {  	s17 =	simm.s32 $0x7;
	s18 =	simm.s32 $0xA;
	s19 =	simm.s32 $0x4  }
.LBB2_1:
0x19: {  	[dreg:$0x13] =	wrdreg s8  }
0x1a: {  	s7 =	rddreg [dreg:$0x4]  }
0x1b: {  	[tilespmem:s5], [sflag:$0x1] =	stream.linear.gather [hbm4b:s7+s5], $0x2000, $0x38;
	[tilespmem:$0x10000] =	vst v63  }
0x1c: {  	s8 =	rddreg [dreg:$0x6]  }
0x1d: {  	[tilespmem:s23], [sflag:$0x2] =	stream.linear.gather [hbm4b:s8+s5], $0x2000, $0x38;
	[tilespmem:$0x10000] =	vst v63  }
0x1e: {  	s14 =	rddreg [dreg:$0x5];
	s15 =	simm.s32 $0x8000  }
0x1f: {  	[tilespmem:s15], [sflag:$0x5] =	stream.strided.gather [hbm4b:s14+s24], $0x2000, s25, s24, $0x38;
	[tilespmem:$0x10000] =	vst v63  }
0x20: {  	s21 =	rddreg [dreg:$0x7];
	s22 =	simm.s32 $0xA000  }
0x21: {  	[tilespmem:s22], [sflag:$0x6] =	stream.strided.gather [hbm4b:s21+s24], $0x2000, s25, s24, $0x38;
	[tilespmem:$0x10000] =	vst v63  }
0x22: {  	s26 =	rddreg [dreg:$0x8];
	s28 =	simm.s32 $0xC000  }
0x23: {  	[tilespmem:s28], [sflag:$0x7] =	stream.strided.gather [hbm4b:s26+s24], $0x2000, s25, s24, $0x38;
	[tilespmem:$0x10000] =	vst v63  }
0x24: {  	s29 =	rddreg [dreg:$0x9];
	s30 =	simm.s32 $0xE000;
	s8 =	simm.s32 $0x0  }
0x25: {  	[tilespmem:s30], [sflag:$0x8] =	stream.strided.gather [hbm4b:s29+s24], $0x2000, s25, s24, $0x38;
	[tilespmem:$0x10000] =	vst v63  }
.LBB2_2:
0x26: {  	p0 =	seq.s32 s8, $0x0  }
0x27: {  	s14 =	simm.s32 @!p0 $0xB  }
0x28: {  	_ =	swait.ge @!p0 [sflag:s14], $0x2000  }
0x29: {  	s7 =	sshll.u32 s8, $0xF;
	s15 =	rddreg [dreg:$0xa]  }
0x2a: {  	s21 =	sadd.s32 s15, s7  }
0x2b: {  	[sflag:s14] =	ssyncset.done @!p0 $0x0;
	s22 =	sshrl.u32 s21, $0x3  }
0x2c: {  	s30 =	simm.s32 $0x0;
	[sflag:s14] =	ssyncadd.s32 @!p0 $0xFFFFE000;
	s26 =	sadd.s32 s1, s22  }
0x2d: {  	[tilespmem:s31], [sflag:$0x3] =	stream.linear.gather [hbm4b:s26+s30], $0x2000, $0x38;
	[tilespmem:$0x10000] =	vst v63  }
0x2e: {  	_ =	swait.ge [sflag:s0], $0x2000  }
0x2f: {  	[sflag:s0] =	ssyncset.done $0x0  }
0x30: {  	[sflag:s0] =	ssyncadd.s32 $0xFFFFE000  }
0x31: {  	_ =	swait.ge [sflag:s2], $0x2000  }
0x32: {  	[sflag:s2] =	ssyncset.done $0x0  }
0x33: {  	s26 =	simm.s32 $0x0;
	[sflag:s2] =	ssyncadd.s32 $0xFFFFE000  }
0x34: {  	v0 =	vld [tilespmem:s26+$0x80F0]  }
0x35: {  	v1 =	vld [tilespmem:s26+$0x8000]  }
0x36: {  	v2 =	vld [tilespmem:s26+$0x8010]  }
0x37: {  	v3 =	vld [tilespmem:s26+$0x8020]  }
0x38: {  	v4 =	vld [tilespmem:s26+$0x8030]  }
0x39: {  	v5 =	vld [tilespmem:s26+$0x8040]  }
0x3a: {  	v6 =	vld [tilespmem:s26+$0x8050]  }
0x3b: {  	v7 =	vld [tilespmem:s26+$0x8060]  }
0x3c: {  	v8 =	vld [tilespmem:s26+$0x8070]  }
0x3d: {  	v9 =	vld [tilespmem:s26+$0x8080]  }
0x3e: {  	v10 =	vld [tilespmem:s26+$0x8090]  }
0x3f: {  	v11 =	vld [tilespmem:s26+$0x80A0]  }
0x40: {  	v12 =	vld [tilespmem:s26+$0x80B0]  }
0x41: {  	v13 =	vld [tilespmem:s26+$0x80C0]  }
0x42: {  	v14 =	vld [tilespmem:s26+$0x80D0]  }
0x43: {  	[tilespmem:s26+$0xF0] =	vst.add.f32.msk $0xffff, v0  }
0x44: {  	v0 =	vld [tilespmem:s26+$0x80E0]  }
0x45: {  	[tilespmem:s26+$0x0] =	vst.add.f32.msk $0xffff, v1  }
0x46: {  	[tilespmem:s26+$0x10] =	vst.add.f32.msk $0xffff, v2  }
0x47: {  	[tilespmem:s26+$0x20] =	vst.add.f32.msk $0xffff, v3  }
0x48: {  	[tilespmem:s26+$0x30] =	vst.add.f32.msk $0xffff, v4  }
0x49: {  	[tilespmem:s26+$0x40] =	vst.add.f32.msk $0xffff, v5  }
0x4a: {  	[tilespmem:s26+$0x50] =	vst.add.f32.msk $0xffff, v6  }
0x4b: {  	[tilespmem:s26+$0x60] =	vst.add.f32.msk $0xffff, v7  }
0x4c: {  	[tilespmem:s26+$0x70] =	vst.add.f32.msk $0xffff, v8  }
0x4d: {  	[tilespmem:s26+$0x80] =	vst.add.f32.msk $0xffff, v9  }
0x4e: {  	[tilespmem:s26+$0x90] =	vst.add.f32.msk $0xffff, v10  }
0x4f: {  	[tilespmem:s26+$0xA0] =	vst.add.f32.msk $0xffff, v11  }
0x50: {  	[tilespmem:s26+$0xB0] =	vst.add.f32.msk $0xffff, v12  }
0x51: {  	[tilespmem:s26+$0xC0] =	vst.add.f32.msk $0xffff, v13  }
0x52: {  	s28 =	simm.s32 $0x0;
	s29 =	simm.s32 $0x400;
	s21 =	sshll.u32 s8, $0x2;
	[tilespmem:s26+$0xD0] =	vst.add.f32.msk $0xffff, v14  }
.LBB2_3:
0x53: {  	s28 =	sadd.s32 $0x10, s28;
	[tilespmem:s26+$0xE0] =	vst.add.f32.msk $0xffff, v0;
	s26 =	sshra.s32 s29, $0x2  }
0x54: {  	v0 =	vld [tilespmem:s26+$0x80F0];
	p1 =	slt.u32 s28, $0x1F0  }
0x55: {  	v1 =	vld [tilespmem:s26+$0x8000]  }
0x56: {  	v2 =	vld [tilespmem:s26+$0x8010]  }
0x57: {  	v3 =	vld [tilespmem:s26+$0x8020]  }
0x58: {  	v4 =	vld [tilespmem:s26+$0x8030]  }
0x59: {  	[tilespmem:s26+$0xF0] =	vst.add.f32.msk $0xffff, v0  }
0x5a: {  	v5 =	vld [tilespmem:s26+$0x8040]  }
0x5b: {  	v6 =	vld [tilespmem:s26+$0x8050]  }
0x5c: {  	v7 =	vld [tilespmem:s26+$0x8060]  }
0x5d: {  	v8 =	vld [tilespmem:s26+$0x8070]  }
0x5e: {  	v9 =	vld [tilespmem:s26+$0x8080]  }
0x5f: {  	v10 =	vld [tilespmem:s26+$0x8090]  }
0x60: {  	v11 =	vld [tilespmem:s26+$0x80A0]  }
0x61: {  	v12 =	vld [tilespmem:s26+$0x80B0]  }
0x62: {  	v13 =	vld [tilespmem:s26+$0x80C0]  }
0x63: {  	v14 =	vld [tilespmem:s26+$0x80D0]  }
0x64: {  	v0 =	vld [tilespmem:s26+$0x80E0]  }
0x65: {  	[tilespmem:s26+$0x0] =	vst.add.f32.msk $0xffff, v1  }
0x66: {  	[tilespmem:s26+$0x10] =	vst.add.f32.msk $0xffff, v2  }
0x67: {  	[tilespmem:s26+$0x20] =	vst.add.f32.msk $0xffff, v3  }
0x68: {  	[tilespmem:s26+$0x30] =	vst.add.f32.msk $0xffff, v4  }
0x69: {  	[tilespmem:s26+$0x40] =	vst.add.f32.msk $0xffff, v5  }
0x6a: {  	[tilespmem:s26+$0x50] =	vst.add.f32.msk $0xffff, v6  }
0x6b: {  	[tilespmem:s26+$0x60] =	vst.add.f32.msk $0xffff, v7  }
0x6c: {  	[tilespmem:s26+$0x70] =	vst.add.f32.msk $0xffff, v8  }
0x6d: {  	[tilespmem:s26+$0x80] =	vst.add.f32.msk $0xffff, v9  }
.Ltmp0:
0x6e: {  	[tilespmem:s26+$0x90] =	vst.add.f32.msk $0xffff, v10;
	(pc) =	sbr.rel @p1 .LBB2_3-.Ltmp0, $4  }
0x6f: {  	[tilespmem:s26+$0xA0] =	vst.add.f32.msk $0xffff, v11  }
0x70: {  	[tilespmem:s26+$0xB0] =	vst.add.f32.msk $0xffff, v12  }
0x71: {  	[tilespmem:s26+$0xC0] =	vst.add.f32.msk $0xffff, v13  }
0x72: {  	s29 =	sadd.s32 $0x400, s29;
	[tilespmem:s26+$0xD0] =	vst.add.f32.msk $0xffff, v14  }
0x73: {  	s14 =	sor.u32 s6, s7  }
0x74: {  	s28 =	sshrl.u32 s14, $0x3  }
0x75: {  	[tilespmem:s26+$0xE0] =	vst.add.f32.msk $0xffff, v0;
	s14 =	sadd.s32 s4, s28  }
0x76: {  	[hbm4b:s14+s5] =	stream.linear.scatter [tilespmem:s5], [sflag:$0x9], $0x2000, $0x38;
	[tilespmem:$0x10000] =	vst v63  }
0x77: {  	s14 =	sadd.s32 $0x4, s21  }
0x78: {  	s15 =	sshrl.u32 s14, $0x3  }
0x79: {  	s26 =	sadd.s32 s9, s15  }
0x7a: {  	s29 =	sshll.u32 s26, $0xD;
	s26 =	sshll.u32 s14, $0xD;
	s14 =	sshll.u32 s14, $0x1  }
0x7b: {  	s29 =	sand.u32 $0xFFF0000, s29;
	s30 =	sand.u32 $0x8000, s26;
	s14 =	sand.u32 $0x70, s14  }
0x7c: {  	s29 =	sor.u32 s29, s30;
	s14 =	sadd.s32 s3, s14  }
0x7d: {  	s15 =	simm.s32 $0x8000;
	s14 =	sadd.s32 s29, s14  }
0x7e: {  	[tilespmem:s15], [sflag:$0x5] =	stream.strided.gather [hbm4b:s14+s24], $0x2000, s25, s24, $0x38;
	[tilespmem:$0x10000] =	vst v63  }
0x7f: {  	s14 =	simm.s32 @!p0 $0xC  }
0x80: {  	_ =	swait.ge @!p0 [sflag:s14], $0x2000  }
0x81: {  	s15 =	rddreg [dreg:$0xb]  }
0x82: {  	s15 =	sadd.s32 s15, s7  }
0x83: {  	[sflag:s14] =	ssyncset.done @!p0 $0x0;
	s7 =	sshrl.u32 s15, $0x3  }
0x84: {  	s29 =	simm.s32 $0x0;
	[sflag:s14] =	ssyncadd.s32 @!p0 $0xFFFFE000;
	s15 =	sadd.s32 s1, s7  }
0x85: {  	[tilespmem:s10], [sflag:$0x4] =	stream.linear.gather [hbm4b:s15+s29], $0x2000, $0x38;
	[tilespmem:$0x10000] =	vst v63  }
0x86: {  	_ =	swait.ge [sflag:s11], $0x2000  }
0x87: {  	[sflag:s11] =	ssyncset.done $0x0  }
0x88: {  	[sflag:s11] =	ssyncadd.s32 $0xFFFFE000  }
0x89: {  	_ =	swait.ge [sflag:s12], $0x2000  }
0x8a: {  	[sflag:s12] =	ssyncset.done $0x0  }
0x8b: {  	s29 =	simm.s32 $0x0;
	[sflag:s12] =	ssyncadd.s32 $0xFFFFE000  }
0x8c: {  	v0 =	vld [tilespmem:s29+$0xA0F0]  }
0x8d: {  	v1 =	vld [tilespmem:s29+$0xA000]  }
0x8e: {  	v2 =	vld [tilespmem:s29+$0xA010]  }
0x8f: {  	v3 =	vld [tilespmem:s29+$0xA020]  }
0x90: {  	v4 =	vld [tilespmem:s29+$0xA030]  }
0x91: {  	v5 =	vld [tilespmem:s29+$0xA040]  }
0x92: {  	v6 =	vld [tilespmem:s29+$0xA050]  }
0x93: {  	v7 =	vld [tilespmem:s29+$0xA060]  }
0x94: {  	v8 =	vld [tilespmem:s29+$0xA070]  }
0x95: {  	v9 =	vld [tilespmem:s29+$0xA080]  }
0x96: {  	v10 =	vld [tilespmem:s29+$0xA090]  }
0x97: {  	v11 =	vld [tilespmem:s29+$0xA0A0]  }
0x98: {  	v12 =	vld [tilespmem:s29+$0xA0B0]  }
0x99: {  	v13 =	vld [tilespmem:s29+$0xA0C0]  }
0x9a: {  	v14 =	vld [tilespmem:s29+$0xA0D0]  }
0x9b: {  	[tilespmem:s29+$0x20F0] =	vst.add.f32.msk $0xffff, v0  }
0x9c: {  	v0 =	vld [tilespmem:s29+$0xA0E0]  }
0x9d: {  	[tilespmem:s29+$0x2000] =	vst.add.f32.msk $0xffff, v1  }
0x9e: {  	[tilespmem:s29+$0x2010] =	vst.add.f32.msk $0xffff, v2  }
0x9f: {  	[tilespmem:s29+$0x2020] =	vst.add.f32.msk $0xffff, v3  }
0xa0: {  	[tilespmem:s29+$0x2030] =	vst.add.f32.msk $0xffff, v4  }
0xa1: {  	[tilespmem:s29+$0x2040] =	vst.add.f32.msk $0xffff, v5  }
0xa2: {  	[tilespmem:s29+$0x2050] =	vst.add.f32.msk $0xffff, v6  }
0xa3: {  	[tilespmem:s29+$0x2060] =	vst.add.f32.msk $0xffff, v7  }
0xa4: {  	[tilespmem:s29+$0x2070] =	vst.add.f32.msk $0xffff, v8  }
0xa5: {  	[tilespmem:s29+$0x2080] =	vst.add.f32.msk $0xffff, v9  }
0xa6: {  	[tilespmem:s29+$0x2090] =	vst.add.f32.msk $0xffff, v10  }
0xa7: {  	[tilespmem:s29+$0x20A0] =	vst.add.f32.msk $0xffff, v11  }
0xa8: {  	[tilespmem:s29+$0x20B0] =	vst.add.f32.msk $0xffff, v12  }
0xa9: {  	[tilespmem:s29+$0x20C0] =	vst.add.f32.msk $0xffff, v13  }
0xaa: {  	s30 =	simm.s32 $0x0;
	s14 =	simm.s32 $0x400;
	[tilespmem:s29+$0x20D0] =	vst.add.f32.msk $0xffff, v14  }
.LBB2_5:
0xab: {  	s30 =	sadd.s32 $0x10, s30;
	[tilespmem:s29+$0x20E0] =	vst.add.f32.msk $0xffff, v0;
	s29 =	sshra.s32 s14, $0x2  }
0xac: {  	v0 =	vld [tilespmem:s29+$0xA0F0];
	p0 =	slt.u32 s30, $0x1F0  }
0xad: {  	v1 =	vld [tilespmem:s29+$0xA000]  }
0xae: {  	v2 =	vld [tilespmem:s29+$0xA010]  }
0xaf: {  	v3 =	vld [tilespmem:s29+$0xA020]  }
0xb0: {  	v4 =	vld [tilespmem:s29+$0xA030]  }
0xb1: {  	[tilespmem:s29+$0x20F0] =	vst.add.f32.msk $0xffff, v0  }
0xb2: {  	v5 =	vld [tilespmem:s29+$0xA040]  }
0xb3: {  	v6 =	vld [tilespmem:s29+$0xA050]  }
0xb4: {  	v7 =	vld [tilespmem:s29+$0xA060]  }
0xb5: {  	v8 =	vld [tilespmem:s29+$0xA070]  }
0xb6: {  	v9 =	vld [tilespmem:s29+$0xA080]  }
0xb7: {  	v10 =	vld [tilespmem:s29+$0xA090]  }
0xb8: {  	v11 =	vld [tilespmem:s29+$0xA0A0]  }
0xb9: {  	v12 =	vld [tilespmem:s29+$0xA0B0]  }
0xba: {  	v13 =	vld [tilespmem:s29+$0xA0C0]  }
0xbb: {  	v14 =	vld [tilespmem:s29+$0xA0D0]  }
0xbc: {  	v0 =	vld [tilespmem:s29+$0xA0E0]  }
0xbd: {  	[tilespmem:s29+$0x2000] =	vst.add.f32.msk $0xffff, v1  }
0xbe: {  	[tilespmem:s29+$0x2010] =	vst.add.f32.msk $0xffff, v2  }
0xbf: {  	[tilespmem:s29+$0x2020] =	vst.add.f32.msk $0xffff, v3  }
0xc0: {  	[tilespmem:s29+$0x2030] =	vst.add.f32.msk $0xffff, v4  }
0xc1: {  	[tilespmem:s29+$0x2040] =	vst.add.f32.msk $0xffff, v5  }
0xc2: {  	[tilespmem:s29+$0x2050] =	vst.add.f32.msk $0xffff, v6  }
0xc3: {  	[tilespmem:s29+$0x2060] =	vst.add.f32.msk $0xffff, v7  }
0xc4: {  	[tilespmem:s29+$0x2070] =	vst.add.f32.msk $0xffff, v8  }
0xc5: {  	[tilespmem:s29+$0x2080] =	vst.add.f32.msk $0xffff, v9  }
.Ltmp1:
0xc6: {  	[tilespmem:s29+$0x2090] =	vst.add.f32.msk $0xffff, v10;
	(pc) =	sbr.rel @p0 .LBB2_5-.Ltmp1, $4  }
0xc7: {  	[tilespmem:s29+$0x20A0] =	vst.add.f32.msk $0xffff, v11  }
0xc8: {  	[tilespmem:s29+$0x20B0] =	vst.add.f32.msk $0xffff, v12  }
0xc9: {  	[tilespmem:s29+$0x20C0] =	vst.add.f32.msk $0xffff, v13  }
0xca: {  	s14 =	sadd.s32 $0x400, s14;
	[tilespmem:s29+$0x20D0] =	vst.add.f32.msk $0xffff, v14  }
0xcb: {  	s14 =	sadd.s32 s28, s4;
	s15 =	sadd.s32 $0x5, s21  }
0xcc: {  	[tilespmem:s29+$0x20E0] =	vst.add.f32.msk $0xffff, v0;
	s29 =	simm.s32 $0x0;
	s14 =	sadd.s32 $0x400, s14;
	s28 =	sshrl.u32 s15, $0x3  }
0xcd: {  	[hbm4b:s14+s29] =	stream.linear.scatter [tilespmem:s23], [sflag:$0xA], $0x2000, $0x38;
	[tilespmem:$0x10000] =	vst v63  }
0xce: {  	s28 =	sadd.s32 s9, s28  }
0xcf: {  	s14 =	sshll.u32 s15, $0x1;
	s30 =	sshll.u32 s28, $0xD;
	s28 =	sshll.u32 s15, $0xD  }
0xd0: {  	s14 =	sand.u32 $0x70, s14;
	s30 =	sand.u32 $0xFFF0000, s30;
	s15 =	sand.u32 $0xA000, s28  }
0xd1: {  	s14 =	sadd.s32 s3, s14;
	s15 =	sor.u32 s30, s15  }
0xd2: {  	s30 =	simm.s32 $0xA000;
	s14 =	sadd.s32 s15, s14  }
0xd3: {  	[tilespmem:s30], [sflag:$0x6] =	stream.strided.gather [hbm4b:s14+s24], $0x2000, s25, s24, $0x38;
	[tilespmem:$0x10000] =	vst v63  }
0xd4: {  	s30 =	sadd.s32 s6, s26;
	_ =	swait.ge [sflag:s13], $0x2000  }
0xd5: {  	s14 =	sshrl.u32 s30, $0x3;
	[sflag:s13] =	ssyncset.done $0x0  }
0xd6: {  	s14 =	sadd.s32 s1, s14;
	[sflag:s13] =	ssyncadd.s32 $0xFFFFE000  }
0xd7: {  	[tilespmem:s29], [sflag:$0x1] =	stream.linear.gather [hbm4b:s14+s29], $0x2000, $0x38;
	[tilespmem:$0x10000] =	vst v63  }
0xd8: {  	_ =	swait.ge [sflag:s16], $0x2000  }
0xd9: {  	[sflag:s16] =	ssyncset.done $0x0  }
0xda: {  	[sflag:s16] =	ssyncadd.s32 $0xFFFFE000  }
0xdb: {  	_ =	swait.ge [sflag:s17], $0x2000  }
0xdc: {  	[sflag:s17] =	ssyncset.done $0x0  }
0xdd: {  	s26 =	simm.s32 $0x0;
	[sflag:s17] =	ssyncadd.s32 $0xFFFFE000  }
0xde: {  	v0 =	vld [tilespmem:s26+$0xC0F0]  }
0xdf: {  	v1 =	vld [tilespmem:s26+$0xC000]  }
0xe0: {  	v2 =	vld [tilespmem:s26+$0xC010]  }
0xe1: {  	v3 =	vld [tilespmem:s26+$0xC020]  }
0xe2: {  	v4 =	vld [tilespmem:s26+$0xC030]  }
0xe3: {  	v5 =	vld [tilespmem:s26+$0xC040]  }
0xe4: {  	v6 =	vld [tilespmem:s26+$0xC050]  }
0xe5: {  	v7 =	vld [tilespmem:s26+$0xC060]  }
0xe6: {  	v8 =	vld [tilespmem:s26+$0xC070]  }
0xe7: {  	v9 =	vld [tilespmem:s26+$0xC080]  }
0xe8: {  	v10 =	vld [tilespmem:s26+$0xC090]  }
0xe9: {  	v11 =	vld [tilespmem:s26+$0xC0A0]  }
0xea: {  	v12 =	vld [tilespmem:s26+$0xC0B0]  }
0xeb: {  	v13 =	vld [tilespmem:s26+$0xC0C0]  }
0xec: {  	v14 =	vld [tilespmem:s26+$0xC0D0]  }
0xed: {  	[tilespmem:s26+$0x40F0] =	vst.add.f32.msk $0xffff, v0  }
0xee: {  	v0 =	vld [tilespmem:s26+$0xC0E0]  }
0xef: {  	[tilespmem:s26+$0x4000] =	vst.add.f32.msk $0xffff, v1  }
0xf0: {  	[tilespmem:s26+$0x4010] =	vst.add.f32.msk $0xffff, v2  }
0xf1: {  	[tilespmem:s26+$0x4020] =	vst.add.f32.msk $0xffff, v3  }
0xf2: {  	[tilespmem:s26+$0x4030] =	vst.add.f32.msk $0xffff, v4  }
0xf3: {  	[tilespmem:s26+$0x4040] =	vst.add.f32.msk $0xffff, v5  }
0xf4: {  	[tilespmem:s26+$0x4050] =	vst.add.f32.msk $0xffff, v6  }
0xf5: {  	[tilespmem:s26+$0x4060] =	vst.add.f32.msk $0xffff, v7  }
0xf6: {  	[tilespmem:s26+$0x4070] =	vst.add.f32.msk $0xffff, v8  }
0xf7: {  	[tilespmem:s26+$0x4080] =	vst.add.f32.msk $0xffff, v9  }
0xf8: {  	[tilespmem:s26+$0x4090] =	vst.add.f32.msk $0xffff, v10  }
0xf9: {  	[tilespmem:s26+$0x40A0] =	vst.add.f32.msk $0xffff, v11  }
0xfa: {  	[tilespmem:s26+$0x40B0] =	vst.add.f32.msk $0xffff, v12  }
0xfb: {  	[tilespmem:s26+$0x40C0] =	vst.add.f32.msk $0xffff, v13  }
0xfc: {  	s29 =	simm.s32 $0x0;
	s14 =	simm.s32 $0x400;
	[tilespmem:s26+$0x40D0] =	vst.add.f32.msk $0xffff, v14  }
.LBB2_7:
0xfd: {  	s29 =	sadd.s32 $0x10, s29;
	[tilespmem:s26+$0x40E0] =	vst.add.f32.msk $0xffff, v0;
	s26 =	sshra.s32 s14, $0x2  }
0xfe: {  	v0 =	vld [tilespmem:s26+$0xC0F0];
	p0 =	slt.u32 s29, $0x1F0  }
0xff: {  	v1 =	vld [tilespmem:s26+$0xC000]  }
0x100: {  	v2 =	vld [tilespmem:s26+$0xC010]  }
0x101: {  	v3 =	vld [tilespmem:s26+$0xC020]  }
0x102: {  	v4 =	vld [tilespmem:s26+$0xC030]  }
0x103: {  	[tilespmem:s26+$0x40F0] =	vst.add.f32.msk $0xffff, v0  }
0x104: {  	v5 =	vld [tilespmem:s26+$0xC040]  }
0x105: {  	v6 =	vld [tilespmem:s26+$0xC050]  }
0x106: {  	v7 =	vld [tilespmem:s26+$0xC060]  }
0x107: {  	v8 =	vld [tilespmem:s26+$0xC070]  }
0x108: {  	v9 =	vld [tilespmem:s26+$0xC080]  }
0x109: {  	v10 =	vld [tilespmem:s26+$0xC090]  }
0x10a: {  	v11 =	vld [tilespmem:s26+$0xC0A0]  }
0x10b: {  	v12 =	vld [tilespmem:s26+$0xC0B0]  }
0x10c: {  	v13 =	vld [tilespmem:s26+$0xC0C0]  }
0x10d: {  	v14 =	vld [tilespmem:s26+$0xC0D0]  }
0x10e: {  	v0 =	vld [tilespmem:s26+$0xC0E0]  }
0x10f: {  	[tilespmem:s26+$0x4000] =	vst.add.f32.msk $0xffff, v1  }
0x110: {  	[tilespmem:s26+$0x4010] =	vst.add.f32.msk $0xffff, v2  }
0x111: {  	[tilespmem:s26+$0x4020] =	vst.add.f32.msk $0xffff, v3  }
0x112: {  	[tilespmem:s26+$0x4030] =	vst.add.f32.msk $0xffff, v4  }
0x113: {  	[tilespmem:s26+$0x4040] =	vst.add.f32.msk $0xffff, v5  }
0x114: {  	[tilespmem:s26+$0x4050] =	vst.add.f32.msk $0xffff, v6  }
0x115: {  	[tilespmem:s26+$0x4060] =	vst.add.f32.msk $0xffff, v7  }
0x116: {  	[tilespmem:s26+$0x4070] =	vst.add.f32.msk $0xffff, v8  }
0x117: {  	[tilespmem:s26+$0x4080] =	vst.add.f32.msk $0xffff, v9  }
.Ltmp2:
0x118: {  	[tilespmem:s26+$0x4090] =	vst.add.f32.msk $0xffff, v10;
	(pc) =	sbr.rel @p0 .LBB2_7-.Ltmp2, $4  }
0x119: {  	[tilespmem:s26+$0x40A0] =	vst.add.f32.msk $0xffff, v11  }
0x11a: {  	[tilespmem:s26+$0x40B0] =	vst.add.f32.msk $0xffff, v12  }
0x11b: {  	[tilespmem:s26+$0x40C0] =	vst.add.f32.msk $0xffff, v13  }
0x11c: {  	s14 =	sadd.s32 $0x400, s14;
	[tilespmem:s26+$0x40D0] =	vst.add.f32.msk $0xffff, v14  }
0x11d: {  	[tilespmem:s26+$0x40E0] =	vst.add.f32.msk $0xffff, v0;
	s14 =	sadd.s32 s4, s22;
	s15 =	simm.s32 $0x0;
	s26 =	sadd.s32 $0x6, s21  }
0x11e: {  	[hbm4b:s14+s15] =	stream.linear.scatter [tilespmem:s31], [sflag:$0xB], $0x2000, $0x38;
	[tilespmem:$0x10000] =	vst v63  }
0x11f: {  	s29 =	sshrl.u32 s26, $0x3  }
0x120: {  	s22 =	sadd.s32 s9, s29  }
0x121: {  	s30 =	sshll.u32 s26, $0xD;
	s14 =	sshll.u32 s26, $0x1;
	s22 =	sshll.u32 s22, $0xD  }
0x122: {  	s26 =	sand.u32 $0xC000, s30;
	s14 =	sand.u32 $0x70, s14;
	s22 =	sand.u32 $0xFFF0000, s22  }
0x123: {  	s14 =	sadd.s32 s3, s14;
	s22 =	sor.u32 s22, s26  }
0x124: {  	s29 =	simm.s32 $0xC000;
	s14 =	sadd.s32 s22, s14  }
0x125: {  	[tilespmem:s29], [sflag:$0x7] =	stream.strided.gather [hbm4b:s14+s24], $0x2000, s25, s24, $0x38;
	[tilespmem:$0x10000] =	vst v63  }
0x126: {  	s30 =	sadd.s32 s6, s28;
	_ =	swait.ge [sflag:s18], $0x2000  }
0x127: {  	s14 =	sshrl.u32 s30, $0x3;
	[sflag:s18] =	ssyncset.done $0x0  }
0x128: {  	s14 =	sadd.s32 s1, s14;
	[sflag:s18] =	ssyncadd.s32 $0xFFFFE000  }
0x129: {  	[tilespmem:s23], [sflag:$0x2] =	stream.linear.gather [hbm4b:s14+s15], $0x2000, $0x38;
	[tilespmem:$0x10000] =	vst v63  }
0x12a: {  	_ =	swait.ge [sflag:s19], $0x2000  }
0x12b: {  	[sflag:s19] =	ssyncset.done $0x0  }
0x12c: {  	[sflag:s19] =	ssyncadd.s32 $0xFFFFE000  }
0x12d: {  	_ =	swait.ge [sflag:s20], $0x2000  }
0x12e: {  	[sflag:s20] =	ssyncset.done $0x0  }
0x12f: {  	s22 =	simm.s32 $0x0;
	[sflag:s20] =	ssyncadd.s32 $0xFFFFE000  }
0x130: {  	v0 =	vld [tilespmem:s22+$0xE0F0]  }
0x131: {  	v1 =	vld [tilespmem:s22+$0xE000]  }
0x132: {  	v2 =	vld [tilespmem:s22+$0xE010]  }
0x133: {  	v3 =	vld [tilespmem:s22+$0xE020]  }
0x134: {  	v4 =	vld [tilespmem:s22+$0xE030]  }
0x135: {  	v5 =	vld [tilespmem:s22+$0xE040]  }
0x136: {  	v6 =	vld [tilespmem:s22+$0xE050]  }
0x137: {  	v7 =	vld [tilespmem:s22+$0xE060]  }
0x138: {  	v8 =	vld [tilespmem:s22+$0xE070]  }
0x139: {  	v9 =	vld [tilespmem:s22+$0xE080]  }
0x13a: {  	v10 =	vld [tilespmem:s22+$0xE090]  }
0x13b: {  	v11 =	vld [tilespmem:s22+$0xE0A0]  }
0x13c: {  	v12 =	vld [tilespmem:s22+$0xE0B0]  }
0x13d: {  	v13 =	vld [tilespmem:s22+$0xE0C0]  }
0x13e: {  	v14 =	vld [tilespmem:s22+$0xE0D0]  }
0x13f: {  	[tilespmem:s22+$0x60F0] =	vst.add.f32.msk $0xffff, v0  }
0x140: {  	v0 =	vld [tilespmem:s22+$0xE0E0]  }
0x141: {  	[tilespmem:s22+$0x6000] =	vst.add.f32.msk $0xffff, v1  }
0x142: {  	[tilespmem:s22+$0x6010] =	vst.add.f32.msk $0xffff, v2  }
0x143: {  	[tilespmem:s22+$0x6020] =	vst.add.f32.msk $0xffff, v3  }
0x144: {  	[tilespmem:s22+$0x6030] =	vst.add.f32.msk $0xffff, v4  }
0x145: {  	[tilespmem:s22+$0x6040] =	vst.add.f32.msk $0xffff, v5  }
0x146: {  	[tilespmem:s22+$0x6050] =	vst.add.f32.msk $0xffff, v6  }
0x147: {  	[tilespmem:s22+$0x6060] =	vst.add.f32.msk $0xffff, v7  }
0x148: {  	[tilespmem:s22+$0x6070] =	vst.add.f32.msk $0xffff, v8  }
0x149: {  	[tilespmem:s22+$0x6080] =	vst.add.f32.msk $0xffff, v9  }
0x14a: {  	[tilespmem:s22+$0x6090] =	vst.add.f32.msk $0xffff, v10  }
0x14b: {  	[tilespmem:s22+$0x60A0] =	vst.add.f32.msk $0xffff, v11  }
0x14c: {  	[tilespmem:s22+$0x60B0] =	vst.add.f32.msk $0xffff, v12  }
0x14d: {  	[tilespmem:s22+$0x60C0] =	vst.add.f32.msk $0xffff, v13  }
0x14e: {  	s26 =	simm.s32 $0x0;
	s14 =	simm.s32 $0x400;
	[tilespmem:s22+$0x60D0] =	vst.add.f32.msk $0xffff, v14  }
.LBB2_9:
0x14f: {  	s26 =	sadd.s32 $0x10, s26;
	[tilespmem:s22+$0x60E0] =	vst.add.f32.msk $0xffff, v0;
	s22 =	sshra.s32 s14, $0x2  }
0x150: {  	v0 =	vld [tilespmem:s22+$0xE0F0];
	p0 =	slt.u32 s26, $0x1F0  }
0x151: {  	v1 =	vld [tilespmem:s22+$0xE000]  }
0x152: {  	v2 =	vld [tilespmem:s22+$0xE010]  }
0x153: {  	v3 =	vld [tilespmem:s22+$0xE020]  }
0x154: {  	v4 =	vld [tilespmem:s22+$0xE030]  }
0x155: {  	[tilespmem:s22+$0x60F0] =	vst.add.f32.msk $0xffff, v0  }
0x156: {  	v5 =	vld [tilespmem:s22+$0xE040]  }
0x157: {  	v6 =	vld [tilespmem:s22+$0xE050]  }
0x158: {  	v7 =	vld [tilespmem:s22+$0xE060]  }
0x159: {  	v8 =	vld [tilespmem:s22+$0xE070]  }
0x15a: {  	v9 =	vld [tilespmem:s22+$0xE080]  }
0x15b: {  	v10 =	vld [tilespmem:s22+$0xE090]  }
0x15c: {  	v11 =	vld [tilespmem:s22+$0xE0A0]  }
0x15d: {  	v12 =	vld [tilespmem:s22+$0xE0B0]  }
0x15e: {  	v13 =	vld [tilespmem:s22+$0xE0C0]  }
0x15f: {  	v14 =	vld [tilespmem:s22+$0xE0D0]  }
0x160: {  	v0 =	vld [tilespmem:s22+$0xE0E0]  }
0x161: {  	[tilespmem:s22+$0x6000] =	vst.add.f32.msk $0xffff, v1  }
0x162: {  	[tilespmem:s22+$0x6010] =	vst.add.f32.msk $0xffff, v2  }
0x163: {  	[tilespmem:s22+$0x6020] =	vst.add.f32.msk $0xffff, v3  }
0x164: {  	[tilespmem:s22+$0x6030] =	vst.add.f32.msk $0xffff, v4  }
0x165: {  	[tilespmem:s22+$0x6040] =	vst.add.f32.msk $0xffff, v5  }
0x166: {  	[tilespmem:s22+$0x6050] =	vst.add.f32.msk $0xffff, v6  }
0x167: {  	[tilespmem:s22+$0x6060] =	vst.add.f32.msk $0xffff, v7  }
0x168: {  	[tilespmem:s22+$0x6070] =	vst.add.f32.msk $0xffff, v8  }
0x169: {  	[tilespmem:s22+$0x6080] =	vst.add.f32.msk $0xffff, v9  }
.Ltmp3:
0x16a: {  	[tilespmem:s22+$0x6090] =	vst.add.f32.msk $0xffff, v10;
	(pc) =	sbr.rel @p0 .LBB2_9-.Ltmp3, $4  }
0x16b: {  	[tilespmem:s22+$0x60A0] =	vst.add.f32.msk $0xffff, v11  }
0x16c: {  	[tilespmem:s22+$0x60B0] =	vst.add.f32.msk $0xffff, v12  }
0x16d: {  	[tilespmem:s22+$0x60C0] =	vst.add.f32.msk $0xffff, v13  }
0x16e: {  	s14 =	sadd.s32 $0x400, s14;
	[tilespmem:s22+$0x60D0] =	vst.add.f32.msk $0xffff, v14  }
0x16f: {  	[tilespmem:s22+$0x60E0] =	vst.add.f32.msk $0xffff, v0;
	s7 =	sadd.s32 s4, s7;
	s29 =	sadd.s32 $0x7, s21  }
0x170: {  	[hbm4b:s7+s5] =	stream.linear.scatter [tilespmem:s10], [sflag:$0xC], $0x2000, $0x38;
	[tilespmem:$0x10000] =	vst v63  }
0x171: {  	s8 =	sadd.s32 $0x1, s8;
	s14 =	sshrl.u32 s29, $0x3  }
0x172: {  	s15 =	sshll.u32 s29, $0xD;
	p0 =	sne.s32 s8, $0x3F;
	s14 =	sadd.s32 s9, s14  }
.Ltmp4:
0x173: {  	s7 =	sshll.u32 s29, $0x1;
	s14 =	sshll.u32 s14, $0xD;
	(pc) =	sbr.rel @p0 .LBB2_2-.Ltmp4, $4  }
0x174: {  	s15 =	sand.u32 $0xE000, s15;
	s7 =	sand.u32 $0x70, s7;
	s14 =	sand.u32 $0xFFF0000, s14  }
0x175: {  	s7 =	sadd.s32 s3, s7;
	s14 =	sor.u32 s14, s15  }
0x176: {  	s30 =	simm.s32 $0xE000;
	s7 =	sadd.s32 s14, s7  }
0x177: {  	[tilespmem:s30], [sflag:$0x8] =	stream.strided.gather [hbm4b:s7+s24], $0x2000, s25, s24, $0x38;
	[tilespmem:$0x10000] =	vst v63  }
0x178: {  	_ =	swait.ge [sflag:s0], $0x2000  }
0x179: {  	[sflag:s0] =	ssyncset.done $0x0  }
0x17a: {  	[sflag:s0] =	ssyncadd.s32 $0xFFFFE000  }
0x17b: {  	_ =	swait.ge [sflag:s2], $0x2000  }
0x17c: {  	[sflag:s2] =	ssyncset.done $0x0  }
0x17d: {  	s7 =	simm.s32 $0x0;
	[sflag:s2] =	ssyncadd.s32 $0xFFFFE000  }
0x17e: {  	v0 =	vld [tilespmem:s7+$0x80F0]  }
0x17f: {  	v1 =	vld [tilespmem:s7+$0x8000]  }
0x180: {  	v2 =	vld [tilespmem:s7+$0x8010]  }
0x181: {  	v3 =	vld [tilespmem:s7+$0x8020]  }
0x182: {  	v4 =	vld [tilespmem:s7+$0x8030]  }
0x183: {  	v5 =	vld [tilespmem:s7+$0x8040]  }
0x184: {  	v6 =	vld [tilespmem:s7+$0x8050]  }
0x185: {  	v7 =	vld [tilespmem:s7+$0x8060]  }
0x186: {  	v8 =	vld [tilespmem:s7+$0x8070]  }
0x187: {  	v9 =	vld [tilespmem:s7+$0x8080]  }
0x188: {  	v10 =	vld [tilespmem:s7+$0x8090]  }
0x189: {  	v11 =	vld [tilespmem:s7+$0x80A0]  }
0x18a: {  	v12 =	vld [tilespmem:s7+$0x80B0]  }
0x18b: {  	v13 =	vld [tilespmem:s7+$0x80C0]  }
0x18c: {  	v14 =	vld [tilespmem:s7+$0x80D0]  }
0x18d: {  	[tilespmem:s7+$0xF0] =	vst.add.f32.msk $0xffff, v0  }
0x18e: {  	v0 =	vld [tilespmem:s7+$0x80E0]  }
0x18f: {  	[tilespmem:s7+$0x0] =	vst.add.f32.msk $0xffff, v1  }
0x190: {  	[tilespmem:s7+$0x10] =	vst.add.f32.msk $0xffff, v2  }
0x191: {  	[tilespmem:s7+$0x20] =	vst.add.f32.msk $0xffff, v3  }
0x192: {  	[tilespmem:s7+$0x30] =	vst.add.f32.msk $0xffff, v4  }
0x193: {  	[tilespmem:s7+$0x40] =	vst.add.f32.msk $0xffff, v5  }
0x194: {  	[tilespmem:s7+$0x50] =	vst.add.f32.msk $0xffff, v6  }
0x195: {  	[tilespmem:s7+$0x60] =	vst.add.f32.msk $0xffff, v7  }
0x196: {  	[tilespmem:s7+$0x70] =	vst.add.f32.msk $0xffff, v8  }
0x197: {  	[tilespmem:s7+$0x80] =	vst.add.f32.msk $0xffff, v9  }
0x198: {  	[tilespmem:s7+$0x90] =	vst.add.f32.msk $0xffff, v10  }
0x199: {  	[tilespmem:s7+$0xA0] =	vst.add.f32.msk $0xffff, v11  }
0x19a: {  	[tilespmem:s7+$0xB0] =	vst.add.f32.msk $0xffff, v12  }
0x19b: {  	[tilespmem:s7+$0xC0] =	vst.add.f32.msk $0xffff, v13  }
0x19c: {  	s8 =	simm.s32 $0x0;
	s14 =	simm.s32 $0x400;
	[tilespmem:s7+$0xD0] =	vst.add.f32.msk $0xffff, v14  }
.LBB2_12:
0x19d: {  	s8 =	sadd.s32 $0x10, s8;
	[tilespmem:s7+$0xE0] =	vst.add.f32.msk $0xffff, v0;
	s7 =	sshra.s32 s14, $0x2  }
0x19e: {  	v0 =	vld [tilespmem:s7+$0x80F0];
	p0 =	slt.u32 s8, $0x1F0  }
0x19f: {  	v1 =	vld [tilespmem:s7+$0x8000]  }
0x1a0: {  	v2 =	vld [tilespmem:s7+$0x8010]  }
0x1a1: {  	v3 =	vld [tilespmem:s7+$0x8020]  }
0x1a2: {  	v4 =	vld [tilespmem:s7+$0x8030]  }
0x1a3: {  	[tilespmem:s7+$0xF0] =	vst.add.f32.msk $0xffff, v0  }
0x1a4: {  	v5 =	vld [tilespmem:s7+$0x8040]  }
0x1a5: {  	v6 =	vld [tilespmem:s7+$0x8050]  }
0x1a6: {  	v7 =	vld [tilespmem:s7+$0x8060]  }
0x1a7: {  	v8 =	vld [tilespmem:s7+$0x8070]  }
0x1a8: {  	v9 =	vld [tilespmem:s7+$0x8080]  }
0x1a9: {  	v10 =	vld [tilespmem:s7+$0x8090]  }
0x1aa: {  	v11 =	vld [tilespmem:s7+$0x80A0]  }
0x1ab: {  	v12 =	vld [tilespmem:s7+$0x80B0]  }
0x1ac: {  	v13 =	vld [tilespmem:s7+$0x80C0]  }
0x1ad: {  	v14 =	vld [tilespmem:s7+$0x80D0]  }
0x1ae: {  	v0 =	vld [tilespmem:s7+$0x80E0]  }
0x1af: {  	[tilespmem:s7+$0x0] =	vst.add.f32.msk $0xffff, v1  }
0x1b0: {  	[tilespmem:s7+$0x10] =	vst.add.f32.msk $0xffff, v2  }
0x1b1: {  	[tilespmem:s7+$0x20] =	vst.add.f32.msk $0xffff, v3  }
0x1b2: {  	[tilespmem:s7+$0x30] =	vst.add.f32.msk $0xffff, v4  }
0x1b3: {  	[tilespmem:s7+$0x40] =	vst.add.f32.msk $0xffff, v5  }
0x1b4: {  	[tilespmem:s7+$0x50] =	vst.add.f32.msk $0xffff, v6  }
0x1b5: {  	[tilespmem:s7+$0x60] =	vst.add.f32.msk $0xffff, v7  }
0x1b6: {  	[tilespmem:s7+$0x70] =	vst.add.f32.msk $0xffff, v8  }
0x1b7: {  	[tilespmem:s7+$0x80] =	vst.add.f32.msk $0xffff, v9  }
.Ltmp5:
0x1b8: {  	[tilespmem:s7+$0x90] =	vst.add.f32.msk $0xffff, v10;
	(pc) =	sbr.rel @p0 .LBB2_12-.Ltmp5, $4  }
0x1b9: {  	[tilespmem:s7+$0xA0] =	vst.add.f32.msk $0xffff, v11  }
0x1ba: {  	[tilespmem:s7+$0xB0] =	vst.add.f32.msk $0xffff, v12  }
0x1bb: {  	[tilespmem:s7+$0xC0] =	vst.add.f32.msk $0xffff, v13  }
0x1bc: {  	s14 =	sadd.s32 $0x400, s14;
	[tilespmem:s7+$0xD0] =	vst.add.f32.msk $0xffff, v14  }
0x1bd: {  	[tilespmem:s7+$0xE0] =	vst.add.f32.msk $0xffff, v0;
	s29 =	simm.s32 $0x0;
	s8 =	rddreg [dreg:$0xc];
	s15 =	simm.s32 $0xB  }
0x1be: {  	[hbm4b:s8+s29] =	stream.linear.scatter [tilespmem:s29], [sflag:$0x9], $0x2000, $0x38;
	[tilespmem:$0x10000] =	vst v63  }
0x1bf: {  	_ =	swait.ge [sflag:s15], $0x2000  }
0x1c0: {  	[sflag:s15] =	ssyncset.done $0x0  }
0x1c1: {  	s30 =	rddreg [dreg:$0xd];
	[sflag:s15] =	ssyncadd.s32 $0xFFFFE000  }
0x1c2: {  	[tilespmem:s31], [sflag:$0x3] =	stream.linear.gather [hbm4b:s30+s29], $0x2000, $0x38;
	[tilespmem:$0x10000] =	vst v63  }
0x1c3: {  	_ =	swait.ge [sflag:s11], $0x2000  }
0x1c4: {  	[sflag:s11] =	ssyncset.done $0x0  }
0x1c5: {  	[sflag:s11] =	ssyncadd.s32 $0xFFFFE000  }
0x1c6: {  	_ =	swait.ge [sflag:s12], $0x2000  }
0x1c7: {  	[sflag:s12] =	ssyncset.done $0x0  }
0x1c8: {  	s7 =	simm.s32 $0x0;
	[sflag:s12] =	ssyncadd.s32 $0xFFFFE000  }
0x1c9: {  	v0 =	vld [tilespmem:s7+$0xA0F0]  }
0x1ca: {  	v1 =	vld [tilespmem:s7+$0xA000]  }
0x1cb: {  	v2 =	vld [tilespmem:s7+$0xA010]  }
0x1cc: {  	v3 =	vld [tilespmem:s7+$0xA020]  }
0x1cd: {  	v4 =	vld [tilespmem:s7+$0xA030]  }
0x1ce: {  	v5 =	vld [tilespmem:s7+$0xA040]  }
0x1cf: {  	v6 =	vld [tilespmem:s7+$0xA050]  }
0x1d0: {  	v7 =	vld [tilespmem:s7+$0xA060]  }
0x1d1: {  	v8 =	vld [tilespmem:s7+$0xA070]  }
0x1d2: {  	v9 =	vld [tilespmem:s7+$0xA080]  }
0x1d3: {  	v10 =	vld [tilespmem:s7+$0xA090]  }
0x1d4: {  	v11 =	vld [tilespmem:s7+$0xA0A0]  }
0x1d5: {  	v12 =	vld [tilespmem:s7+$0xA0B0]  }
0x1d6: {  	v13 =	vld [tilespmem:s7+$0xA0C0]  }
0x1d7: {  	v14 =	vld [tilespmem:s7+$0xA0D0]  }
0x1d8: {  	[tilespmem:s7+$0x20F0] =	vst.add.f32.msk $0xffff, v0  }
0x1d9: {  	v0 =	vld [tilespmem:s7+$0xA0E0]  }
0x1da: {  	[tilespmem:s7+$0x2000] =	vst.add.f32.msk $0xffff, v1  }
0x1db: {  	[tilespmem:s7+$0x2010] =	vst.add.f32.msk $0xffff, v2  }
0x1dc: {  	[tilespmem:s7+$0x2020] =	vst.add.f32.msk $0xffff, v3  }
0x1dd: {  	[tilespmem:s7+$0x2030] =	vst.add.f32.msk $0xffff, v4  }
0x1de: {  	[tilespmem:s7+$0x2040] =	vst.add.f32.msk $0xffff, v5  }
0x1df: {  	[tilespmem:s7+$0x2050] =	vst.add.f32.msk $0xffff, v6  }
0x1e0: {  	[tilespmem:s7+$0x2060] =	vst.add.f32.msk $0xffff, v7  }
0x1e1: {  	[tilespmem:s7+$0x2070] =	vst.add.f32.msk $0xffff, v8  }
0x1e2: {  	[tilespmem:s7+$0x2080] =	vst.add.f32.msk $0xffff, v9  }
0x1e3: {  	[tilespmem:s7+$0x2090] =	vst.add.f32.msk $0xffff, v10  }
0x1e4: {  	[tilespmem:s7+$0x20A0] =	vst.add.f32.msk $0xffff, v11  }
0x1e5: {  	[tilespmem:s7+$0x20B0] =	vst.add.f32.msk $0xffff, v12  }
0x1e6: {  	[tilespmem:s7+$0x20C0] =	vst.add.f32.msk $0xffff, v13  }
0x1e7: {  	s14 =	simm.s32 $0x400;
	s21 =	simm.s32 $0xC;
	s8 =	simm.s32 $0x0;
	[tilespmem:s7+$0x20D0] =	vst.add.f32.msk $0xffff, v14  }
.LBB2_14:
0x1e8: {  	s8 =	sadd.s32 $0x10, s8;
	[tilespmem:s7+$0x20E0] =	vst.add.f32.msk $0xffff, v0;
	s7 =	sshra.s32 s14, $0x2  }
0x1e9: {  	v0 =	vld [tilespmem:s7+$0xA0F0];
	p0 =	slt.u32 s8, $0x1F0  }
0x1ea: {  	v1 =	vld [tilespmem:s7+$0xA000]  }
0x1eb: {  	v2 =	vld [tilespmem:s7+$0xA010]  }
0x1ec: {  	v3 =	vld [tilespmem:s7+$0xA020]  }
0x1ed: {  	v4 =	vld [tilespmem:s7+$0xA030]  }
0x1ee: {  	[tilespmem:s7+$0x20F0] =	vst.add.f32.msk $0xffff, v0  }
0x1ef: {  	v5 =	vld [tilespmem:s7+$0xA040]  }
0x1f0: {  	v6 =	vld [tilespmem:s7+$0xA050]  }
0x1f1: {  	v7 =	vld [tilespmem:s7+$0xA060]  }
0x1f2: {  	v8 =	vld [tilespmem:s7+$0xA070]  }
0x1f3: {  	v9 =	vld [tilespmem:s7+$0xA080]  }
0x1f4: {  	v10 =	vld [tilespmem:s7+$0xA090]  }
0x1f5: {  	v11 =	vld [tilespmem:s7+$0xA0A0]  }
0x1f6: {  	v12 =	vld [tilespmem:s7+$0xA0B0]  }
0x1f7: {  	v13 =	vld [tilespmem:s7+$0xA0C0]  }
0x1f8: {  	v14 =	vld [tilespmem:s7+$0xA0D0]  }
0x1f9: {  	v0 =	vld [tilespmem:s7+$0xA0E0]  }
0x1fa: {  	[tilespmem:s7+$0x2000] =	vst.add.f32.msk $0xffff, v1  }
0x1fb: {  	[tilespmem:s7+$0x2010] =	vst.add.f32.msk $0xffff, v2  }
0x1fc: {  	[tilespmem:s7+$0x2020] =	vst.add.f32.msk $0xffff, v3  }
0x1fd: {  	[tilespmem:s7+$0x2030] =	vst.add.f32.msk $0xffff, v4  }
0x1fe: {  	[tilespmem:s7+$0x2040] =	vst.add.f32.msk $0xffff, v5  }
0x1ff: {  	[tilespmem:s7+$0x2050] =	vst.add.f32.msk $0xffff, v6  }
0x200: {  	[tilespmem:s7+$0x2060] =	vst.add.f32.msk $0xffff, v7  }
0x201: {  	[tilespmem:s7+$0x2070] =	vst.add.f32.msk $0xffff, v8  }
0x202: {  	[tilespmem:s7+$0x2080] =	vst.add.f32.msk $0xffff, v9  }
.Ltmp6:
0x203: {  	[tilespmem:s7+$0x2090] =	vst.add.f32.msk $0xffff, v10;
	(pc) =	sbr.rel @p0 .LBB2_14-.Ltmp6, $4  }
0x204: {  	[tilespmem:s7+$0x20A0] =	vst.add.f32.msk $0xffff, v11  }
0x205: {  	[tilespmem:s7+$0x20B0] =	vst.add.f32.msk $0xffff, v12  }
0x206: {  	[tilespmem:s7+$0x20C0] =	vst.add.f32.msk $0xffff, v13  }
0x207: {  	s14 =	sadd.s32 $0x400, s14;
	[tilespmem:s7+$0x20D0] =	vst.add.f32.msk $0xffff, v14  }
0x208: {  	[tilespmem:s7+$0x20E0] =	vst.add.f32.msk $0xffff, v0;
	s29 =	simm.s32 $0x0;
	s8 =	rddreg [dreg:$0xe]  }
0x209: {  	[hbm4b:s8+s29] =	stream.linear.scatter [tilespmem:s23], [sflag:$0xA], $0x2000, $0x38;
	[tilespmem:$0x10000] =	vst v63  }
0x20a: {  	_ =	swait.ge [sflag:s21], $0x2000  }
0x20b: {  	[sflag:s21] =	ssyncset.done $0x0  }
0x20c: {  	s30 =	rddreg [dreg:$0xf];
	[sflag:s21] =	ssyncadd.s32 $0xFFFFE000  }
0x20d: {  	[tilespmem:s10], [sflag:$0x4] =	stream.linear.gather [hbm4b:s30+s29], $0x2000, $0x38;
	[tilespmem:$0x10000] =	vst v63  }
0x20e: {  	_ =	swait.ge [sflag:s16], $0x2000  }
0x20f: {  	[sflag:s16] =	ssyncset.done $0x0  }
0x210: {  	[sflag:s16] =	ssyncadd.s32 $0xFFFFE000  }
0x211: {  	_ =	swait.ge [sflag:s17], $0x2000  }
0x212: {  	[sflag:s17] =	ssyncset.done $0x0  }
0x213: {  	s7 =	simm.s32 $0x0;
	[sflag:s17] =	ssyncadd.s32 $0xFFFFE000  }
0x214: {  	v0 =	vld [tilespmem:s7+$0xC0F0]  }
0x215: {  	v1 =	vld [tilespmem:s7+$0xC000]  }
0x216: {  	v2 =	vld [tilespmem:s7+$0xC010]  }
0x217: {  	v3 =	vld [tilespmem:s7+$0xC020]  }
0x218: {  	v4 =	vld [tilespmem:s7+$0xC030]  }
0x219: {  	v5 =	vld [tilespmem:s7+$0xC040]  }
0x21a: {  	v6 =	vld [tilespmem:s7+$0xC050]  }
0x21b: {  	v7 =	vld [tilespmem:s7+$0xC060]  }
0x21c: {  	v8 =	vld [tilespmem:s7+$0xC070]  }
0x21d: {  	v9 =	vld [tilespmem:s7+$0xC080]  }
0x21e: {  	v10 =	vld [tilespmem:s7+$0xC090]  }
0x21f: {  	v11 =	vld [tilespmem:s7+$0xC0A0]  }
0x220: {  	v12 =	vld [tilespmem:s7+$0xC0B0]  }
0x221: {  	v13 =	vld [tilespmem:s7+$0xC0C0]  }
0x222: {  	v14 =	vld [tilespmem:s7+$0xC0D0]  }
0x223: {  	[tilespmem:s7+$0x40F0] =	vst.add.f32.msk $0xffff, v0  }
0x224: {  	v0 =	vld [tilespmem:s7+$0xC0E0]  }
0x225: {  	[tilespmem:s7+$0x4000] =	vst.add.f32.msk $0xffff, v1  }
0x226: {  	[tilespmem:s7+$0x4010] =	vst.add.f32.msk $0xffff, v2  }
0x227: {  	[tilespmem:s7+$0x4020] =	vst.add.f32.msk $0xffff, v3  }
0x228: {  	[tilespmem:s7+$0x4030] =	vst.add.f32.msk $0xffff, v4  }
0x229: {  	[tilespmem:s7+$0x4040] =	vst.add.f32.msk $0xffff, v5  }
0x22a: {  	[tilespmem:s7+$0x4050] =	vst.add.f32.msk $0xffff, v6  }
0x22b: {  	[tilespmem:s7+$0x4060] =	vst.add.f32.msk $0xffff, v7  }
0x22c: {  	[tilespmem:s7+$0x4070] =	vst.add.f32.msk $0xffff, v8  }
0x22d: {  	[tilespmem:s7+$0x4080] =	vst.add.f32.msk $0xffff, v9  }
0x22e: {  	[tilespmem:s7+$0x4090] =	vst.add.f32.msk $0xffff, v10  }
0x22f: {  	[tilespmem:s7+$0x40A0] =	vst.add.f32.msk $0xffff, v11  }
0x230: {  	[tilespmem:s7+$0x40B0] =	vst.add.f32.msk $0xffff, v12  }
0x231: {  	[tilespmem:s7+$0x40C0] =	vst.add.f32.msk $0xffff, v13  }
0x232: {  	s14 =	simm.s32 $0x400;
	s8 =	simm.s32 $0x0;
	[tilespmem:s7+$0x40D0] =	vst.add.f32.msk $0xffff, v14  }
.LBB2_16:
0x233: {  	s8 =	sadd.s32 $0x10, s8;
	[tilespmem:s7+$0x40E0] =	vst.add.f32.msk $0xffff, v0;
	s7 =	sshra.s32 s14, $0x2  }
0x234: {  	v0 =	vld [tilespmem:s7+$0xC0F0];
	p0 =	slt.u32 s8, $0x1F0  }
0x235: {  	v1 =	vld [tilespmem:s7+$0xC000]  }
0x236: {  	v2 =	vld [tilespmem:s7+$0xC010]  }
0x237: {  	v3 =	vld [tilespmem:s7+$0xC020]  }
0x238: {  	v4 =	vld [tilespmem:s7+$0xC030]  }
0x239: {  	[tilespmem:s7+$0x40F0] =	vst.add.f32.msk $0xffff, v0  }
0x23a: {  	v5 =	vld [tilespmem:s7+$0xC040]  }
0x23b: {  	v6 =	vld [tilespmem:s7+$0xC050]  }
0x23c: {  	v7 =	vld [tilespmem:s7+$0xC060]  }
0x23d: {  	v8 =	vld [tilespmem:s7+$0xC070]  }
0x23e: {  	v9 =	vld [tilespmem:s7+$0xC080]  }
0x23f: {  	v10 =	vld [tilespmem:s7+$0xC090]  }
0x240: {  	v11 =	vld [tilespmem:s7+$0xC0A0]  }
0x241: {  	v12 =	vld [tilespmem:s7+$0xC0B0]  }
0x242: {  	v13 =	vld [tilespmem:s7+$0xC0C0]  }
0x243: {  	v14 =	vld [tilespmem:s7+$0xC0D0]  }
0x244: {  	v0 =	vld [tilespmem:s7+$0xC0E0]  }
0x245: {  	[tilespmem:s7+$0x4000] =	vst.add.f32.msk $0xffff, v1  }
0x246: {  	[tilespmem:s7+$0x4010] =	vst.add.f32.msk $0xffff, v2  }
0x247: {  	[tilespmem:s7+$0x4020] =	vst.add.f32.msk $0xffff, v3  }
0x248: {  	[tilespmem:s7+$0x4030] =	vst.add.f32.msk $0xffff, v4  }
0x249: {  	[tilespmem:s7+$0x4040] =	vst.add.f32.msk $0xffff, v5  }
0x24a: {  	[tilespmem:s7+$0x4050] =	vst.add.f32.msk $0xffff, v6  }
0x24b: {  	[tilespmem:s7+$0x4060] =	vst.add.f32.msk $0xffff, v7  }
0x24c: {  	[tilespmem:s7+$0x4070] =	vst.add.f32.msk $0xffff, v8  }
0x24d: {  	[tilespmem:s7+$0x4080] =	vst.add.f32.msk $0xffff, v9  }
.Ltmp7:
0x24e: {  	[tilespmem:s7+$0x4090] =	vst.add.f32.msk $0xffff, v10;
	(pc) =	sbr.rel @p0 .LBB2_16-.Ltmp7, $4  }
0x24f: {  	[tilespmem:s7+$0x40A0] =	vst.add.f32.msk $0xffff, v11  }
0x250: {  	[tilespmem:s7+$0x40B0] =	vst.add.f32.msk $0xffff, v12  }
0x251: {  	[tilespmem:s7+$0x40C0] =	vst.add.f32.msk $0xffff, v13  }
0x252: {  	s14 =	sadd.s32 $0x400, s14;
	[tilespmem:s7+$0x40D0] =	vst.add.f32.msk $0xffff, v14  }
0x253: {  	[tilespmem:s7+$0x40E0] =	vst.add.f32.msk $0xffff, v0;
	s30 =	simm.s32 $0x0;
	s8 =	rddreg [dreg:$0x10]  }
0x254: {  	[hbm4b:s8+s30] =	stream.linear.scatter [tilespmem:s31], [sflag:$0xB], $0x2000, $0x38;
	[tilespmem:$0x10000] =	vst v63  }
0x255: {  	_ =	swait.ge [sflag:s19], $0x2000  }
0x256: {  	[sflag:s19] =	ssyncset.done $0x0  }
0x257: {  	[sflag:s19] =	ssyncadd.s32 $0xFFFFE000  }
0x258: {  	_ =	swait.ge [sflag:s20], $0x2000  }
0x259: {  	[sflag:s20] =	ssyncset.done $0x0  }
0x25a: {  	s7 =	simm.s32 $0x0;
	[sflag:s20] =	ssyncadd.s32 $0xFFFFE000  }
0x25b: {  	v0 =	vld [tilespmem:s7+$0xE0F0]  }
0x25c: {  	v1 =	vld [tilespmem:s7+$0xE000]  }
0x25d: {  	v2 =	vld [tilespmem:s7+$0xE010]  }
0x25e: {  	v3 =	vld [tilespmem:s7+$0xE020]  }
0x25f: {  	v4 =	vld [tilespmem:s7+$0xE030]  }
0x260: {  	v5 =	vld [tilespmem:s7+$0xE040]  }
0x261: {  	v6 =	vld [tilespmem:s7+$0xE050]  }
0x262: {  	v7 =	vld [tilespmem:s7+$0xE060]  }
0x263: {  	v8 =	vld [tilespmem:s7+$0xE070]  }
0x264: {  	v9 =	vld [tilespmem:s7+$0xE080]  }
0x265: {  	v10 =	vld [tilespmem:s7+$0xE090]  }
0x266: {  	v11 =	vld [tilespmem:s7+$0xE0A0]  }
0x267: {  	v12 =	vld [tilespmem:s7+$0xE0B0]  }
0x268: {  	v13 =	vld [tilespmem:s7+$0xE0C0]  }
0x269: {  	v14 =	vld [tilespmem:s7+$0xE0D0]  }
0x26a: {  	[tilespmem:s7+$0x60F0] =	vst.add.f32.msk $0xffff, v0  }
0x26b: {  	v0 =	vld [tilespmem:s7+$0xE0E0]  }
0x26c: {  	[tilespmem:s7+$0x6000] =	vst.add.f32.msk $0xffff, v1  }
0x26d: {  	[tilespmem:s7+$0x6010] =	vst.add.f32.msk $0xffff, v2  }
0x26e: {  	[tilespmem:s7+$0x6020] =	vst.add.f32.msk $0xffff, v3  }
0x26f: {  	[tilespmem:s7+$0x6030] =	vst.add.f32.msk $0xffff, v4  }
0x270: {  	[tilespmem:s7+$0x6040] =	vst.add.f32.msk $0xffff, v5  }
0x271: {  	[tilespmem:s7+$0x6050] =	vst.add.f32.msk $0xffff, v6  }
0x272: {  	[tilespmem:s7+$0x6060] =	vst.add.f32.msk $0xffff, v7  }
0x273: {  	[tilespmem:s7+$0x6070] =	vst.add.f32.msk $0xffff, v8  }
0x274: {  	[tilespmem:s7+$0x6080] =	vst.add.f32.msk $0xffff, v9  }
0x275: {  	[tilespmem:s7+$0x6090] =	vst.add.f32.msk $0xffff, v10  }
0x276: {  	[tilespmem:s7+$0x60A0] =	vst.add.f32.msk $0xffff, v11  }
0x277: {  	[tilespmem:s7+$0x60B0] =	vst.add.f32.msk $0xffff, v12  }
0x278: {  	[tilespmem:s7+$0x60C0] =	vst.add.f32.msk $0xffff, v13  }
0x279: {  	s14 =	simm.s32 $0x400;
	s8 =	simm.s32 $0x0;
	[tilespmem:s7+$0x60D0] =	vst.add.f32.msk $0xffff, v14  }
.LBB2_18:
0x27a: {  	s8 =	sadd.s32 $0x10, s8;
	[tilespmem:s7+$0x60E0] =	vst.add.f32.msk $0xffff, v0;
	s7 =	sshra.s32 s14, $0x2  }
0x27b: {  	v0 =	vld [tilespmem:s7+$0xE0F0];
	p0 =	slt.u32 s8, $0x1F0  }
0x27c: {  	v1 =	vld [tilespmem:s7+$0xE000]  }
0x27d: {  	v2 =	vld [tilespmem:s7+$0xE010]  }
0x27e: {  	v3 =	vld [tilespmem:s7+$0xE020]  }
0x27f: {  	v4 =	vld [tilespmem:s7+$0xE030]  }
0x280: {  	[tilespmem:s7+$0x60F0] =	vst.add.f32.msk $0xffff, v0  }
0x281: {  	v5 =	vld [tilespmem:s7+$0xE040]  }
0x282: {  	v6 =	vld [tilespmem:s7+$0xE050]  }
0x283: {  	v7 =	vld [tilespmem:s7+$0xE060]  }
0x284: {  	v8 =	vld [tilespmem:s7+$0xE070]  }
0x285: {  	v9 =	vld [tilespmem:s7+$0xE080]  }
0x286: {  	v10 =	vld [tilespmem:s7+$0xE090]  }
0x287: {  	v11 =	vld [tilespmem:s7+$0xE0A0]  }
0x288: {  	v12 =	vld [tilespmem:s7+$0xE0B0]  }
0x289: {  	v13 =	vld [tilespmem:s7+$0xE0C0]  }
0x28a: {  	v14 =	vld [tilespmem:s7+$0xE0D0]  }
0x28b: {  	v0 =	vld [tilespmem:s7+$0xE0E0]  }
0x28c: {  	[tilespmem:s7+$0x6000] =	vst.add.f32.msk $0xffff, v1  }
0x28d: {  	[tilespmem:s7+$0x6010] =	vst.add.f32.msk $0xffff, v2  }
0x28e: {  	[tilespmem:s7+$0x6020] =	vst.add.f32.msk $0xffff, v3  }
0x28f: {  	[tilespmem:s7+$0x6030] =	vst.add.f32.msk $0xffff, v4  }
0x290: {  	[tilespmem:s7+$0x6040] =	vst.add.f32.msk $0xffff, v5  }
0x291: {  	[tilespmem:s7+$0x6050] =	vst.add.f32.msk $0xffff, v6  }
0x292: {  	[tilespmem:s7+$0x6060] =	vst.add.f32.msk $0xffff, v7  }
0x293: {  	[tilespmem:s7+$0x6070] =	vst.add.f32.msk $0xffff, v8  }
0x294: {  	[tilespmem:s7+$0x6080] =	vst.add.f32.msk $0xffff, v9  }
.Ltmp8:
0x295: {  	[tilespmem:s7+$0x6090] =	vst.add.f32.msk $0xffff, v10;
	(pc) =	sbr.rel @p0 .LBB2_18-.Ltmp8, $4  }
0x296: {  	[tilespmem:s7+$0x60A0] =	vst.add.f32.msk $0xffff, v11  }
0x297: {  	[tilespmem:s7+$0x60B0] =	vst.add.f32.msk $0xffff, v12  }
0x298: {  	[tilespmem:s7+$0x60C0] =	vst.add.f32.msk $0xffff, v13  }
0x299: {  	s14 =	sadd.s32 $0x400, s14;
	[tilespmem:s7+$0x60D0] =	vst.add.f32.msk $0xffff, v14  }
0x29a: {  	[tilespmem:s7+$0x60E0] =	vst.add.f32.msk $0xffff, v0;
	s29 =	rddreg [dreg:$0x11]  }
0x29b: {  	[hbm4b:s29+s5] =	stream.linear.scatter [tilespmem:s10], [sflag:$0xC], $0x2000, $0x38;
	[tilespmem:$0x10000] =	vst v63  }
0x29c: {  	_ =	swait.ge [sflag:s13], $0x2000  }
0x29d: {  	[sflag:s13] =	ssyncset.done $0x0  }
0x29e: {  	[sflag:s13] =	ssyncadd.s32 $0xFFFFE000  }
0x29f: {  	_ =	swait.ge [sflag:s18], $0x2000  }
0x2a0: {  	[sflag:s18] =	ssyncset.done $0x0  }
0x2a1: {  	[sflag:s18] =	ssyncadd.s32 $0xFFFFE000  }
0x2a2: {  	_ =	swait.ge [sflag:s15], $0x2000  }
0x2a3: {  	[sflag:s15] =	ssyncset.done $0x0  }
0x2a4: {  	[sflag:s15] =	ssyncadd.s32 $0xFFFFE000  }
0x2a5: {  	_ =	swait.ge [sflag:s21], $0x2000  }
0x2a6: {  	s8 =	rddreg [dreg:$0x13]  }
0x2a7: {  	s30 =	rddreg [dreg:$0x12];
	s8 =	sadd.s32 $0x1, s8  }
0x2a8: {  	p0 =	sne.s32 s8, s30  }
.Ltmp9:
0x2a9: {  	_ = 	snop;
	(pc) =	sbr.rel @p0 .LBB2_1-.Ltmp9, $3  }
0x2aa: {  	_ =	sdelay $0x1  }
0x2ab: {  	[sflag:s21] =	ssyncset.done $0x0  }
0x2ac: {  	[sflag:s21] =	ssyncadd.s32 $0xFFFFE000  }
0x2ad: {  	_ =	sfence.sel $0x180000  }
0x2ae: {  	[bflag:$0x0] =	sbarrier.arrive $0xFFFF  }
0x2af: {  	_ =	strace $0x90000047  }
0x2b0: {  	s0 =	stileid.u32;
	[bflag:$0x2] =	sbarrier.arrive $0xFFFF  }
0x2b1: {  	p0 =	sne.s32 s0, $0x0;
	s0 =	rddreg [dreg:$0x3]  }
0x2b2: {  	s0 =	sadd.s32 @!p0 $0x100000, s0  }
0x2b3: {  	[sflag:s0] =	ssyncadd.tile.s32 @!p0 $0x1;
	_ =	shalt  }
.Lfunc_end2:
_tile_overlayer_lowered:
.L_overlay_start_2:
0x2b4: {  	(tag) =	ssettag $0x2  }
0x2b5: {  	s0 =	rddreg [dreg:$0x0];
	s2 =	stileid.u32  }
0x2b6: {  	s1 =	rddreg [dreg:$0x1];
	p0 =	sne.s32 s2, $0x0  }
0x2b7: {  	s3 =	rddreg [dreg:$0x2];
	[bflag:$0x3] =	sbarrier.arrive $0xFFFF;
	s2 =	simm.s32 @!p0 $0x1C0D  }
0x2b8: {  	[timem:s3], [sflag:s2] =	dma.local @!p0 [hbm:s0], s1  }
0x2b9: {  	s0 =	simm.s32 @!p0 $0xD  }
0x2ba: {  	_ =	swait.ge @!p0 [sflag:s0], s1  }
0x2bb: {  	s1 =	ssub.s32 @!p0 $0x0, s1;
	[sflag:s0] =	ssyncset.done @!p0 $0x0  }
0x2bc: {  	[sflag:s0] =	ssyncadd.s32 @!p0 s1  }
0x2bd: {  	[bflag:$0x3] =	sbarrier.arrive $0xFFFF  }
0x2be: {  	_ =	shalt  }

</sc_bundles>
